<compile_context>
chip_gen: v7x
topology: tpu7x:2x2x1
jax: 0.10.2.dev20260603
libtpu: 0.0.44.dev20260713+nightly
codegen_flags: <defaults>
</compile_context>

<pallas_src>
import functools

import jax
import jax.numpy as jnp
from jax import lax
from jax.experimental import pallas as pl
from jax.experimental.pallas import tpu as pltpu
import jax.experimental.pallas.tpu_sc as plsc

NC = 2
NS = 16
NW = NC * NS
LANES = 16


def _mesh():
    return plsc.VectorSubcoreMesh(
        core_axis_name="c", subcore_axis_name="s",
        num_cores=NC, num_subcores=NS)


_SC_PARAMS = pltpu.CompilerParams(needs_layout_passes=False)



@functools.cache
def _make_count(n, hw, ng, g):
    ra = (((n + NS - 1) // NS + 7) // 8) * 8
    rb = n - (NS - 1) * ra

    def body(dst_hbm, ones_hbm, zero_hbm, out_hbm, dst_v, ones_v, acc_sh,
             sem):
        c = lax.axis_index("c")
        s = lax.axis_index("s")
        wid = c * NS + s
        pltpu.sync_copy(dst_hbm.at[wid], dst_v)
        pltpu.sync_copy(ones_hbm, ones_v)
        base = s * ra

        @pl.when(s < NS - 1)
        def _():
            pltpu.sync_copy(zero_hbm, acc_sh.at[pl.ds(base, ra)])

        @pl.when(s == NS - 1)
        def _():
            pltpu.sync_copy(zero_hbm.at[pl.ds(0, rb)],
                            acc_sh.at[pl.ds((NS - 1) * ra, rb)])
        plsc.subcore_barrier()

        LAG = 4

        def grp(j, _):
            pltpu.async_copy(ones_v, acc_sh.at[dst_v.at[j]], sem, add=True)

            @pl.when(j >= LAG)
            def _():
                pltpu.make_async_copy(ones_v, acc_sh.at[dst_v.at[j - LAG]],
                                      sem).wait()
            return 0
        lax.fori_loop(0, ng, grp, 0)

        def drain(j, _):
            pltpu.make_async_copy(ones_v, acc_sh.at[dst_v.at[j]], sem).wait()
            return 0
        lax.fori_loop(ng - LAG, ng, drain, 0)

        plsc.subcore_barrier()

        @pl.when(s < NS - 1)
        def _():
            pltpu.sync_copy(acc_sh.at[pl.ds(base, ra)],
                            out_hbm.at[c, pl.ds(base, ra)])

        @pl.when(s == NS - 1)
        def _():
            pltpu.sync_copy(acc_sh.at[pl.ds((NS - 1) * ra, rb)],
                            out_hbm.at[c, pl.ds((NS - 1) * ra, rb)])

    return pl.kernel(
        body,
        out_type=jax.ShapeDtypeStruct((NC, n, hw), jnp.float32),
        mesh=_mesh(),
        compiler_params=_SC_PARAMS,
        scratch_types=[
            pltpu.VMEM((ng, g), jnp.int32),
            pltpu.VMEM((g, hw), jnp.float32),
            pltpu.VMEM_SHARED((n, hw), jnp.float32),
            pltpu.SemaphoreType.DMA,
        ],
    )


@functools.cache
def _make_scatter(n, hw, ng, g):
    ra = (((n + NS - 1) // NS + 7) // 8) * 8
    rb = n - (NS - 1) * ra
    assert rb > 0 and rb % 8 == 0

    epw = ng * g

    def body(y_hbm, src_hbm, dst_hbm, zero_hbm, out_hbm,
             src_v, dst_v, rows_v, acc_sh, sem0, sem1):
        c = lax.axis_index("c")
        s = lax.axis_index("s")
        wid = c * NS + s
        pltpu.sync_copy(src_hbm.at[wid], src_v)
        pltpu.sync_copy(dst_hbm.at[wid], dst_v)
        rows0_v = rows_v.at[0]
        rows1_v = rows_v.at[1]

        base = s * ra

        @pl.when(s < NS - 1)
        def _():
            pltpu.sync_copy(zero_hbm, acc_sh.at[pl.ds(base, ra)])

        @pl.when(s == NS - 1)
        def _():
            pltpu.sync_copy(zero_hbm.at[pl.ds(0, rb)],
                            acc_sh.at[pl.ds((NS - 1) * ra, rb)])
        plsc.subcore_barrier()

        def src_at(j):
            return src_v.at[pl.ds(pl.multiple_of(j * g, 8), g)]

        pltpu.async_copy(y_hbm.at[src_at(0)], rows0_v, sem0)
        pltpu.async_copy(y_hbm.at[src_at(1)], rows1_v, sem1)

        def grp2(j2, _):
            for b, (buf, sem) in enumerate(((rows0_v, sem0),
                                            (rows1_v, sem1))):
                j = j2 * 2 + b
                pltpu.make_async_copy(y_hbm.at[src_at(j)], buf, sem).wait()
                pltpu.sync_copy(buf, acc_sh.at[dst_v.at[j]], add=True)

                @pl.when(j + 2 < ng)
                def _():
                    pltpu.async_copy(y_hbm.at[src_at(j + 2)], buf, sem)
            return 0
        lax.fori_loop(0, ng // 2, grp2, 0)

        if ng % 2:
            pltpu.make_async_copy(y_hbm.at[src_at(ng - 1)], rows0_v,
                                  sem0).wait()
            pltpu.sync_copy(rows0_v, acc_sh.at[dst_v.at[ng - 1]], add=True)

        plsc.subcore_barrier()

        @pl.when(s < NS - 1)
        def _():
            pltpu.sync_copy(acc_sh.at[pl.ds(base, ra)],
                            out_hbm.at[c, pl.ds(base, ra)])

        @pl.when(s == NS - 1)
        def _():
            pltpu.sync_copy(acc_sh.at[pl.ds((NS - 1) * ra, rb)],
                            out_hbm.at[c, pl.ds((NS - 1) * ra, rb)])

    return pl.kernel(
        body,
        out_type=jax.ShapeDtypeStruct((NC, n, hw), jnp.float32),
        mesh=_mesh(),
        compiler_params=_SC_PARAMS,
        scratch_types=[
            pltpu.VMEM((epw,), jnp.int32),
            pltpu.VMEM((ng, g), jnp.int32),
            pltpu.VMEM((2, g, hw), jnp.float32),
            pltpu.VMEM_SHARED((n, hw), jnp.float32),
            pltpu.SemaphoreType.DMA,
            pltpu.SemaphoreType.DMA,
        ],
    )



@functools.cache
def _make_dinv(n):
    def body(deg_ref, out_ref):
        d = deg_ref[0:1, :] + deg_ref[1:2, :] + 1.0
        out_ref[...] = lax.rsqrt(d)

    return pl.pallas_call(
        body, out_shape=jax.ShapeDtypeStruct((1, n), jnp.float32))


@functools.cache
def _make_lin(n, d, h, br):
    def body(x_ref, w_ref, dinv_ref, out_ref):
        xw = jnp.dot(x_ref[...], w_ref[...],
                     preferred_element_type=jnp.float32)
        out_ref[...] = xw * dinv_ref[...]

    return pl.pallas_call(
        body,
        grid=(n // br,),
        in_specs=[
            pl.BlockSpec((br, d), lambda i: (i, 0)),
            pl.BlockSpec((d, h), lambda i: (0, 0)),
            pl.BlockSpec((br, 1), lambda i: (i, 0)),
        ],
        out_specs=pl.BlockSpec((br, h), lambda i: (i, 0)),
        out_shape=jax.ShapeDtypeStruct((n, h), jnp.float32),
    )


@functools.cache
def _make_post(n, hw, br):
    def body(p_ref, y_ref, dinv_ref, b_ref, z_ref, s1_ref, s2_ref):
        i = pl.program_id(0)
        z = dinv_ref[...] * (p_ref[0] + p_ref[1] + y_ref[...]) + b_ref[...]
        z_ref[...] = z

        @pl.when(i == 0)
        def _():
            s1_ref[...] = jnp.zeros_like(s1_ref)
            s2_ref[...] = jnp.zeros_like(s2_ref)
        s1_ref[...] += jnp.sum(z, axis=0, keepdims=True)
        s2_ref[...] += jnp.sum(z * z, axis=0, keepdims=True)

    return pl.pallas_call(
        body,
        grid=(n // br,),
        in_specs=[
            pl.BlockSpec((NC, br, hw), lambda i: (0, i, 0)),
            pl.BlockSpec((br, hw), lambda i: (i, 0)),
            pl.BlockSpec((br, 1), lambda i: (i, 0)),
            pl.BlockSpec((1, hw), lambda i: (0, 0)),
        ],
        out_specs=[
            pl.BlockSpec((br, hw), lambda i: (i, 0)),
            pl.BlockSpec((1, hw), lambda i: (0, 0)),
            pl.BlockSpec((1, hw), lambda i: (0, 0)),
        ],
        out_shape=[
            jax.ShapeDtypeStruct((n, hw), jnp.float32),
            jax.ShapeDtypeStruct((1, hw), jnp.float32),
            jax.ShapeDtypeStruct((1, hw), jnp.float32),
        ],
    )


@functools.cache
def _make_bnmm(n, hw, hout, br):
    inv_n = 1.0 / n

    def body(z_ref, s1_ref, s2_ref, g_ref, be_ref, w_ref, dinv_ref, out_ref):
        m = s1_ref[...] * inv_n
        var = s2_ref[...] * inv_n - m * m
        istd = lax.rsqrt(var + 1e-5)
        h = jnp.maximum((z_ref[...] - m) * (istd * g_ref[...]) + be_ref[...],
                        0.0)
        out_ref[...] = jnp.dot(h, w_ref[...],
                               preferred_element_type=jnp.float32) * dinv_ref[...]

    return pl.pallas_call(
        body,
        grid=(n // br,),
        in_specs=[
            pl.BlockSpec((br, hw), lambda i: (i, 0)),
            pl.BlockSpec((1, hw), lambda i: (0, 0)),
            pl.BlockSpec((1, hw), lambda i: (0, 0)),
            pl.BlockSpec((1, hw), lambda i: (0, 0)),
            pl.BlockSpec((1, hw), lambda i: (0, 0)),
            pl.BlockSpec((hw, hout), lambda i: (0, 0)),
            pl.BlockSpec((br, 1), lambda i: (i, 0)),
        ],
        out_specs=pl.BlockSpec((br, hout), lambda i: (i, 0)),
        out_shape=jax.ShapeDtypeStruct((n, hout), jnp.float32),
    )


@functools.cache
def _make_comb(n, hw, br):
    def body(p_ref, y_ref, dinv_ref, b_ref, out_ref):
        out_ref[...] = (dinv_ref[...] * (p_ref[0] + p_ref[1] + y_ref[...])
                        + b_ref[...])

    return pl.pallas_call(
        body,
        grid=(n // br,),
        in_specs=[
            pl.BlockSpec((NC, br, hw), lambda i: (0, i, 0)),
            pl.BlockSpec((br, hw), lambda i: (i, 0)),
            pl.BlockSpec((br, 1), lambda i: (i, 0)),
            pl.BlockSpec((1, hw), lambda i: (0, 0)),
        ],
        out_specs=pl.BlockSpec((br, hw), lambda i: (i, 0)),
        out_shape=jax.ShapeDtypeStruct((n, hw), jnp.float32),
    )


def kernel(x, edge_index, W1, b1, g1, be1, W2, b2, g2, be2, W3, b3):
    n, d = x.shape
    h = W1.shape[1]
    c_out = W3.shape[1]
    e = edge_index.shape[1]
    epw = e // NW
    g = 80
    ng = epw // g

    src2 = edge_index[0].reshape(NW, epw)
    dst3 = edge_index[1].reshape(NW, ng, g)

    br = 1000
    ra = (((n + NS - 1) // NS + 7) // 8) * 8
    zeros_h = jnp.zeros((ra, h), jnp.float32)
    ones_h = jnp.ones((g, h), jnp.float32)

    cnt = _make_count(n, h, ng, g)(dst3, ones_h, zeros_h)
    deg2 = cnt[:, :, 0]
    dinv_col = _make_dinv(n)(deg2).reshape(n, 1)

    y1 = _make_lin(n, d, h, br)(x, W1, dinv_col)
    p1 = _make_scatter(n, h, ng, g)(y1, src2, dst3, zeros_h)
    z1, s11, s12 = _make_post(n, h, br)(p1, y1, dinv_col, b1.reshape(1, h))
    y2 = _make_bnmm(n, h, h, br)(z1, s11, s12, g1.reshape(1, h),
                                 be1.reshape(1, h), W2, dinv_col)
    p2 = _make_scatter(n, h, ng, g)(y2, src2, dst3, zeros_h)
    z2, s21, s22 = _make_post(n, h, br)(p2, y2, dinv_col, b2.reshape(1, h))

    cp = h
    W3p = jnp.pad(W3, ((0, 0), (0, cp - c_out)))
    b3p = jnp.pad(b3, (0, cp - c_out)).reshape(1, cp)
    y3 = _make_bnmm(n, h, cp, br)(z2, s21, s22, g2.reshape(1, h),
                                  be2.reshape(1, h), W3p, dinv_col)
    zeros_c = jnp.zeros((ra, cp), jnp.float32)
    p3 = _make_scatter(n, cp, ng, g)(y3, src2, dst3, zeros_c)
    out = _make_comb(n, cp, br)(p3, y3, dinv_col, b3p)
    return out[:, :c_out]

# --- scband reference (transcript-rebuilt; emitter-appended) ---
"""Pipeline reference for scband-gcn-9964324127127 (READ-ONLY COPY).

The authoritative reference and input builder live on the scoring server;
editing this copy changes nothing except your own understanding.
"""

import jax, jax.numpy as jnp
import numpy as np

N = 10000
E = 320000
D = 128
H = 128
C = 40


def setup_inputs(seed: int = 0):
    key = jax.random.key(seed)
    ks = jax.random.split(key, 8)
    x = jax.random.normal(ks[0], (N, D), dtype=jnp.float32)
    edge_index = jax.random.randint(ks[1], (2, E), 0, N, dtype=jnp.int32)
    W1 = jax.random.normal(ks[2], (D, H), dtype=jnp.float32) * (1.0 / np.sqrt(D))
    b1 = jnp.zeros((H,), dtype=jnp.float32)
    g1 = jnp.ones((H,), dtype=jnp.float32)
    be1 = jnp.zeros((H,), dtype=jnp.float32)
    W2 = jax.random.normal(ks[3], (H, H), dtype=jnp.float32) * (1.0 / np.sqrt(H))
    b2 = jnp.zeros((H,), dtype=jnp.float32)
    g2 = jnp.ones((H,), dtype=jnp.float32)
    be2 = jnp.zeros((H,), dtype=jnp.float32)
    W3 = jax.random.normal(ks[4], (H, C), dtype=jnp.float32) * (1.0 / np.sqrt(H))
    b3 = jnp.zeros((C,), dtype=jnp.float32)
    return {"x": x, "edge_index": edge_index, "W1": W1, "b1": b1, "g1": g1,
            "be1": be1, "W2": W2, "b2": b2, "g2": g2, "be2": be2,
            "W3": W3, "b3": b3}


def _gcn_conv(x, W, b, src, dst, n):
    # GCNConv: symmetric normalization with self-loops, then linear transform
    xw = x @ W
    loop = jnp.arange(n, dtype=src.dtype)
    s = jnp.concatenate([src, loop])
    d = jnp.concatenate([dst, loop])
    deg = jnp.zeros((n,), dtype=x.dtype).at[d].add(1.0)
    dinv = jnp.where(deg > 0, 1.0 / jnp.sqrt(deg), 0.0)
    norm = dinv[s] * dinv[d]
    msg = xw[s] * norm[:, None]
    out = jax.ops.segment_sum(msg, d, num_segments=n)
    return out + b


def _bn(x, g, b, eps=1e-5):
    m = x.mean(axis=0)
    v = x.var(axis=0)
    return (x - m) / jnp.sqrt(v + eps) * g + b


def reference(x, edge_index, W1, b1, g1, be1, W2, b2, g2, be2, W3, b3):
    src, dst = edge_index[0], edge_index[1]
    n = x.shape[0]
    h = _gcn_conv(x, W1, b1, src, dst, n)
    h = jax.nn.relu(_bn(h, g1, be1))
    # dropout is identity in eval mode
    h = _gcn_conv(h, W2, b2, src, dst, n)
    h = jax.nn.relu(_bn(h, g2, be2))
    out = _gcn_conv(h, W3, b3, src, dst, n)
    return out

if __name__ == "__main__":
    import jax
    _d = setup_inputs()
    print(jax.jit(kernel)(*tuple(_d.values())))

</pallas_src>

<mosaic_0001>
#map = affine_map<(d0, d1) -> (0, 0, 0)>
#map1 = affine_map<(d0, d1) -> (0, 0)>
module attributes {stable_mosaic.version = 14 : i64} {
  func.func @body(%arg0: i32, %arg1: i32, %arg2: memref<32x125x80xi32, #tpu.memory_space<hbm>>, %arg3: memref<80x128xf32, #tpu.memory_space<hbm>>, %arg4: memref<632x128xf32, #tpu.memory_space<hbm>>, %arg5: memref<2x10000x128xf32, #tpu.memory_space<hbm>>, %arg6: memref<125x80xi32, #tpu.memory_space<vmem>>, %arg7: memref<80x128xf32, #tpu.memory_space<vmem>>, %arg8: memref<10000x128xf32, #tpu.memory_space<vmem_shared>>, %arg9: memref<!tpu.dma_semaphore, #tpu.memory_space<semaphore_mem>>) attributes {dimension_semantics = [#tpu.dimension_semantics<core_parallel>, #tpu.dimension_semantics<subcore_parallel>], iteration_bounds = array<i64: 2, 16>, scalar_prefetch = 0 : i64, scratch_operands = 4 : i64, tpu.core_type = #tpu.core_type<sc_vector_subcore>, window_params = [{transform_indices = #map}, {transform_indices = #map1}, {transform_indices = #map1}, {transform_indices = #map}]} {
    %mul3A = arith.constant 16 : i32
    %mul3A_0 = arith.muli %arg0, %mul3A : i32
    %add3A = arith.addi %mul3A_0, %arg1 : i32
    "tpu.region"() ({
      %run_scoped3A = tpu.sem_alloc : memref<!tpu.dma_semaphore, #tpu.memory_space<semaphore_mem>>
      %dma_start3A = arith.constant 0 : i32
      %dma_start3A_33 = arith.constant 0 : i32
      %dma_start3A_34 = tpu.memref_slice %arg2[%add3A, %dma_start3A, %dma_start3A_33] : memref<32x125x80xi32, #tpu.memory_space<hbm>> -> memref<1x125x80xi32, #tpu.memory_space<hbm>>
      %dma_start3A_35 = tpu.memref_squeeze %dma_start3A_34 : memref<1x125x80xi32, #tpu.memory_space<hbm>> -> memref<125x80xi32, #tpu.memory_space<hbm>>
      %dma_start3A_36 = arith.constant 0 : i32
      %dma_start3A_37 = arith.constant 0 : i32
      %dma_start3A_38 = tpu.memref_slice %arg2[%add3A, %dma_start3A_36, %dma_start3A_37] : memref<32x125x80xi32, #tpu.memory_space<hbm>> -> memref<1x125x80xi32, #tpu.memory_space<hbm>>
      %dma_start3A_39 = tpu.memref_squeeze %dma_start3A_38 : memref<1x125x80xi32, #tpu.memory_space<hbm>> -> memref<125x80xi32, #tpu.memory_space<hbm>>
      tpu.enqueue_dma source(%dma_start3A_39 : memref<125x80xi32, #tpu.memory_space<hbm>>) target(%arg6 : memref<125x80xi32, #tpu.memory_space<vmem>>) target_semaphore(%run_scoped3A : memref<!tpu.dma_semaphore, #tpu.memory_space<semaphore_mem>>)
      %dma_wait3A = arith.constant 0 : i32
      %dma_wait3A_40 = arith.constant 0 : i32
      %dma_wait3A_41 = tpu.memref_slice %arg2[%add3A, %dma_wait3A, %dma_wait3A_40] : memref<32x125x80xi32, #tpu.memory_space<hbm>> -> memref<1x125x80xi32, #tpu.memory_space<hbm>>
      %dma_wait3A_42 = tpu.memref_squeeze %dma_wait3A_41 : memref<1x125x80xi32, #tpu.memory_space<hbm>> -> memref<125x80xi32, #tpu.memory_space<hbm>>
      %dma_wait3A_43 = arith.constant 0 : i32
      %dma_wait3A_44 = arith.constant 0 : i32
      %dma_wait3A_45 = tpu.memref_slice %arg2[%add3A, %dma_wait3A_43, %dma_wait3A_44] : memref<32x125x80xi32, #tpu.memory_space<hbm>> -> memref<1x125x80xi32, #tpu.memory_space<hbm>>
      %dma_wait3A_46 = tpu.memref_squeeze %dma_wait3A_45 : memref<1x125x80xi32, #tpu.memory_space<hbm>> -> memref<125x80xi32, #tpu.memory_space<hbm>>
      tpu.wait_dma2 semaphore(%run_scoped3A : memref<!tpu.dma_semaphore, #tpu.memory_space<semaphore_mem>>) src(%dma_wait3A_46 : memref<125x80xi32, #tpu.memory_space<hbm>>) dst(%arg6 : memref<125x80xi32, #tpu.memory_space<vmem>>)
      tpu.yield
    }) : () -> ()
    "tpu.region"() ({
      %run_scoped3A = tpu.sem_alloc : memref<!tpu.dma_semaphore, #tpu.memory_space<semaphore_mem>>
      tpu.enqueue_dma source(%arg3 : memref<80x128xf32, #tpu.memory_space<hbm>>) target(%arg7 : memref<80x128xf32, #tpu.memory_space<vmem>>) target_semaphore(%run_scoped3A : memref<!tpu.dma_semaphore, #tpu.memory_space<semaphore_mem>>)
      tpu.wait_dma2 semaphore(%run_scoped3A : memref<!tpu.dma_semaphore, #tpu.memory_space<semaphore_mem>>) src(%arg3 : memref<80x128xf32, #tpu.memory_space<hbm>>) dst(%arg7 : memref<80x128xf32, #tpu.memory_space<vmem>>)
      tpu.yield
    }) : () -> ()
    %mul3A_1 = arith.constant 632 : i32
    %mul3A_2 = arith.muli %arg1, %mul3A_1 : i32
    %lt3A = arith.constant 15 : i32
    %lt3A_3 = arith.cmpi slt, %arg1, %lt3A : i32
    %convert_element_type3A = arith.extui %lt3A_3 : i1 to i32
    %cond3A = arith.constant 0 : i32
    %cond3A_4 = arith.cmpi ne, %convert_element_type3A, %cond3A : i32
    scf.if %cond3A_4 {
      "tpu.region"() ({
        %run_scoped3A = tpu.sem_alloc : memref<!tpu.dma_semaphore, #tpu.memory_space<semaphore_mem>>
        %dma_start3A = arith.constant 0 : i32
        %dma_start3A_33 = tpu.memref_slice %arg8[%mul3A_2, %dma_start3A] : memref<10000x128xf32, #tpu.memory_space<vmem_shared>> -> memref<632x128xf32, #tpu.memory_space<vmem_shared>>
        tpu.enqueue_dma source(%arg4 : memref<632x128xf32, #tpu.memory_space<hbm>>) target(%dma_start3A_33 : memref<632x128xf32, #tpu.memory_space<vmem_shared>>) target_semaphore(%run_scoped3A : memref<!tpu.dma_semaphore, #tpu.memory_space<semaphore_mem>>)
        %dma_wait3A = arith.constant 0 : i32
        %dma_wait3A_34 = tpu.memref_slice %arg8[%mul3A_2, %dma_wait3A] : memref<10000x128xf32, #tpu.memory_space<vmem_shared>> -> memref<632x128xf32, #tpu.memory_space<vmem_shared>>
        tpu.wait_dma2 semaphore(%run_scoped3A : memref<!tpu.dma_semaphore, #tpu.memory_space<semaphore_mem>>) src(%arg4 : memref<632x128xf32, #tpu.memory_space<hbm>>) dst(%dma_wait3A_34 : memref<632x128xf32, #tpu.memory_space<vmem_shared>>)
        tpu.yield
      }) : () -> ()
    } else {
    }
    %eq3A = arith.constant 15 : i32
    %eq3A_5 = arith.cmpi eq, %arg1, %eq3A : i32
    %convert_element_type3A_6 = arith.extui %eq3A_5 : i1 to i32
    %cond3A_7 = arith.constant 0 : i32
    %cond3A_8 = arith.cmpi ne, %convert_element_type3A_6, %cond3A_7 : i32
    scf.if %cond3A_8 {
      "tpu.region"() ({
        %run_scoped3A = tpu.sem_alloc : memref<!tpu.dma_semaphore, #tpu.memory_space<semaphore_mem>>
        %dma_start3A = arith.constant 9480 : i32
        %dma_start3A_33 = arith.constant 0 : i32
        %dma_start3A_34 = tpu.memref_slice %arg8[%dma_start3A, %dma_start3A_33] : memref<10000x128xf32, #tpu.memory_space<vmem_shared>> -> memref<520x128xf32, #tpu.memory_space<vmem_shared>>
        %dma_start3A_35 = arith.constant 0 : i32
        %dma_start3A_36 = arith.constant 0 : i32
        %dma_start3A_37 = tpu.memref_slice %arg4[%dma_start3A_35, %dma_start3A_36] : memref<632x128xf32, #tpu.memory_space<hbm>> -> memref<520x128xf32, #tpu.memory_space<hbm>>
        tpu.enqueue_dma source(%dma_start3A_37 : memref<520x128xf32, #tpu.memory_space<hbm>>) target(%dma_start3A_34 : memref<520x128xf32, #tpu.memory_space<vmem_shared>>) target_semaphore(%run_scoped3A : memref<!tpu.dma_semaphore, #tpu.memory_space<semaphore_mem>>)
        %dma_wait3A = arith.constant 9480 : i32
        %dma_wait3A_38 = arith.constant 0 : i32
        %dma_wait3A_39 = tpu.memref_slice %arg8[%dma_wait3A, %dma_wait3A_38] : memref<10000x128xf32, #tpu.memory_space<vmem_shared>> -> memref<520x128xf32, #tpu.memory_space<vmem_shared>>
        %dma_wait3A_40 = arith.constant 0 : i32
        %dma_wait3A_41 = arith.constant 0 : i32
        %dma_wait3A_42 = tpu.memref_slice %arg4[%dma_wait3A_40, %dma_wait3A_41] : memref<632x128xf32, #tpu.memory_space<hbm>> -> memref<520x128xf32, #tpu.memory_space<hbm>>
        tpu.wait_dma2 semaphore(%run_scoped3A : memref<!tpu.dma_semaphore, #tpu.memory_space<semaphore_mem>>) src(%dma_wait3A_42 : memref<520x128xf32, #tpu.memory_space<hbm>>) dst(%dma_wait3A_39 : memref<520x128xf32, #tpu.memory_space<vmem_shared>>)
        tpu.yield
      }) : () -> ()
    } else {
    }
    %barrier3A = arith.constant 0 : index
    tpu.barrier barrier_id(%barrier3A)
    %scan3A = arith.constant 0 : i32
    %scan3A_9 = arith.constant 0 : i32
    %scan3A_10 = arith.constant 125 : i32
    %scan3A_11 = arith.addi %scan3A_9, %scan3A_10 : i32
    %scan3A_12 = arith.constant 1 : i32
    %scan3A_13 = scf.for %scan3A_33 = %scan3A_9 to %scan3A_11 step %scan3A_12 iter_args(%scan3A_34 = %scan3A) -> (i32)  : i32 {
      %dma_start3A = arith.constant 0 : i32
      %dma_start3A_35 = tpu.memref_slice %arg6[%scan3A_33, %dma_start3A] : memref<125x80xi32, #tpu.memory_space<vmem>> -> memref<1x80xi32, #tpu.memory_space<vmem>>
      %dma_start3A_36 = tpu.memref_squeeze %dma_start3A_35 : memref<1x80xi32, #tpu.memory_space<vmem>> -> memref<80xi32, #tpu.memory_space<vmem>>
      %dma_start3A_37 = arith.constant 0 : i32
      %dma_start3A_38 = arith.constant 0 : i32
      %dma_start3A_39 = tpu.memref_slice %arg8[%dma_start3A_37, %dma_start3A_38] : memref<10000x128xf32, #tpu.memory_space<vmem_shared>> -> memref<10000x128xf32, #tpu.memory_space<vmem_shared>>
      tpu.enqueue_indirect_dma source(%arg7 : memref<80x128xf32, #tpu.memory_space<vmem>>) target(%dma_start3A_39 : memref<10000x128xf32, #tpu.memory_space<vmem_shared>>) offsets(%dma_start3A_36 : memref<80xi32, #tpu.memory_space<vmem>>) semaphore(%arg9 : memref<!tpu.dma_semaphore, #tpu.memory_space<semaphore_mem>>) {add = true}
      %ge3A = arith.constant 4 : i32
      %ge3A_40 = arith.cmpi sge, %scan3A_33, %ge3A : i32
      %convert_element_type3A_41 = arith.extui %ge3A_40 : i1 to i32
      %cond3A_42 = arith.constant 0 : i32
      %cond3A_43 = arith.cmpi ne, %convert_element_type3A_41, %cond3A_42 : i32
      scf.if %cond3A_43 {
        %sub3A = arith.constant 4 : i32
        %sub3A_45 = arith.subi %scan3A_33, %sub3A : i32
        %dma_wait3A = arith.constant 0 : i32
        %dma_wait3A_46 = tpu.memref_slice %arg6[%sub3A_45, %dma_wait3A] : memref<125x80xi32, #tpu.memory_space<vmem>> -> memref<1x80xi32, #tpu.memory_space<vmem>>
        %dma_wait3A_47 = tpu.memref_squeeze %dma_wait3A_46 : memref<1x80xi32, #tpu.memory_space<vmem>> -> memref<80xi32, #tpu.memory_space<vmem>>
        %dma_wait3A_48 = arith.constant 0 : i32
        %dma_wait3A_49 = arith.constant 0 : i32
        %dma_wait3A_50 = tpu.memref_slice %arg8[%dma_wait3A_48, %dma_wait3A_49] : memref<10000x128xf32, #tpu.memory_space<vmem_shared>> -> memref<10000x128xf32, #tpu.memory_space<vmem_shared>>
        tpu.wait_indirect_dma semaphore(%arg9 : memref<!tpu.dma_semaphore, #tpu.memory_space<semaphore_mem>>) src(%arg7 : memref<80x128xf32, #tpu.memory_space<vmem>>) dst(%dma_wait3A_50 : memref<10000x128xf32, #tpu.memory_space<vmem_shared>>)
      } else {
      }
      %scan3A_44 = arith.constant 0 : i32
      scf.yield %scan3A_44 : i32
    }
    %scan3A_14 = arith.constant 125 : i32
    %scan3A_15 = arith.constant 0 : i32
    %scan3A_16 = arith.constant 121 : i32
    %scan3A_17 = arith.constant 4 : i32
    %scan3A_18 = arith.addi %scan3A_16, %scan3A_17 : i32
    %scan3A_19 = arith.constant 1 : i32
    %scan3A_20 = scf.for %scan3A_33 = %scan3A_16 to %scan3A_18 step %scan3A_19 iter_args(%scan3A_34 = %scan3A_15) -> (i32)  : i32 {
      %dma_wait3A = arith.constant 0 : i32
      %dma_wait3A_35 = tpu.memref_slice %arg6[%scan3A_33, %dma_wait3A] : memref<125x80xi32, #tpu.memory_space<vmem>> -> memref<1x80xi32, #tpu.memory_space<vmem>>
      %dma_wait3A_36 = tpu.memref_squeeze %dma_wait3A_35 : memref<1x80xi32, #tpu.memory_space<vmem>> -> memref<80xi32, #tpu.memory_space<vmem>>
      %dma_wait3A_37 = arith.constant 0 : i32
      %dma_wait3A_38 = arith.constant 0 : i32
      %dma_wait3A_39 = tpu.memref_slice %arg8[%dma_wait3A_37, %dma_wait3A_38] : memref<10000x128xf32, #tpu.memory_space<vmem_shared>> -> memref<10000x128xf32, #tpu.memory_space<vmem_shared>>
      tpu.wait_indirect_dma semaphore(%arg9 : memref<!tpu.dma_semaphore, #tpu.memory_space<semaphore_mem>>) src(%arg7 : memref<80x128xf32, #tpu.memory_space<vmem>>) dst(%dma_wait3A_39 : memref<10000x128xf32, #tpu.memory_space<vmem_shared>>)
      %scan3A_40 = arith.constant 0 : i32
      scf.yield %scan3A_40 : i32
    }
    %scan3A_21 = arith.constant 4 : i32
    %barrier3A_22 = arith.constant 0 : index
    tpu.barrier barrier_id(%barrier3A_22)
    %lt3A_23 = arith.constant 15 : i32
    %lt3A_24 = arith.cmpi slt, %arg1, %lt3A_23 : i32
    %convert_element_type3A_25 = arith.extui %lt3A_24 : i1 to i32
    %cond3A_26 = arith.constant 0 : i32
    %cond3A_27 = arith.cmpi ne, %convert_element_type3A_25, %cond3A_26 : i32
    scf.if %cond3A_27 {
      "tpu.region"() ({
        %run_scoped3A = tpu.sem_alloc : memref<!tpu.dma_semaphore, #tpu.memory_space<semaphore_mem>>
        %dma_start3A = arith.constant 0 : i32
        %dma_start3A_33 = tpu.memref_slice %arg5[%arg0, %mul3A_2, %dma_start3A] : memref<2x10000x128xf32, #tpu.memory_space<hbm>> -> memref<1x632x128xf32, #tpu.memory_space<hbm>>
        %dma_start3A_34 = tpu.memref_squeeze %dma_start3A_33 : memref<1x632x128xf32, #tpu.memory_space<hbm>> -> memref<632x128xf32, #tpu.memory_space<hbm>>
        %dma_start3A_35 = arith.constant 0 : i32
        %dma_start3A_36 = tpu.memref_slice %arg8[%mul3A_2, %dma_start3A_35] : memref<10000x128xf32, #tpu.memory_space<vmem_shared>> -> memref<632x128xf32, #tpu.memory_space<vmem_shared>>
        tpu.enqueue_dma source(%dma_start3A_36 : memref<632x128xf32, #tpu.memory_space<vmem_shared>>) target(%dma_start3A_34 : memref<632x128xf32, #tpu.memory_space<hbm>>) target_semaphore(%run_scoped3A : memref<!tpu.dma_semaphore, #tpu.memory_space<semaphore_mem>>)
        %dma_wait3A = arith.constant 0 : i32
        %dma_wait3A_37 = tpu.memref_slice %arg5[%arg0, %mul3A_2, %dma_wait3A] : memref<2x10000x128xf32, #tpu.memory_space<hbm>> -> memref<1x632x128xf32, #tpu.memory_space<hbm>>
        %dma_wait3A_38 = tpu.memref_squeeze %dma_wait3A_37 : memref<1x632x128xf32, #tpu.memory_space<hbm>> -> memref<632x128xf32, #tpu.memory_space<hbm>>
        %dma_wait3A_39 = arith.constant 0 : i32
        %dma_wait3A_40 = tpu.memref_slice %arg8[%mul3A_2, %dma_wait3A_39] : memref<10000x128xf32, #tpu.memory_space<vmem_shared>> -> memref<632x128xf32, #tpu.memory_space<vmem_shared>>
        tpu.wait_dma2 semaphore(%run_scoped3A : memref<!tpu.dma_semaphore, #tpu.memory_space<semaphore_mem>>) src(%dma_wait3A_40 : memref<632x128xf32, #tpu.memory_space<vmem_shared>>) dst(%dma_wait3A_38 : memref<632x128xf32, #tpu.memory_space<hbm>>)
        tpu.yield
      }) : () -> ()
    } else {
    }
    %eq3A_28 = arith.constant 15 : i32
    %eq3A_29 = arith.cmpi eq, %arg1, %eq3A_28 : i32
    %convert_element_type3A_30 = arith.extui %eq3A_29 : i1 to i32
    %cond3A_31 = arith.constant 0 : i32
    %cond3A_32 = arith.cmpi ne, %convert_element_type3A_30, %cond3A_31 : i32
    scf.if %cond3A_32 {
      "tpu.region"() ({
        %run_scoped3A = tpu.sem_alloc : memref<!tpu.dma_semaphore, #tpu.memory_space<semaphore_mem>>
        %dma_start3A = arith.constant 9480 : i32
        %dma_start3A_33 = arith.constant 0 : i32
        %dma_start3A_34 = tpu.memref_slice %arg5[%arg0, %dma_start3A, %dma_start3A_33] : memref<2x10000x128xf32, #tpu.memory_space<hbm>> -> memref<1x520x128xf32, #tpu.memory_space<hbm>>
        %dma_start3A_35 = tpu.memref_squeeze %dma_start3A_34 : memref<1x520x128xf32, #tpu.memory_space<hbm>> -> memref<520x128xf32, #tpu.memory_space<hbm>>
        %dma_start3A_36 = arith.constant 9480 : i32
        %dma_start3A_37 = arith.constant 0 : i32
        %dma_start3A_38 = tpu.memref_slice %arg8[%dma_start3A_36, %dma_start3A_37] : memref<10000x128xf32, #tpu.memory_space<vmem_shared>> -> memref<520x128xf32, #tpu.memory_space<vmem_shared>>
        tpu.enqueue_dma source(%dma_start3A_38 : memref<520x128xf32, #tpu.memory_space<vmem_shared>>) target(%dma_start3A_35 : memref<520x128xf32, #tpu.memory_space<hbm>>) target_semaphore(%run_scoped3A : memref<!tpu.dma_semaphore, #tpu.memory_space<semaphore_mem>>)
        %dma_wait3A = arith.constant 9480 : i32
        %dma_wait3A_39 = arith.constant 0 : i32
        %dma_wait3A_40 = tpu.memref_slice %arg5[%arg0, %dma_wait3A, %dma_wait3A_39] : memref<2x10000x128xf32, #tpu.memory_space<hbm>> -> memref<1x520x128xf32, #tpu.memory_space<hbm>>
        %dma_wait3A_41 = tpu.memref_squeeze %dma_wait3A_40 : memref<1x520x128xf32, #tpu.memory_space<hbm>> -> memref<520x128xf32, #tpu.memory_space<hbm>>
        %dma_wait3A_42 = arith.constant 9480 : i32
        %dma_wait3A_43 = arith.constant 0 : i32
        %dma_wait3A_44 = tpu.memref_slice %arg8[%dma_wait3A_42, %dma_wait3A_43] : memref<10000x128xf32, #tpu.memory_space<vmem_shared>> -> memref<520x128xf32, #tpu.memory_space<vmem_shared>>
        tpu.wait_dma2 semaphore(%run_scoped3A : memref<!tpu.dma_semaphore, #tpu.memory_space<semaphore_mem>>) src(%dma_wait3A_44 : memref<520x128xf32, #tpu.memory_space<vmem_shared>>) dst(%dma_wait3A_41 : memref<520x128xf32, #tpu.memory_space<hbm>>)
        tpu.yield
      }) : () -> ()
    } else {
    }
    return
  }
}

#map = affine_map<(d0, d1) -> (0, 0)>
#map1 = affine_map<(d0, d1) -> (0, 0, 0)>
module attributes {stable_mosaic.version = 14 : i64} {
  func.func @body(%arg0: i32, %arg1: i32, %arg2: memref<10000x128xf32, #tpu.memory_space<hbm>>, %arg3: memref<32x10000xi32, #tpu.memory_space<hbm>>, %arg4: memref<32x125x80xi32, #tpu.memory_space<hbm>>, %arg5: memref<632x128xf32, #tpu.memory_space<hbm>>, %arg6: memref<2x10000x128xf32, #tpu.memory_space<hbm>>, %arg7: memref<10000xi32, #tpu.memory_space<vmem>>, %arg8: memref<125x80xi32, #tpu.memory_space<vmem>>, %arg9: memref<2x80x128xf32, #tpu.memory_space<vmem>>, %arg10: memref<10000x128xf32, #tpu.memory_space<vmem_shared>>, %arg11: memref<!tpu.dma_semaphore, #tpu.memory_space<semaphore_mem>>, %arg12: memref<!tpu.dma_semaphore, #tpu.memory_space<semaphore_mem>>) attributes {dimension_semantics = [#tpu.dimension_semantics<core_parallel>, #tpu.dimension_semantics<subcore_parallel>], iteration_bounds = array<i64: 2, 16>, scalar_prefetch = 0 : i64, scratch_operands = 6 : i64, tpu.core_type = #tpu.core_type<sc_vector_subcore>, window_params = [{transform_indices = #map}, {transform_indices = #map}, {transform_indices = #map1}, {transform_indices = #map}, {transform_indices = #map1}]} {
    %mul3A = arith.constant 16 : i32
    %mul3A_0 = arith.muli %arg0, %mul3A : i32
    %add3A = arith.addi %mul3A_0, %arg1 : i32
    "tpu.region"() ({
      %run_scoped3A_59 = tpu.sem_alloc : memref<!tpu.dma_semaphore, #tpu.memory_space<semaphore_mem>>
      %dma_start3A_60 = arith.constant 0 : i32
      %dma_start3A_61 = tpu.memref_slice %arg3[%add3A, %dma_start3A_60] : memref<32x10000xi32, #tpu.memory_space<hbm>> -> memref<1x10000xi32, #tpu.memory_space<hbm>>
      %dma_start3A_62 = tpu.memref_squeeze %dma_start3A_61 : memref<1x10000xi32, #tpu.memory_space<hbm>> -> memref<10000xi32, #tpu.memory_space<hbm>>
      %dma_start3A_63 = arith.constant 0 : i32
      %dma_start3A_64 = tpu.memref_slice %arg3[%add3A, %dma_start3A_63] : memref<32x10000xi32, #tpu.memory_space<hbm>> -> memref<1x10000xi32, #tpu.memory_space<hbm>>
      %dma_start3A_65 = tpu.memref_squeeze %dma_start3A_64 : memref<1x10000xi32, #tpu.memory_space<hbm>> -> memref<10000xi32, #tpu.memory_space<hbm>>
      tpu.enqueue_dma source(%dma_start3A_65 : memref<10000xi32, #tpu.memory_space<hbm>>) target(%arg7 : memref<10000xi32, #tpu.memory_space<vmem>>) target_semaphore(%run_scoped3A_59 : memref<!tpu.dma_semaphore, #tpu.memory_space<semaphore_mem>>)
      %dma_wait3A_66 = arith.constant 0 : i32
      %dma_wait3A_67 = tpu.memref_slice %arg3[%add3A, %dma_wait3A_66] : memref<32x10000xi32, #tpu.memory_space<hbm>> -> memref<1x10000xi32, #tpu.memory_space<hbm>>
      %dma_wait3A_68 = tpu.memref_squeeze %dma_wait3A_67 : memref<1x10000xi32, #tpu.memory_space<hbm>> -> memref<10000xi32, #tpu.memory_space<hbm>>
      %dma_wait3A_69 = arith.constant 0 : i32
      %dma_wait3A_70 = tpu.memref_slice %arg3[%add3A, %dma_wait3A_69] : memref<32x10000xi32, #tpu.memory_space<hbm>> -> memref<1x10000xi32, #tpu.memory_space<hbm>>
      %dma_wait3A_71 = tpu.memref_squeeze %dma_wait3A_70 : memref<1x10000xi32, #tpu.memory_space<hbm>> -> memref<10000xi32, #tpu.memory_space<hbm>>
      tpu.wait_dma2 semaphore(%run_scoped3A_59 : memref<!tpu.dma_semaphore, #tpu.memory_space<semaphore_mem>>) src(%dma_wait3A_71 : memref<10000xi32, #tpu.memory_space<hbm>>) dst(%arg7 : memref<10000xi32, #tpu.memory_space<vmem>>)
      tpu.yield
    }) : () -> ()
    "tpu.region"() ({
      %run_scoped3A_59 = tpu.sem_alloc : memref<!tpu.dma_semaphore, #tpu.memory_space<semaphore_mem>>
      %dma_start3A_60 = arith.constant 0 : i32
      %dma_start3A_61 = arith.constant 0 : i32
      %dma_start3A_62 = tpu.memref_slice %arg4[%add3A, %dma_start3A_60, %dma_start3A_61] : memref<32x125x80xi32, #tpu.memory_space<hbm>> -> memref<1x125x80xi32, #tpu.memory_space<hbm>>
      %dma_start3A_63 = tpu.memref_squeeze %dma_start3A_62 : memref<1x125x80xi32, #tpu.memory_space<hbm>> -> memref<125x80xi32, #tpu.memory_space<hbm>>
      %dma_start3A_64 = arith.constant 0 : i32
      %dma_start3A_65 = arith.constant 0 : i32
      %dma_start3A_66 = tpu.memref_slice %arg4[%add3A, %dma_start3A_64, %dma_start3A_65] : memref<32x125x80xi32, #tpu.memory_space<hbm>> -> memref<1x125x80xi32, #tpu.memory_space<hbm>>
      %dma_start3A_67 = tpu.memref_squeeze %dma_start3A_66 : memref<1x125x80xi32, #tpu.memory_space<hbm>> -> memref<125x80xi32, #tpu.memory_space<hbm>>
      tpu.enqueue_dma source(%dma_start3A_67 : memref<125x80xi32, #tpu.memory_space<hbm>>) target(%arg8 : memref<125x80xi32, #tpu.memory_space<vmem>>) target_semaphore(%run_scoped3A_59 : memref<!tpu.dma_semaphore, #tpu.memory_space<semaphore_mem>>)
      %dma_wait3A_68 = arith.constant 0 : i32
      %dma_wait3A_69 = arith.constant 0 : i32
      %dma_wait3A_70 = tpu.memref_slice %arg4[%add3A, %dma_wait3A_68, %dma_wait3A_69] : memref<32x125x80xi32, #tpu.memory_space<hbm>> -> memref<1x125x80xi32, #tpu.memory_space<hbm>>
      %dma_wait3A_71 = tpu.memref_squeeze %dma_wait3A_70 : memref<1x125x80xi32, #tpu.memory_space<hbm>> -> memref<125x80xi32, #tpu.memory_space<hbm>>
      %dma_wait3A_72 = arith.constant 0 : i32
      %dma_wait3A_73 = arith.constant 0 : i32
      %dma_wait3A_74 = tpu.memref_slice %arg4[%add3A, %dma_wait3A_72, %dma_wait3A_73] : memref<32x125x80xi32, #tpu.memory_space<hbm>> -> memref<1x125x80xi32, #tpu.memory_space<hbm>>
      %dma_wait3A_75 = tpu.memref_squeeze %dma_wait3A_74 : memref<1x125x80xi32, #tpu.memory_space<hbm>> -> memref<125x80xi32, #tpu.memory_space<hbm>>
      tpu.wait_dma2 semaphore(%run_scoped3A_59 : memref<!tpu.dma_semaphore, #tpu.memory_space<semaphore_mem>>) src(%dma_wait3A_75 : memref<125x80xi32, #tpu.memory_space<hbm>>) dst(%arg8 : memref<125x80xi32, #tpu.memory_space<vmem>>)
      tpu.yield
    }) : () -> ()
    %mul3A_1 = arith.constant 632 : i32
    %mul3A_2 = arith.muli %arg1, %mul3A_1 : i32
    %lt3A = arith.constant 15 : i32
    %lt3A_3 = arith.cmpi slt, %arg1, %lt3A : i32
    %convert_element_type3A = arith.extui %lt3A_3 : i1 to i32
    %cond3A = arith.constant 0 : i32
    %cond3A_4 = arith.cmpi ne, %convert_element_type3A, %cond3A : i32
    scf.if %cond3A_4 {
      "tpu.region"() ({
        %run_scoped3A_59 = tpu.sem_alloc : memref<!tpu.dma_semaphore, #tpu.memory_space<semaphore_mem>>
        %dma_start3A_60 = arith.constant 0 : i32
        %dma_start3A_61 = tpu.memref_slice %arg10[%mul3A_2, %dma_start3A_60] : memref<10000x128xf32, #tpu.memory_space<vmem_shared>> -> memref<632x128xf32, #tpu.memory_space<vmem_shared>>
        tpu.enqueue_dma source(%arg5 : memref<632x128xf32, #tpu.memory_space<hbm>>) target(%dma_start3A_61 : memref<632x128xf32, #tpu.memory_space<vmem_shared>>) target_semaphore(%run_scoped3A_59 : memref<!tpu.dma_semaphore, #tpu.memory_space<semaphore_mem>>)
        %dma_wait3A_62 = arith.constant 0 : i32
        %dma_wait3A_63 = tpu.memref_slice %arg10[%mul3A_2, %dma_wait3A_62] : memref<10000x128xf32, #tpu.memory_space<vmem_shared>> -> memref<632x128xf32, #tpu.memory_space<vmem_shared>>
        tpu.wait_dma2 semaphore(%run_scoped3A_59 : memref<!tpu.dma_semaphore, #tpu.memory_space<semaphore_mem>>) src(%arg5 : memref<632x128xf32, #tpu.memory_space<hbm>>) dst(%dma_wait3A_63 : memref<632x128xf32, #tpu.memory_space<vmem_shared>>)
        tpu.yield
      }) : () -> ()
    } else {
    }
    %eq3A = arith.constant 15 : i32
    %eq3A_5 = arith.cmpi eq, %arg1, %eq3A : i32
    %convert_element_type3A_6 = arith.extui %eq3A_5 : i1 to i32
    %cond3A_7 = arith.constant 0 : i32
    %cond3A_8 = arith.cmpi ne, %convert_element_type3A_6, %cond3A_7 : i32
    scf.if %cond3A_8 {
      "tpu.region"() ({
        %run_scoped3A_59 = tpu.sem_alloc : memref<!tpu.dma_semaphore, #tpu.memory_space<semaphore_mem>>
        %dma_start3A_60 = arith.constant 9480 : i32
        %dma_start3A_61 = arith.constant 0 : i32
        %dma_start3A_62 = tpu.memref_slice %arg10[%dma_start3A_60, %dma_start3A_61] : memref<10000x128xf32, #tpu.memory_space<vmem_shared>> -> memref<520x128xf32, #tpu.memory_space<vmem_shared>>
        %dma_start3A_63 = arith.constant 0 : i32
        %dma_start3A_64 = arith.constant 0 : i32
        %dma_start3A_65 = tpu.memref_slice %arg5[%dma_start3A_63, %dma_start3A_64] : memref<632x128xf32, #tpu.memory_space<hbm>> -> memref<520x128xf32, #tpu.memory_space<hbm>>
        tpu.enqueue_dma source(%dma_start3A_65 : memref<520x128xf32, #tpu.memory_space<hbm>>) target(%dma_start3A_62 : memref<520x128xf32, #tpu.memory_space<vmem_shared>>) target_semaphore(%run_scoped3A_59 : memref<!tpu.dma_semaphore, #tpu.memory_space<semaphore_mem>>)
        %dma_wait3A_66 = arith.constant 9480 : i32
        %dma_wait3A_67 = arith.constant 0 : i32
        %dma_wait3A_68 = tpu.memref_slice %arg10[%dma_wait3A_66, %dma_wait3A_67] : memref<10000x128xf32, #tpu.memory_space<vmem_shared>> -> memref<520x128xf32, #tpu.memory_space<vmem_shared>>
        %dma_wait3A_69 = arith.constant 0 : i32
        %dma_wait3A_70 = arith.constant 0 : i32
        %dma_wait3A_71 = tpu.memref_slice %arg5[%dma_wait3A_69, %dma_wait3A_70] : memref<632x128xf32, #tpu.memory_space<hbm>> -> memref<520x128xf32, #tpu.memory_space<hbm>>
        tpu.wait_dma2 semaphore(%run_scoped3A_59 : memref<!tpu.dma_semaphore, #tpu.memory_space<semaphore_mem>>) src(%dma_wait3A_71 : memref<520x128xf32, #tpu.memory_space<hbm>>) dst(%dma_wait3A_68 : memref<520x128xf32, #tpu.memory_space<vmem_shared>>)
        tpu.yield
      }) : () -> ()
    } else {
    }
    %barrier3A = arith.constant 0 : index
    tpu.barrier barrier_id(%barrier3A)
    %multiple_of3A = arith.constant 0 : i32
    %multiple_of3A_9 = tpu.assume_multiple %multiple_of3A, 8 : i32
    %dma_start3A = arith.constant 0 : i32
    %dma_start3A_10 = arith.constant 0 : i32
    %dma_start3A_11 = arith.constant 0 : i32
    %dma_start3A_12 = tpu.memref_slice %arg9[%dma_start3A, %dma_start3A_10, %dma_start3A_11] : memref<2x80x128xf32, #tpu.memory_space<vmem>> -> memref<1x80x128xf32, #tpu.memory_space<vmem>>
    %dma_start3A_13 = tpu.memref_squeeze %dma_start3A_12 : memref<1x80x128xf32, #tpu.memory_space<vmem>> -> memref<80x128xf32, #tpu.memory_space<vmem>>
    %dma_start3A_14 = tpu.memref_slice %arg7[%multiple_of3A_9] : memref<10000xi32, #tpu.memory_space<vmem>> -> memref<80xi32, #tpu.memory_space<vmem>>
    %dma_start3A_15 = arith.constant 0 : i32
    %dma_start3A_16 = arith.constant 0 : i32
    %dma_start3A_17 = tpu.memref_slice %arg2[%dma_start3A_15, %dma_start3A_16] : memref<10000x128xf32, #tpu.memory_space<hbm>> -> memref<10000x128xf32, #tpu.memory_space<hbm>>
    tpu.enqueue_indirect_dma source(%dma_start3A_17 : memref<10000x128xf32, #tpu.memory_space<hbm>>) target(%dma_start3A_13 : memref<80x128xf32, #tpu.memory_space<vmem>>) offsets(%dma_start3A_14 : memref<80xi32, #tpu.memory_space<vmem>>) semaphore(%arg11 : memref<!tpu.dma_semaphore, #tpu.memory_space<semaphore_mem>>)
    %multiple_of3A_18 = arith.constant 80 : i32
    %multiple_of3A_19 = tpu.assume_multiple %multiple_of3A_18, 8 : i32
    %dma_start3A_20 = arith.constant 1 : i32
    %dma_start3A_21 = arith.constant 0 : i32
    %dma_start3A_22 = arith.constant 0 : i32
    %dma_start3A_23 = tpu.memref_slice %arg9[%dma_start3A_20, %dma_start3A_21, %dma_start3A_22] : memref<2x80x128xf32, #tpu.memory_space<vmem>> -> memref<1x80x128xf32, #tpu.memory_space<vmem>>
    %dma_start3A_24 = tpu.memref_squeeze %dma_start3A_23 : memref<1x80x128xf32, #tpu.memory_space<vmem>> -> memref<80x128xf32, #tpu.memory_space<vmem>>
    %dma_start3A_25 = tpu.memref_slice %arg7[%multiple_of3A_19] : memref<10000xi32, #tpu.memory_space<vmem>> -> memref<80xi32, #tpu.memory_space<vmem>>
    %dma_start3A_26 = arith.constant 0 : i32
    %dma_start3A_27 = arith.constant 0 : i32
    %dma_start3A_28 = tpu.memref_slice %arg2[%dma_start3A_26, %dma_start3A_27] : memref<10000x128xf32, #tpu.memory_space<hbm>> -> memref<10000x128xf32, #tpu.memory_space<hbm>>
    tpu.enqueue_indirect_dma source(%dma_start3A_28 : memref<10000x128xf32, #tpu.memory_space<hbm>>) target(%dma_start3A_24 : memref<80x128xf32, #tpu.memory_space<vmem>>) offsets(%dma_start3A_25 : memref<80xi32, #tpu.memory_space<vmem>>) semaphore(%arg12 : memref<!tpu.dma_semaphore, #tpu.memory_space<semaphore_mem>>)
    %scan3A = arith.constant 0 : i32
    %scan3A_29 = arith.constant 1 : i32
    %scan3A_30 = arith.constant 0 : i32
    %scan3A_31 = arith.constant 0 : i32
    %scan3A_32 = arith.constant 62 : i32
    %scan3A_33 = arith.addi %scan3A_31, %scan3A_32 : i32
    %scan3A_34 = arith.constant 1 : i32
    %scan3A_35 = scf.for %scan3A_59 = %scan3A_31 to %scan3A_33 step %scan3A_34 iter_args(%scan3A_60 = %scan3A_30) -> (i32)  : i32 {
      %mul3A_61 = arith.constant 2 : i32
      %mul3A_62 = arith.muli %scan3A_59, %mul3A_61 : i32
      %add3A_63 = arith.constant 0 : i32
      %add3A_64 = arith.addi %mul3A_62, %add3A_63 : i32
      %mul3A_65 = arith.constant 80 : i32
      %mul3A_66 = arith.muli %add3A_64, %mul3A_65 : i32
      %multiple_of3A_67 = tpu.assume_multiple %mul3A_66, 8 : i32
      %dma_wait3A_68 = arith.constant 0 : i32
      %dma_wait3A_69 = arith.constant 0 : i32
      %dma_wait3A_70 = tpu.memref_slice %arg9[%scan3A, %dma_wait3A_68, %dma_wait3A_69] : memref<2x80x128xf32, #tpu.memory_space<vmem>> -> memref<1x80x128xf32, #tpu.memory_space<vmem>>
      %dma_wait3A_71 = tpu.memref_squeeze %dma_wait3A_70 : memref<1x80x128xf32, #tpu.memory_space<vmem>> -> memref<80x128xf32, #tpu.memory_space<vmem>>
      %dma_wait3A_72 = tpu.memref_slice %arg7[%multiple_of3A_67] : memref<10000xi32, #tpu.memory_space<vmem>> -> memref<80xi32, #tpu.memory_space<vmem>>
      %dma_wait3A_73 = arith.constant 0 : i32
      %dma_wait3A_74 = arith.constant 0 : i32
      %dma_wait3A_75 = tpu.memref_slice %arg2[%dma_wait3A_73, %dma_wait3A_74] : memref<10000x128xf32, #tpu.memory_space<hbm>> -> memref<10000x128xf32, #tpu.memory_space<hbm>>
      tpu.wait_indirect_dma semaphore(%arg11 : memref<!tpu.dma_semaphore, #tpu.memory_space<semaphore_mem>>) src(%dma_wait3A_75 : memref<10000x128xf32, #tpu.memory_space<hbm>>) dst(%dma_wait3A_71 : memref<80x128xf32, #tpu.memory_space<vmem>>)
      "tpu.region"() ({
        %run_scoped3A_106 = tpu.sem_alloc : memref<!tpu.dma_semaphore, #tpu.memory_space<semaphore_mem>>
        %dma_start3A_107 = arith.constant 0 : i32
        %dma_start3A_108 = arith.constant 0 : i32
        %dma_start3A_109 = tpu.memref_slice %arg9[%scan3A, %dma_start3A_107, %dma_start3A_108] : memref<2x80x128xf32, #tpu.memory_space<vmem>> -> memref<1x80x128xf32, #tpu.memory_space<vmem>>
        %dma_start3A_110 = tpu.memref_squeeze %dma_start3A_109 : memref<1x80x128xf32, #tpu.memory_space<vmem>> -> memref<80x128xf32, #tpu.memory_space<vmem>>
        %dma_start3A_111 = arith.constant 0 : i32
        %dma_start3A_112 = tpu.memref_slice %arg8[%add3A_64, %dma_start3A_111] : memref<125x80xi32, #tpu.memory_space<vmem>> -> memref<1x80xi32, #tpu.memory_space<vmem>>
        %dma_start3A_113 = tpu.memref_squeeze %dma_start3A_112 : memref<1x80xi32, #tpu.memory_space<vmem>> -> memref<80xi32, #tpu.memory_space<vmem>>
        %dma_start3A_114 = arith.constant 0 : i32
        %dma_start3A_115 = arith.constant 0 : i32
        %dma_start3A_116 = tpu.memref_slice %arg10[%dma_start3A_114, %dma_start3A_115] : memref<10000x128xf32, #tpu.memory_space<vmem_shared>> -> memref<10000x128xf32, #tpu.memory_space<vmem_shared>>
        tpu.enqueue_indirect_dma source(%dma_start3A_110 : memref<80x128xf32, #tpu.memory_space<vmem>>) target(%dma_start3A_116 : memref<10000x128xf32, #tpu.memory_space<vmem_shared>>) offsets(%dma_start3A_113 : memref<80xi32, #tpu.memory_space<vmem>>) semaphore(%run_scoped3A_106 : memref<!tpu.dma_semaphore, #tpu.memory_space<semaphore_mem>>) {add = true}
        %dma_wait3A_117 = arith.constant 0 : i32
        %dma_wait3A_118 = arith.constant 0 : i32
        %dma_wait3A_119 = tpu.memref_slice %arg9[%scan3A, %dma_wait3A_117, %dma_wait3A_118] : memref<2x80x128xf32, #tpu.memory_space<vmem>> -> memref<1x80x128xf32, #tpu.memory_space<vmem>>
        %dma_wait3A_120 = tpu.memref_squeeze %dma_wait3A_119 : memref<1x80x128xf32, #tpu.memory_space<vmem>> -> memref<80x128xf32, #tpu.memory_space<vmem>>
        %dma_wait3A_121 = arith.constant 0 : i32
        %dma_wait3A_122 = tpu.memref_slice %arg8[%add3A_64, %dma_wait3A_121] : memref<125x80xi32, #tpu.memory_space<vmem>> -> memref<1x80xi32, #tpu.memory_space<vmem>>
        %dma_wait3A_123 = tpu.memref_squeeze %dma_wait3A_122 : memref<1x80xi32, #tpu.memory_space<vmem>> -> memref<80xi32, #tpu.memory_space<vmem>>
        %dma_wait3A_124 = arith.constant 0 : i32
        %dma_wait3A_125 = arith.constant 0 : i32
        %dma_wait3A_126 = tpu.memref_slice %arg10[%dma_wait3A_124, %dma_wait3A_125] : memref<10000x128xf32, #tpu.memory_space<vmem_shared>> -> memref<10000x128xf32, #tpu.memory_space<vmem_shared>>
        tpu.wait_indirect_dma semaphore(%run_scoped3A_106 : memref<!tpu.dma_semaphore, #tpu.memory_space<semaphore_mem>>) src(%dma_wait3A_120 : memref<80x128xf32, #tpu.memory_space<vmem>>) dst(%dma_wait3A_126 : memref<10000x128xf32, #tpu.memory_space<vmem_shared>>)
        tpu.yield
      }) : () -> ()
      %add3A_76 = arith.constant 2 : i32
      %add3A_77 = arith.addi %add3A_64, %add3A_76 : i32
      %lt3A_78 = arith.constant 125 : i32
      %lt3A_79 = arith.cmpi slt, %add3A_77, %lt3A_78 : i32
      %convert_element_type3A_80 = arith.extui %lt3A_79 : i1 to i32
      %cond3A_81 = arith.constant 0 : i32
      %cond3A_82 = arith.cmpi ne, %convert_element_type3A_80, %cond3A_81 : i32
      scf.if %cond3A_82 {
        %add3A_106 = arith.constant 2 : i32
        %add3A_107 = arith.addi %add3A_64, %add3A_106 : i32
        %mul3A_108 = arith.constant 80 : i32
        %mul3A_109 = arith.muli %add3A_107, %mul3A_108 : i32
        %multiple_of3A_110 = tpu.assume_multiple %mul3A_109, 8 : i32
        %dma_start3A_111 = arith.constant 0 : i32
        %dma_start3A_112 = arith.constant 0 : i32
        %dma_start3A_113 = tpu.memref_slice %arg9[%scan3A, %dma_start3A_111, %dma_start3A_112] : memref<2x80x128xf32, #tpu.memory_space<vmem>> -> memref<1x80x128xf32, #tpu.memory_space<vmem>>
        %dma_start3A_114 = tpu.memref_squeeze %dma_start3A_113 : memref<1x80x128xf32, #tpu.memory_space<vmem>> -> memref<80x128xf32, #tpu.memory_space<vmem>>
        %dma_start3A_115 = tpu.memref_slice %arg7[%multiple_of3A_110] : memref<10000xi32, #tpu.memory_space<vmem>> -> memref<80xi32, #tpu.memory_space<vmem>>
        %dma_start3A_116 = arith.constant 0 : i32
        %dma_start3A_117 = arith.constant 0 : i32
        %dma_start3A_118 = tpu.memref_slice %arg2[%dma_start3A_116, %dma_start3A_117] : memref<10000x128xf32, #tpu.memory_space<hbm>> -> memref<10000x128xf32, #tpu.memory_space<hbm>>
        tpu.enqueue_indirect_dma source(%dma_start3A_118 : memref<10000x128xf32, #tpu.memory_space<hbm>>) target(%dma_start3A_114 : memref<80x128xf32, #tpu.memory_space<vmem>>) offsets(%dma_start3A_115 : memref<80xi32, #tpu.memory_space<vmem>>) semaphore(%arg11 : memref<!tpu.dma_semaphore, #tpu.memory_space<semaphore_mem>>)
      } else {
      }
      %mul3A_83 = arith.constant 2 : i32
      %mul3A_84 = arith.muli %scan3A_59, %mul3A_83 : i32
      %add3A_85 = arith.constant 1 : i32
      %add3A_86 = arith.addi %mul3A_84, %add3A_85 : i32
      %mul3A_87 = arith.constant 80 : i32
      %mul3A_88 = arith.muli %add3A_86, %mul3A_87 : i32
      %multiple_of3A_89 = tpu.assume_multiple %mul3A_88, 8 : i32
      %dma_wait3A_90 = arith.constant 0 : i32
      %dma_wait3A_91 = arith.constant 0 : i32
      %dma_wait3A_92 = tpu.memref_slice %arg9[%scan3A_29, %dma_wait3A_90, %dma_wait3A_91] : memref<2x80x128xf32, #tpu.memory_space<vmem>> -> memref<1x80x128xf32, #tpu.memory_space<vmem>>
      %dma_wait3A_93 = tpu.memref_squeeze %dma_wait3A_92 : memref<1x80x128xf32, #tpu.memory_space<vmem>> -> memref<80x128xf32, #tpu.memory_space<vmem>>
      %dma_wait3A_94 = tpu.memref_slice %arg7[%multiple_of3A_89] : memref<10000xi32, #tpu.memory_space<vmem>> -> memref<80xi32, #tpu.memory_space<vmem>>
      %dma_wait3A_95 = arith.constant 0 : i32
      %dma_wait3A_96 = arith.constant 0 : i32
      %dma_wait3A_97 = tpu.memref_slice %arg2[%dma_wait3A_95, %dma_wait3A_96] : memref<10000x128xf32, #tpu.memory_space<hbm>> -> memref<10000x128xf32, #tpu.memory_space<hbm>>
      tpu.wait_indirect_dma semaphore(%arg12 : memref<!tpu.dma_semaphore, #tpu.memory_space<semaphore_mem>>) src(%dma_wait3A_97 : memref<10000x128xf32, #tpu.memory_space<hbm>>) dst(%dma_wait3A_93 : memref<80x128xf32, #tpu.memory_space<vmem>>)
      "tpu.region"() ({
        %run_scoped3A_106 = tpu.sem_alloc : memref<!tpu.dma_semaphore, #tpu.memory_space<semaphore_mem>>
        %dma_start3A_107 = arith.constant 0 : i32
        %dma_start3A_108 = arith.constant 0 : i32
        %dma_start3A_109 = tpu.memref_slice %arg9[%scan3A_29, %dma_start3A_107, %dma_start3A_108] : memref<2x80x128xf32, #tpu.memory_space<vmem>> -> memref<1x80x128xf32, #tpu.memory_space<vmem>>
        %dma_start3A_110 = tpu.memref_squeeze %dma_start3A_109 : memref<1x80x128xf32, #tpu.memory_space<vmem>> -> memref<80x128xf32, #tpu.memory_space<vmem>>
        %dma_start3A_111 = arith.constant 0 : i32
        %dma_start3A_112 = tpu.memref_slice %arg8[%add3A_86, %dma_start3A_111] : memref<125x80xi32, #tpu.memory_space<vmem>> -> memref<1x80xi32, #tpu.memory_space<vmem>>
        %dma_start3A_113 = tpu.memref_squeeze %dma_start3A_112 : memref<1x80xi32, #tpu.memory_space<vmem>> -> memref<80xi32, #tpu.memory_space<vmem>>
        %dma_start3A_114 = arith.constant 0 : i32
        %dma_start3A_115 = arith.constant 0 : i32
        %dma_start3A_116 = tpu.memref_slice %arg10[%dma_start3A_114, %dma_start3A_115] : memref<10000x128xf32, #tpu.memory_space<vmem_shared>> -> memref<10000x128xf32, #tpu.memory_space<vmem_shared>>
        tpu.enqueue_indirect_dma source(%dma_start3A_110 : memref<80x128xf32, #tpu.memory_space<vmem>>) target(%dma_start3A_116 : memref<10000x128xf32, #tpu.memory_space<vmem_shared>>) offsets(%dma_start3A_113 : memref<80xi32, #tpu.memory_space<vmem>>) semaphore(%run_scoped3A_106 : memref<!tpu.dma_semaphore, #tpu.memory_space<semaphore_mem>>) {add = true}
        %dma_wait3A_117 = arith.constant 0 : i32
        %dma_wait3A_118 = arith.constant 0 : i32
        %dma_wait3A_119 = tpu.memref_slice %arg9[%scan3A_29, %dma_wait3A_117, %dma_wait3A_118] : memref<2x80x128xf32, #tpu.memory_space<vmem>> -> memref<1x80x128xf32, #tpu.memory_space<vmem>>
        %dma_wait3A_120 = tpu.memref_squeeze %dma_wait3A_119 : memref<1x80x128xf32, #tpu.memory_space<vmem>> -> memref<80x128xf32, #tpu.memory_space<vmem>>
        %dma_wait3A_121 = arith.constant 0 : i32
        %dma_wait3A_122 = tpu.memref_slice %arg8[%add3A_86, %dma_wait3A_121] : memref<125x80xi32, #tpu.memory_space<vmem>> -> memref<1x80xi32, #tpu.memory_space<vmem>>
        %dma_wait3A_123 = tpu.memref_squeeze %dma_wait3A_122 : memref<1x80xi32, #tpu.memory_space<vmem>> -> memref<80xi32, #tpu.memory_space<vmem>>
        %dma_wait3A_124 = arith.constant 0 : i32
        %dma_wait3A_125 = arith.constant 0 : i32
        %dma_wait3A_126 = tpu.memref_slice %arg10[%dma_wait3A_124, %dma_wait3A_125] : memref<10000x128xf32, #tpu.memory_space<vmem_shared>> -> memref<10000x128xf32, #tpu.memory_space<vmem_shared>>
        tpu.wait_indirect_dma semaphore(%run_scoped3A_106 : memref<!tpu.dma_semaphore, #tpu.memory_space<semaphore_mem>>) src(%dma_wait3A_120 : memref<80x128xf32, #tpu.memory_space<vmem>>) dst(%dma_wait3A_126 : memref<10000x128xf32, #tpu.memory_space<vmem_shared>>)
        tpu.yield
      }) : () -> ()
      %add3A_98 = arith.constant 2 : i32
      %add3A_99 = arith.addi %add3A_86, %add3A_98 : i32
      %lt3A_100 = arith.constant 125 : i32
      %lt3A_101 = arith.cmpi slt, %add3A_99, %lt3A_100 : i32
      %convert_element_type3A_102 = arith.extui %lt3A_101 : i1 to i32
      %cond3A_103 = arith.constant 0 : i32
      %cond3A_104 = arith.cmpi ne, %convert_element_type3A_102, %cond3A_103 : i32
      scf.if %cond3A_104 {
        %add3A_106 = arith.constant 2 : i32
        %add3A_107 = arith.addi %add3A_86, %add3A_106 : i32
        %mul3A_108 = arith.constant 80 : i32
        %mul3A_109 = arith.muli %add3A_107, %mul3A_108 : i32
        %multiple_of3A_110 = tpu.assume_multiple %mul3A_109, 8 : i32
        %dma_start3A_111 = arith.constant 0 : i32
        %dma_start3A_112 = arith.constant 0 : i32
        %dma_start3A_113 = tpu.memref_slice %arg9[%scan3A_29, %dma_start3A_111, %dma_start3A_112] : memref<2x80x128xf32, #tpu.memory_space<vmem>> -> memref<1x80x128xf32, #tpu.memory_space<vmem>>
        %dma_start3A_114 = tpu.memref_squeeze %dma_start3A_113 : memref<1x80x128xf32, #tpu.memory_space<vmem>> -> memref<80x128xf32, #tpu.memory_space<vmem>>
        %dma_start3A_115 = tpu.memref_slice %arg7[%multiple_of3A_110] : memref<10000xi32, #tpu.memory_space<vmem>> -> memref<80xi32, #tpu.memory_space<vmem>>
        %dma_start3A_116 = arith.constant 0 : i32
        %dma_start3A_117 = arith.constant 0 : i32
        %dma_start3A_118 = tpu.memref_slice %arg2[%dma_start3A_116, %dma_start3A_117] : memref<10000x128xf32, #tpu.memory_space<hbm>> -> memref<10000x128xf32, #tpu.memory_space<hbm>>
        tpu.enqueue_indirect_dma source(%dma_start3A_118 : memref<10000x128xf32, #tpu.memory_space<hbm>>) target(%dma_start3A_114 : memref<80x128xf32, #tpu.memory_space<vmem>>) offsets(%dma_start3A_115 : memref<80xi32, #tpu.memory_space<vmem>>) semaphore(%arg12 : memref<!tpu.dma_semaphore, #tpu.memory_space<semaphore_mem>>)
      } else {
      }
      %scan3A_105 = arith.constant 0 : i32
      scf.yield %scan3A_105 : i32
    }
    %scan3A_36 = arith.constant 62 : i32
    %multiple_of3A_37 = arith.constant 9920 : i32
    %multiple_of3A_38 = tpu.assume_multiple %multiple_of3A_37, 8 : i32
    %dma_wait3A = arith.constant 0 : i32
    %dma_wait3A_39 = arith.constant 0 : i32
    %dma_wait3A_40 = arith.constant 0 : i32
    %dma_wait3A_41 = tpu.memref_slice %arg9[%dma_wait3A, %dma_wait3A_39, %dma_wait3A_40] : memref<2x80x128xf32, #tpu.memory_space<vmem>> -> memref<1x80x128xf32, #tpu.memory_space<vmem>>
    %dma_wait3A_42 = tpu.memref_squeeze %dma_wait3A_41 : memref<1x80x128xf32, #tpu.memory_space<vmem>> -> memref<80x128xf32, #tpu.memory_space<vmem>>
    %dma_wait3A_43 = tpu.memref_slice %arg7[%multiple_of3A_38] : memref<10000xi32, #tpu.memory_space<vmem>> -> memref<80xi32, #tpu.memory_space<vmem>>
    %dma_wait3A_44 = arith.constant 0 : i32
    %dma_wait3A_45 = arith.constant 0 : i32
    %dma_wait3A_46 = tpu.memref_slice %arg2[%dma_wait3A_44, %dma_wait3A_45] : memref<10000x128xf32, #tpu.memory_space<hbm>> -> memref<10000x128xf32, #tpu.memory_space<hbm>>
    tpu.wait_indirect_dma semaphore(%arg11 : memref<!tpu.dma_semaphore, #tpu.memory_space<semaphore_mem>>) src(%dma_wait3A_46 : memref<10000x128xf32, #tpu.memory_space<hbm>>) dst(%dma_wait3A_42 : memref<80x128xf32, #tpu.memory_space<vmem>>)
    %run_scoped3A = arith.constant 0 : i32
    %run_scoped3A_47 = arith.constant 124 : i32
    "tpu.region"() ({
      %run_scoped3A_59 = tpu.sem_alloc : memref<!tpu.dma_semaphore, #tpu.memory_space<semaphore_mem>>
      %dma_start3A_60 = arith.constant 0 : i32
      %dma_start3A_61 = arith.constant 0 : i32
      %dma_start3A_62 = tpu.memref_slice %arg9[%run_scoped3A, %dma_start3A_60, %dma_start3A_61] : memref<2x80x128xf32, #tpu.memory_space<vmem>> -> memref<1x80x128xf32, #tpu.memory_space<vmem>>
      %dma_start3A_63 = tpu.memref_squeeze %dma_start3A_62 : memref<1x80x128xf32, #tpu.memory_space<vmem>> -> memref<80x128xf32, #tpu.memory_space<vmem>>
      %dma_start3A_64 = arith.constant 0 : i32
      %dma_start3A_65 = tpu.memref_slice %arg8[%run_scoped3A_47, %dma_start3A_64] : memref<125x80xi32, #tpu.memory_space<vmem>> -> memref<1x80xi32, #tpu.memory_space<vmem>>
      %dma_start3A_66 = tpu.memref_squeeze %dma_start3A_65 : memref<1x80xi32, #tpu.memory_space<vmem>> -> memref<80xi32, #tpu.memory_space<vmem>>
      %dma_start3A_67 = arith.constant 0 : i32
      %dma_start3A_68 = arith.constant 0 : i32
      %dma_start3A_69 = tpu.memref_slice %arg10[%dma_start3A_67, %dma_start3A_68] : memref<10000x128xf32, #tpu.memory_space<vmem_shared>> -> memref<10000x128xf32, #tpu.memory_space<vmem_shared>>
      tpu.enqueue_indirect_dma source(%dma_start3A_63 : memref<80x128xf32, #tpu.memory_space<vmem>>) target(%dma_start3A_69 : memref<10000x128xf32, #tpu.memory_space<vmem_shared>>) offsets(%dma_start3A_66 : memref<80xi32, #tpu.memory_space<vmem>>) semaphore(%run_scoped3A_59 : memref<!tpu.dma_semaphore, #tpu.memory_space<semaphore_mem>>) {add = true}
      %dma_wait3A_70 = arith.constant 0 : i32
      %dma_wait3A_71 = arith.constant 0 : i32
      %dma_wait3A_72 = tpu.memref_slice %arg9[%run_scoped3A, %dma_wait3A_70, %dma_wait3A_71] : memref<2x80x128xf32, #tpu.memory_space<vmem>> -> memref<1x80x128xf32, #tpu.memory_space<vmem>>
      %dma_wait3A_73 = tpu.memref_squeeze %dma_wait3A_72 : memref<1x80x128xf32, #tpu.memory_space<vmem>> -> memref<80x128xf32, #tpu.memory_space<vmem>>
      %dma_wait3A_74 = arith.constant 0 : i32
      %dma_wait3A_75 = tpu.memref_slice %arg8[%run_scoped3A_47, %dma_wait3A_74] : memref<125x80xi32, #tpu.memory_space<vmem>> -> memref<1x80xi32, #tpu.memory_space<vmem>>
      %dma_wait3A_76 = tpu.memref_squeeze %dma_wait3A_75 : memref<1x80xi32, #tpu.memory_space<vmem>> -> memref<80xi32, #tpu.memory_space<vmem>>
      %dma_wait3A_77 = arith.constant 0 : i32
      %dma_wait3A_78 = arith.constant 0 : i32
      %dma_wait3A_79 = tpu.memref_slice %arg10[%dma_wait3A_77, %dma_wait3A_78] : memref<10000x128xf32, #tpu.memory_space<vmem_shared>> -> memref<10000x128xf32, #tpu.memory_space<vmem_shared>>
      tpu.wait_indirect_dma semaphore(%run_scoped3A_59 : memref<!tpu.dma_semaphore, #tpu.memory_space<semaphore_mem>>) src(%dma_wait3A_73 : memref<80x128xf32, #tpu.memory_space<vmem>>) dst(%dma_wait3A_79 : memref<10000x128xf32, #tpu.memory_space<vmem_shared>>)
      tpu.yield
    }) : () -> ()
    %barrier3A_48 = arith.constant 0 : index
    tpu.barrier barrier_id(%barrier3A_48)
    %lt3A_49 = arith.constant 15 : i32
    %lt3A_50 = arith.cmpi slt, %arg1, %lt3A_49 : i32
    %convert_element_type3A_51 = arith.extui %lt3A_50 : i1 to i32
    %cond3A_52 = arith.constant 0 : i32
    %cond3A_53 = arith.cmpi ne, %convert_element_type3A_51, %cond3A_52 : i32
    scf.if %cond3A_53 {
      "tpu.region"() ({
        %run_scoped3A_59 = tpu.sem_alloc : memref<!tpu.dma_semaphore, #tpu.memory_space<semaphore_mem>>
        %dma_start3A_60 = arith.constant 0 : i32
        %dma_start3A_61 = tpu.memref_slice %arg6[%arg0, %mul3A_2, %dma_start3A_60] : memref<2x10000x128xf32, #tpu.memory_space<hbm>> -> memref<1x632x128xf32, #tpu.memory_space<hbm>>
        %dma_start3A_62 = tpu.memref_squeeze %dma_start3A_61 : memref<1x632x128xf32, #tpu.memory_space<hbm>> -> memref<632x128xf32, #tpu.memory_space<hbm>>
        %dma_start3A_63 = arith.constant 0 : i32
        %dma_start3A_64 = tpu.memref_slice %arg10[%mul3A_2, %dma_start3A_63] : memref<10000x128xf32, #tpu.memory_space<vmem_shared>> -> memref<632x128xf32, #tpu.memory_space<vmem_shared>>
        tpu.enqueue_dma source(%dma_start3A_64 : memref<632x128xf32, #tpu.memory_space<vmem_shared>>) target(%dma_start3A_62 : memref<632x128xf32, #tpu.memory_space<hbm>>) target_semaphore(%run_scoped3A_59 : memref<!tpu.dma_semaphore, #tpu.memory_space<semaphore_mem>>)
        %dma_wait3A_65 = arith.constant 0 : i32
        %dma_wait3A_66 = tpu.memref_slice %arg6[%arg0, %mul3A_2, %dma_wait3A_65] : memref<2x10000x128xf32, #tpu.memory_space<hbm>> -> memref<1x632x128xf32, #tpu.memory_space<hbm>>
        %dma_wait3A_67 = tpu.memref_squeeze %dma_wait3A_66 : memref<1x632x128xf32, #tpu.memory_space<hbm>> -> memref<632x128xf32, #tpu.memory_space<hbm>>
        %dma_wait3A_68 = arith.constant 0 : i32
        %dma_wait3A_69 = tpu.memref_slice %arg10[%mul3A_2, %dma_wait3A_68] : memref<10000x128xf32, #tpu.memory_space<vmem_shared>> -> memref<632x128xf32, #tpu.memory_space<vmem_shared>>
        tpu.wait_dma2 semaphore(%run_scoped3A_59 : memref<!tpu.dma_semaphore, #tpu.memory_space<semaphore_mem>>) src(%dma_wait3A_69 : memref<632x128xf32, #tpu.memory_space<vmem_shared>>) dst(%dma_wait3A_67 : memref<632x128xf32, #tpu.memory_space<hbm>>)
        tpu.yield
      }) : () -> ()
    } else {
    }
    %eq3A_54 = arith.constant 15 : i32
    %eq3A_55 = arith.cmpi eq, %arg1, %eq3A_54 : i32
    %convert_element_type3A_56 = arith.extui %eq3A_55 : i1 to i32
    %cond3A_57 = arith.constant 0 : i32
    %cond3A_58 = arith.cmpi ne, %convert_element_type3A_56, %cond3A_57 : i32
    scf.if %cond3A_58 {
      "tpu.region"() ({
        %run_scoped3A_59 = tpu.sem_alloc : memref<!tpu.dma_semaphore, #tpu.memory_space<semaphore_mem>>
        %dma_start3A_60 = arith.constant 9480 : i32
        %dma_start3A_61 = arith.constant 0 : i32
        %dma_start3A_62 = tpu.memref_slice %arg6[%arg0, %dma_start3A_60, %dma_start3A_61] : memref<2x10000x128xf32, #tpu.memory_space<hbm>> -> memref<1x520x128xf32, #tpu.memory_space<hbm>>
        %dma_start3A_63 = tpu.memref_squeeze %dma_start3A_62 : memref<1x520x128xf32, #tpu.memory_space<hbm>> -> memref<520x128xf32, #tpu.memory_space<hbm>>
        %dma_start3A_64 = arith.constant 9480 : i32
        %dma_start3A_65 = arith.constant 0 : i32
        %dma_start3A_66 = tpu.memref_slice %arg10[%dma_start3A_64, %dma_start3A_65] : memref<10000x128xf32, #tpu.memory_space<vmem_shared>> -> memref<520x128xf32, #tpu.memory_space<vmem_shared>>
        tpu.enqueue_dma source(%dma_start3A_66 : memref<520x128xf32, #tpu.memory_space<vmem_shared>>) target(%dma_start3A_63 : memref<520x128xf32, #tpu.memory_space<hbm>>) target_semaphore(%run_scoped3A_59 : memref<!tpu.dma_semaphore, #tpu.memory_space<semaphore_mem>>)
        %dma_wait3A_67 = arith.constant 9480 : i32
        %dma_wait3A_68 = arith.constant 0 : i32
        %dma_wait3A_69 = tpu.memref_slice %arg6[%arg0, %dma_wait3A_67, %dma_wait3A_68] : memref<2x10000x128xf32, #tpu.memory_space<hbm>> -> memref<1x520x128xf32, #tpu.memory_space<hbm>>
        %dma_wait3A_70 = tpu.memref_squeeze %dma_wait3A_69 : memref<1x520x128xf32, #tpu.memory_space<hbm>> -> memref<520x128xf32, #tpu.memory_space<hbm>>
        %dma_wait3A_71 = arith.constant 9480 : i32
        %dma_wait3A_72 = arith.constant 0 : i32
        %dma_wait3A_73 = tpu.memref_slice %arg10[%dma_wait3A_71, %dma_wait3A_72] : memref<10000x128xf32, #tpu.memory_space<vmem_shared>> -> memref<520x128xf32, #tpu.memory_space<vmem_shared>>
        tpu.wait_dma2 semaphore(%run_scoped3A_59 : memref<!tpu.dma_semaphore, #tpu.memory_space<semaphore_mem>>) src(%dma_wait3A_73 : memref<520x128xf32, #tpu.memory_space<vmem_shared>>) dst(%dma_wait3A_70 : memref<520x128xf32, #tpu.memory_space<hbm>>)
        tpu.yield
      }) : () -> ()
    } else {
    }
    return
  }
}

#map = affine_map<(d0, d1) -> (0, 0)>
#map1 = affine_map<(d0, d1) -> (0, 0, 0)>
module attributes {stable_mosaic.version = 14 : i64} {
  func.func @body(%arg0: i32, %arg1: i32, %arg2: memref<10000x128xf32, #tpu.memory_space<hbm>>, %arg3: memref<32x10000xi32, #tpu.memory_space<hbm>>, %arg4: memref<32x125x80xi32, #tpu.memory_space<hbm>>, %arg5: memref<632x128xf32, #tpu.memory_space<hbm>>, %arg6: memref<2x10000x128xf32, #tpu.memory_space<hbm>>, %arg7: memref<10000xi32, #tpu.memory_space<vmem>>, %arg8: memref<125x80xi32, #tpu.memory_space<vmem>>, %arg9: memref<2x80x128xf32, #tpu.memory_space<vmem>>, %arg10: memref<10000x128xf32, #tpu.memory_space<vmem_shared>>, %arg11: memref<!tpu.dma_semaphore, #tpu.memory_space<semaphore_mem>>, %arg12: memref<!tpu.dma_semaphore, #tpu.memory_space<semaphore_mem>>) attributes {dimension_semantics = [#tpu.dimension_semantics<core_parallel>, #tpu.dimension_semantics<subcore_parallel>], iteration_bounds = array<i64: 2, 16>, scalar_prefetch = 0 : i64, scratch_operands = 6 : i64, tpu.core_type = #tpu.core_type<sc_vector_subcore>, window_params = [{transform_indices = #map}, {transform_indices = #map}, {transform_indices = #map1}, {transform_indices = #map}, {transform_indices = #map1}]} {
    %mul3A = arith.constant 16 : i32
    %mul3A_0 = arith.muli %arg0, %mul3A : i32
    %add3A = arith.addi %mul3A_0, %arg1 : i32
    "tpu.region"() ({
      %run_scoped3A_59 = tpu.sem_alloc : memref<!tpu.dma_semaphore, #tpu.memory_space<semaphore_mem>>
      %dma_start3A_60 = arith.constant 0 : i32
      %dma_start3A_61 = tpu.memref_slice %arg3[%add3A, %dma_start3A_60] : memref<32x10000xi32, #tpu.memory_space<hbm>> -> memref<1x10000xi32, #tpu.memory_space<hbm>>
      %dma_start3A_62 = tpu.memref_squeeze %dma_start3A_61 : memref<1x10000xi32, #tpu.memory_space<hbm>> -> memref<10000xi32, #tpu.memory_space<hbm>>
      %dma_start3A_63 = arith.constant 0 : i32
      %dma_start3A_64 = tpu.memref_slice %arg3[%add3A, %dma_start3A_63] : memref<32x10000xi32, #tpu.memory_space<hbm>> -> memref<1x10000xi32, #tpu.memory_space<hbm>>
      %dma_start3A_65 = tpu.memref_squeeze %dma_start3A_64 : memref<1x10000xi32, #tpu.memory_space<hbm>> -> memref<10000xi32, #tpu.memory_space<hbm>>
      tpu.enqueue_dma source(%dma_start3A_65 : memref<10000xi32, #tpu.memory_space<hbm>>) target(%arg7 : memref<10000xi32, #tpu.memory_space<vmem>>) target_semaphore(%run_scoped3A_59 : memref<!tpu.dma_semaphore, #tpu.memory_space<semaphore_mem>>)
      %dma_wait3A_66 = arith.constant 0 : i32
      %dma_wait3A_67 = tpu.memref_slice %arg3[%add3A, %dma_wait3A_66] : memref<32x10000xi32, #tpu.memory_space<hbm>> -> memref<1x10000xi32, #tpu.memory_space<hbm>>
      %dma_wait3A_68 = tpu.memref_squeeze %dma_wait3A_67 : memref<1x10000xi32, #tpu.memory_space<hbm>> -> memref<10000xi32, #tpu.memory_space<hbm>>
      %dma_wait3A_69 = arith.constant 0 : i32
      %dma_wait3A_70 = tpu.memref_slice %arg3[%add3A, %dma_wait3A_69] : memref<32x10000xi32, #tpu.memory_space<hbm>> -> memref<1x10000xi32, #tpu.memory_space<hbm>>
      %dma_wait3A_71 = tpu.memref_squeeze %dma_wait3A_70 : memref<1x10000xi32, #tpu.memory_space<hbm>> -> memref<10000xi32, #tpu.memory_space<hbm>>
      tpu.wait_dma2 semaphore(%run_scoped3A_59 : memref<!tpu.dma_semaphore, #tpu.memory_space<semaphore_mem>>) src(%dma_wait3A_71 : memref<10000xi32, #tpu.memory_space<hbm>>) dst(%arg7 : memref<10000xi32, #tpu.memory_space<vmem>>)
      tpu.yield
    }) : () -> ()
    "tpu.region"() ({
      %run_scoped3A_59 = tpu.sem_alloc : memref<!tpu.dma_semaphore, #tpu.memory_space<semaphore_mem>>
      %dma_start3A_60 = arith.constant 0 : i32
      %dma_start3A_61 = arith.constant 0 : i32
      %dma_start3A_62 = tpu.memref_slice %arg4[%add3A, %dma_start3A_60, %dma_start3A_61] : memref<32x125x80xi32, #tpu.memory_space<hbm>> -> memref<1x125x80xi32, #tpu.memory_space<hbm>>
      %dma_start3A_63 = tpu.memref_squeeze %dma_start3A_62 : memref<1x125x80xi32, #tpu.memory_space<hbm>> -> memref<125x80xi32, #tpu.memory_space<hbm>>
      %dma_start3A_64 = arith.constant 0 : i32
      %dma_start3A_65 = arith.constant 0 : i32
      %dma_start3A_66 = tpu.memref_slice %arg4[%add3A, %dma_start3A_64, %dma_start3A_65] : memref<32x125x80xi32, #tpu.memory_space<hbm>> -> memref<1x125x80xi32, #tpu.memory_space<hbm>>
      %dma_start3A_67 = tpu.memref_squeeze %dma_start3A_66 : memref<1x125x80xi32, #tpu.memory_space<hbm>> -> memref<125x80xi32, #tpu.memory_space<hbm>>
      tpu.enqueue_dma source(%dma_start3A_67 : memref<125x80xi32, #tpu.memory_space<hbm>>) target(%arg8 : memref<125x80xi32, #tpu.memory_space<vmem>>) target_semaphore(%run_scoped3A_59 : memref<!tpu.dma_semaphore, #tpu.memory_space<semaphore_mem>>)
      %dma_wait3A_68 = arith.constant 0 : i32
      %dma_wait3A_69 = arith.constant 0 : i32
      %dma_wait3A_70 = tpu.memref_slice %arg4[%add3A, %dma_wait3A_68, %dma_wait3A_69] : memref<32x125x80xi32, #tpu.memory_space<hbm>> -> memref<1x125x80xi32, #tpu.memory_space<hbm>>
      %dma_wait3A_71 = tpu.memref_squeeze %dma_wait3A_70 : memref<1x125x80xi32, #tpu.memory_space<hbm>> -> memref<125x80xi32, #tpu.memory_space<hbm>>
      %dma_wait3A_72 = arith.constant 0 : i32
      %dma_wait3A_73 = arith.constant 0 : i32
      %dma_wait3A_74 = tpu.memref_slice %arg4[%add3A, %dma_wait3A_72, %dma_wait3A_73] : memref<32x125x80xi32, #tpu.memory_space<hbm>> -> memref<1x125x80xi32, #tpu.memory_space<hbm>>
      %dma_wait3A_75 = tpu.memref_squeeze %dma_wait3A_74 : memref<1x125x80xi32, #tpu.memory_space<hbm>> -> memref<125x80xi32, #tpu.memory_space<hbm>>
      tpu.wait_dma2 semaphore(%run_scoped3A_59 : memref<!tpu.dma_semaphore, #tpu.memory_space<semaphore_mem>>) src(%dma_wait3A_75 : memref<125x80xi32, #tpu.memory_space<hbm>>) dst(%arg8 : memref<125x80xi32, #tpu.memory_space<vmem>>)
      tpu.yield
    }) : () -> ()
    %mul3A_1 = arith.constant 632 : i32
    %mul3A_2 = arith.muli %arg1, %mul3A_1 : i32
    %lt3A = arith.constant 15 : i32
    %lt3A_3 = arith.cmpi slt, %arg1, %lt3A : i32
    %convert_element_type3A = arith.extui %lt3A_3 : i1 to i32
    %cond3A = arith.constant 0 : i32
    %cond3A_4 = arith.cmpi ne, %convert_element_type3A, %cond3A : i32
    scf.if %cond3A_4 {
      "tpu.region"() ({
        %run_scoped3A_59 = tpu.sem_alloc : memref<!tpu.dma_semaphore, #tpu.memory_space<semaphore_mem>>
        %dma_start3A_60 = arith.constant 0 : i32
        %dma_start3A_61 = tpu.memref_slice %arg10[%mul3A_2, %dma_start3A_60] : memref<10000x128xf32, #tpu.memory_space<vmem_shared>> -> memref<632x128xf32, #tpu.memory_space<vmem_shared>>
        tpu.enqueue_dma source(%arg5 : memref<632x128xf32, #tpu.memory_space<hbm>>) target(%dma_start3A_61 : memref<632x128xf32, #tpu.memory_space<vmem_shared>>) target_semaphore(%run_scoped3A_59 : memref<!tpu.dma_semaphore, #tpu.memory_space<semaphore_mem>>)
        %dma_wait3A_62 = arith.constant 0 : i32
        %dma_wait3A_63 = tpu.memref_slice %arg10[%mul3A_2, %dma_wait3A_62] : memref<10000x128xf32, #tpu.memory_space<vmem_shared>> -> memref<632x128xf32, #tpu.memory_space<vmem_shared>>
        tpu.wait_dma2 semaphore(%run_scoped3A_59 : memref<!tpu.dma_semaphore, #tpu.memory_space<semaphore_mem>>) src(%arg5 : memref<632x128xf32, #tpu.memory_space<hbm>>) dst(%dma_wait3A_63 : memref<632x128xf32, #tpu.memory_space<vmem_shared>>)
        tpu.yield
      }) : () -> ()
    } else {
    }
    %eq3A = arith.constant 15 : i32
    %eq3A_5 = arith.cmpi eq, %arg1, %eq3A : i32
    %convert_element_type3A_6 = arith.extui %eq3A_5 : i1 to i32
    %cond3A_7 = arith.constant 0 : i32
    %cond3A_8 = arith.cmpi ne, %convert_element_type3A_6, %cond3A_7 : i32
    scf.if %cond3A_8 {
      "tpu.region"() ({
        %run_scoped3A_59 = tpu.sem_alloc : memref<!tpu.dma_semaphore, #tpu.memory_space<semaphore_mem>>
        %dma_start3A_60 = arith.constant 9480 : i32
        %dma_start3A_61 = arith.constant 0 : i32
        %dma_start3A_62 = tpu.memref_slice %arg10[%dma_start3A_60, %dma_start3A_61] : memref<10000x128xf32, #tpu.memory_space<vmem_shared>> -> memref<520x128xf32, #tpu.memory_space<vmem_shared>>
        %dma_start3A_63 = arith.constant 0 : i32
        %dma_start3A_64 = arith.constant 0 : i32
        %dma_start3A_65 = tpu.memref_slice %arg5[%dma_start3A_63, %dma_start3A_64] : memref<632x128xf32, #tpu.memory_space<hbm>> -> memref<520x128xf32, #tpu.memory_space<hbm>>
        tpu.enqueue_dma source(%dma_start3A_65 : memref<520x128xf32, #tpu.memory_space<hbm>>) target(%dma_start3A_62 : memref<520x128xf32, #tpu.memory_space<vmem_shared>>) target_semaphore(%run_scoped3A_59 : memref<!tpu.dma_semaphore, #tpu.memory_space<semaphore_mem>>)
        %dma_wait3A_66 = arith.constant 9480 : i32
        %dma_wait3A_67 = arith.constant 0 : i32
        %dma_wait3A_68 = tpu.memref_slice %arg10[%dma_wait3A_66, %dma_wait3A_67] : memref<10000x128xf32, #tpu.memory_space<vmem_shared>> -> memref<520x128xf32, #tpu.memory_space<vmem_shared>>
        %dma_wait3A_69 = arith.constant 0 : i32
        %dma_wait3A_70 = arith.constant 0 : i32
        %dma_wait3A_71 = tpu.memref_slice %arg5[%dma_wait3A_69, %dma_wait3A_70] : memref<632x128xf32, #tpu.memory_space<hbm>> -> memref<520x128xf32, #tpu.memory_space<hbm>>
        tpu.wait_dma2 semaphore(%run_scoped3A_59 : memref<!tpu.dma_semaphore, #tpu.memory_space<semaphore_mem>>) src(%dma_wait3A_71 : memref<520x128xf32, #tpu.memory_space<hbm>>) dst(%dma_wait3A_68 : memref<520x128xf32, #tpu.memory_space<vmem_shared>>)
        tpu.yield
      }) : () -> ()
    } else {
    }
    %barrier3A = arith.constant 0 : index
    tpu.barrier barrier_id(%barrier3A)
    %multiple_of3A = arith.constant 0 : i32
    %multiple_of3A_9 = tpu.assume_multiple %multiple_of3A, 8 : i32
    %dma_start3A = arith.constant 0 : i32
    %dma_start3A_10 = arith.constant 0 : i32
    %dma_start3A_11 = arith.constant 0 : i32
    %dma_start3A_12 = tpu.memref_slice %arg9[%dma_start3A, %dma_start3A_10, %dma_start3A_11] : memref<2x80x128xf32, #tpu.memory_space<vmem>> -> memref<1x80x128xf32, #tpu.memory_space<vmem>>
    %dma_start3A_13 = tpu.memref_squeeze %dma_start3A_12 : memref<1x80x128xf32, #tpu.memory_space<vmem>> -> memref<80x128xf32, #tpu.memory_space<vmem>>
    %dma_start3A_14 = tpu.memref_slice %arg7[%multiple_of3A_9] : memref<10000xi32, #tpu.memory_space<vmem>> -> memref<80xi32, #tpu.memory_space<vmem>>
    %dma_start3A_15 = arith.constant 0 : i32
    %dma_start3A_16 = arith.constant 0 : i32
    %dma_start3A_17 = tpu.memref_slice %arg2[%dma_start3A_15, %dma_start3A_16] : memref<10000x128xf32, #tpu.memory_space<hbm>> -> memref<10000x128xf32, #tpu.memory_space<hbm>>
    tpu.enqueue_indirect_dma source(%dma_start3A_17 : memref<10000x128xf32, #tpu.memory_space<hbm>>) target(%dma_start3A_13 : memref<80x128xf32, #tpu.memory_space<vmem>>) offsets(%dma_start3A_14 : memref<80xi32, #tpu.memory_space<vmem>>) semaphore(%arg11 : memref<!tpu.dma_semaphore, #tpu.memory_space<semaphore_mem>>)
    %multiple_of3A_18 = arith.constant 80 : i32
    %multiple_of3A_19 = tpu.assume_multiple %multiple_of3A_18, 8 : i32
    %dma_start3A_20 = arith.constant 1 : i32
    %dma_start3A_21 = arith.constant 0 : i32
    %dma_start3A_22 = arith.constant 0 : i32
    %dma_start3A_23 = tpu.memref_slice %arg9[%dma_start3A_20, %dma_start3A_21, %dma_start3A_22] : memref<2x80x128xf32, #tpu.memory_space<vmem>> -> memref<1x80x128xf32, #tpu.memory_space<vmem>>
    %dma_start3A_24 = tpu.memref_squeeze %dma_start3A_23 : memref<1x80x128xf32, #tpu.memory_space<vmem>> -> memref<80x128xf32, #tpu.memory_space<vmem>>
    %dma_start3A_25 = tpu.memref_slice %arg7[%multiple_of3A_19] : memref<10000xi32, #tpu.memory_space<vmem>> -> memref<80xi32, #tpu.memory_space<vmem>>
    %dma_start3A_26 = arith.constant 0 : i32
    %dma_start3A_27 = arith.constant 0 : i32
    %dma_start3A_28 = tpu.memref_slice %arg2[%dma_start3A_26, %dma_start3A_27] : memref<10000x128xf32, #tpu.memory_space<hbm>> -> memref<10000x128xf32, #tpu.memory_space<hbm>>
    tpu.enqueue_indirect_dma source(%dma_start3A_28 : memref<10000x128xf32, #tpu.memory_space<hbm>>) target(%dma_start3A_24 : memref<80x128xf32, #tpu.memory_space<vmem>>) offsets(%dma_start3A_25 : memref<80xi32, #tpu.memory_space<vmem>>) semaphore(%arg12 : memref<!tpu.dma_semaphore, #tpu.memory_space<semaphore_mem>>)
    %scan3A = arith.constant 0 : i32
    %scan3A_29 = arith.constant 1 : i32
    %scan3A_30 = arith.constant 0 : i32
    %scan3A_31 = arith.constant 0 : i32
    %scan3A_32 = arith.constant 62 : i32
    %scan3A_33 = arith.addi %scan3A_31, %scan3A_32 : i32
    %scan3A_34 = arith.constant 1 : i32
    %scan3A_35 = scf.for %scan3A_59 = %scan3A_31 to %scan3A_33 step %scan3A_34 iter_args(%scan3A_60 = %scan3A_30) -> (i32)  : i32 {
      %mul3A_61 = arith.constant 2 : i32
      %mul3A_62 = arith.muli %scan3A_59, %mul3A_61 : i32
      %add3A_63 = arith.constant 0 : i32
      %add3A_64 = arith.addi %mul3A_62, %add3A_63 : i32
      %mul3A_65 = arith.constant 80 : i32
      %mul3A_66 = arith.muli %add3A_64, %mul3A_65 : i32
      %multiple_of3A_67 = tpu.assume_multiple %mul3A_66, 8 : i32
      %dma_wait3A_68 = arith.constant 0 : i32
      %dma_wait3A_69 = arith.constant 0 : i32
      %dma_wait3A_70 = tpu.memref_slice %arg9[%scan3A, %dma_wait3A_68, %dma_wait3A_69] : memref<2x80x128xf32, #tpu.memory_space<vmem>> -> memref<1x80x128xf32, #tpu.memory_space<vmem>>
      %dma_wait3A_71 = tpu.memref_squeeze %dma_wait3A_70 : memref<1x80x128xf32, #tpu.memory_space<vmem>> -> memref<80x128xf32, #tpu.memory_space<vmem>>
      %dma_wait3A_72 = tpu.memref_slice %arg7[%multiple_of3A_67] : memref<10000xi32, #tpu.memory_space<vmem>> -> memref<80xi32, #tpu.memory_space<vmem>>
      %dma_wait3A_73 = arith.constant 0 : i32
      %dma_wait3A_74 = arith.constant 0 : i32
      %dma_wait3A_75 = tpu.memref_slice %arg2[%dma_wait3A_73, %dma_wait3A_74] : memref<10000x128xf32, #tpu.memory_space<hbm>> -> memref<10000x128xf32, #tpu.memory_space<hbm>>
      tpu.wait_indirect_dma semaphore(%arg11 : memref<!tpu.dma_semaphore, #tpu.memory_space<semaphore_mem>>) src(%dma_wait3A_75 : memref<10000x128xf32, #tpu.memory_space<hbm>>) dst(%dma_wait3A_71 : memref<80x128xf32, #tpu.memory_space<vmem>>)
      "tpu.region"() ({
        %run_scoped3A_106 = tpu.sem_alloc : memref<!tpu.dma_semaphore, #tpu.memory_space<semaphore_mem>>
        %dma_start3A_107 = arith.constant 0 : i32
        %dma_start3A_108 = arith.constant 0 : i32
        %dma_start3A_109 = tpu.memref_slice %arg9[%scan3A, %dma_start3A_107, %dma_start3A_108] : memref<2x80x128xf32, #tpu.memory_space<vmem>> -> memref<1x80x128xf32, #tpu.memory_space<vmem>>
        %dma_start3A_110 = tpu.memref_squeeze %dma_start3A_109 : memref<1x80x128xf32, #tpu.memory_space<vmem>> -> memref<80x128xf32, #tpu.memory_space<vmem>>
        %dma_start3A_111 = arith.constant 0 : i32
        %dma_start3A_112 = tpu.memref_slice %arg8[%add3A_64, %dma_start3A_111] : memref<125x80xi32, #tpu.memory_space<vmem>> -> memref<1x80xi32, #tpu.memory_space<vmem>>
        %dma_start3A_113 = tpu.memref_squeeze %dma_start3A_112 : memref<1x80xi32, #tpu.memory_space<vmem>> -> memref<80xi32, #tpu.memory_space<vmem>>
        %dma_start3A_114 = arith.constant 0 : i32
        %dma_start3A_115 = arith.constant 0 : i32
        %dma_start3A_116 = tpu.memref_slice %arg10[%dma_start3A_114, %dma_start3A_115] : memref<10000x128xf32, #tpu.memory_space<vmem_shared>> -> memref<10000x128xf32, #tpu.memory_space<vmem_shared>>
        tpu.enqueue_indirect_dma source(%dma_start3A_110 : memref<80x128xf32, #tpu.memory_space<vmem>>) target(%dma_start3A_116 : memref<10000x128xf32, #tpu.memory_space<vmem_shared>>) offsets(%dma_start3A_113 : memref<80xi32, #tpu.memory_space<vmem>>) semaphore(%run_scoped3A_106 : memref<!tpu.dma_semaphore, #tpu.memory_space<semaphore_mem>>) {add = true}
        %dma_wait3A_117 = arith.constant 0 : i32
        %dma_wait3A_118 = arith.constant 0 : i32
        %dma_wait3A_119 = tpu.memref_slice %arg9[%scan3A, %dma_wait3A_117, %dma_wait3A_118] : memref<2x80x128xf32, #tpu.memory_space<vmem>> -> memref<1x80x128xf32, #tpu.memory_space<vmem>>
        %dma_wait3A_120 = tpu.memref_squeeze %dma_wait3A_119 : memref<1x80x128xf32, #tpu.memory_space<vmem>> -> memref<80x128xf32, #tpu.memory_space<vmem>>
        %dma_wait3A_121 = arith.constant 0 : i32
        %dma_wait3A_122 = tpu.memref_slice %arg8[%add3A_64, %dma_wait3A_121] : memref<125x80xi32, #tpu.memory_space<vmem>> -> memref<1x80xi32, #tpu.memory_space<vmem>>
        %dma_wait3A_123 = tpu.memref_squeeze %dma_wait3A_122 : memref<1x80xi32, #tpu.memory_space<vmem>> -> memref<80xi32, #tpu.memory_space<vmem>>
        %dma_wait3A_124 = arith.constant 0 : i32
        %dma_wait3A_125 = arith.constant 0 : i32
        %dma_wait3A_126 = tpu.memref_slice %arg10[%dma_wait3A_124, %dma_wait3A_125] : memref<10000x128xf32, #tpu.memory_space<vmem_shared>> -> memref<10000x128xf32, #tpu.memory_space<vmem_shared>>
        tpu.wait_indirect_dma semaphore(%run_scoped3A_106 : memref<!tpu.dma_semaphore, #tpu.memory_space<semaphore_mem>>) src(%dma_wait3A_120 : memref<80x128xf32, #tpu.memory_space<vmem>>) dst(%dma_wait3A_126 : memref<10000x128xf32, #tpu.memory_space<vmem_shared>>)
        tpu.yield
      }) : () -> ()
      %add3A_76 = arith.constant 2 : i32
      %add3A_77 = arith.addi %add3A_64, %add3A_76 : i32
      %lt3A_78 = arith.constant 125 : i32
      %lt3A_79 = arith.cmpi slt, %add3A_77, %lt3A_78 : i32
      %convert_element_type3A_80 = arith.extui %lt3A_79 : i1 to i32
      %cond3A_81 = arith.constant 0 : i32
      %cond3A_82 = arith.cmpi ne, %convert_element_type3A_80, %cond3A_81 : i32
      scf.if %cond3A_82 {
        %add3A_106 = arith.constant 2 : i32
        %add3A_107 = arith.addi %add3A_64, %add3A_106 : i32
        %mul3A_108 = arith.constant 80 : i32
        %mul3A_109 = arith.muli %add3A_107, %mul3A_108 : i32
        %multiple_of3A_110 = tpu.assume_multiple %mul3A_109, 8 : i32
        %dma_start3A_111 = arith.constant 0 : i32
        %dma_start3A_112 = arith.constant 0 : i32
        %dma_start3A_113 = tpu.memref_slice %arg9[%scan3A, %dma_start3A_111, %dma_start3A_112] : memref<2x80x128xf32, #tpu.memory_space<vmem>> -> memref<1x80x128xf32, #tpu.memory_space<vmem>>
        %dma_start3A_114 = tpu.memref_squeeze %dma_start3A_113 : memref<1x80x128xf32, #tpu.memory_space<vmem>> -> memref<80x128xf32, #tpu.memory_space<vmem>>
        %dma_start3A_115 = tpu.memref_slice %arg7[%multiple_of3A_110] : memref<10000xi32, #tpu.memory_space<vmem>> -> memref<80xi32, #tpu.memory_space<vmem>>
        %dma_start3A_116 = arith.constant 0 : i32
        %dma_start3A_117 = arith.constant 0 : i32
        %dma_start3A_118 = tpu.memref_slice %arg2[%dma_start3A_116, %dma_start3A_117] : memref<10000x128xf32, #tpu.memory_space<hbm>> -> memref<10000x128xf32, #tpu.memory_space<hbm>>
        tpu.enqueue_indirect_dma source(%dma_start3A_118 : memref<10000x128xf32, #tpu.memory_space<hbm>>) target(%dma_start3A_114 : memref<80x128xf32, #tpu.memory_space<vmem>>) offsets(%dma_start3A_115 : memref<80xi32, #tpu.memory_space<vmem>>) semaphore(%arg11 : memref<!tpu.dma_semaphore, #tpu.memory_space<semaphore_mem>>)
      } else {
      }
      %mul3A_83 = arith.constant 2 : i32
      %mul3A_84 = arith.muli %scan3A_59, %mul3A_83 : i32
      %add3A_85 = arith.constant 1 : i32
      %add3A_86 = arith.addi %mul3A_84, %add3A_85 : i32
      %mul3A_87 = arith.constant 80 : i32
      %mul3A_88 = arith.muli %add3A_86, %mul3A_87 : i32
      %multiple_of3A_89 = tpu.assume_multiple %mul3A_88, 8 : i32
      %dma_wait3A_90 = arith.constant 0 : i32
      %dma_wait3A_91 = arith.constant 0 : i32
      %dma_wait3A_92 = tpu.memref_slice %arg9[%scan3A_29, %dma_wait3A_90, %dma_wait3A_91] : memref<2x80x128xf32, #tpu.memory_space<vmem>> -> memref<1x80x128xf32, #tpu.memory_space<vmem>>
      %dma_wait3A_93 = tpu.memref_squeeze %dma_wait3A_92 : memref<1x80x128xf32, #tpu.memory_space<vmem>> -> memref<80x128xf32, #tpu.memory_space<vmem>>
      %dma_wait3A_94 = tpu.memref_slice %arg7[%multiple_of3A_89] : memref<10000xi32, #tpu.memory_space<vmem>> -> memref<80xi32, #tpu.memory_space<vmem>>
      %dma_wait3A_95 = arith.constant 0 : i32
      %dma_wait3A_96 = arith.constant 0 : i32
      %dma_wait3A_97 = tpu.memref_slice %arg2[%dma_wait3A_95, %dma_wait3A_96] : memref<10000x128xf32, #tpu.memory_space<hbm>> -> memref<10000x128xf32, #tpu.memory_space<hbm>>
      tpu.wait_indirect_dma semaphore(%arg12 : memref<!tpu.dma_semaphore, #tpu.memory_space<semaphore_mem>>) src(%dma_wait3A_97 : memref<10000x128xf32, #tpu.memory_space<hbm>>) dst(%dma_wait3A_93 : memref<80x128xf32, #tpu.memory_space<vmem>>)
      "tpu.region"() ({
        %run_scoped3A_106 = tpu.sem_alloc : memref<!tpu.dma_semaphore, #tpu.memory_space<semaphore_mem>>
        %dma_start3A_107 = arith.constant 0 : i32
        %dma_start3A_108 = arith.constant 0 : i32
        %dma_start3A_109 = tpu.memref_slice %arg9[%scan3A_29, %dma_start3A_107, %dma_start3A_108] : memref<2x80x128xf32, #tpu.memory_space<vmem>> -> memref<1x80x128xf32, #tpu.memory_space<vmem>>
        %dma_start3A_110 = tpu.memref_squeeze %dma_start3A_109 : memref<1x80x128xf32, #tpu.memory_space<vmem>> -> memref<80x128xf32, #tpu.memory_space<vmem>>
        %dma_start3A_111 = arith.constant 0 : i32
        %dma_start3A_112 = tpu.memref_slice %arg8[%add3A_86, %dma_start3A_111] : memref<125x80xi32, #tpu.memory_space<vmem>> -> memref<1x80xi32, #tpu.memory_space<vmem>>
        %dma_start3A_113 = tpu.memref_squeeze %dma_start3A_112 : memref<1x80xi32, #tpu.memory_space<vmem>> -> memref<80xi32, #tpu.memory_space<vmem>>
        %dma_start3A_114 = arith.constant 0 : i32
        %dma_start3A_115 = arith.constant 0 : i32
        %dma_start3A_116 = tpu.memref_slice %arg10[%dma_start3A_114, %dma_start3A_115] : memref<10000x128xf32, #tpu.memory_space<vmem_shared>> -> memref<10000x128xf32, #tpu.memory_space<vmem_shared>>
        tpu.enqueue_indirect_dma source(%dma_start3A_110 : memref<80x128xf32, #tpu.memory_space<vmem>>) target(%dma_start3A_116 : memref<10000x128xf32, #tpu.memory_space<vmem_shared>>) offsets(%dma_start3A_113 : memref<80xi32, #tpu.memory_space<vmem>>) semaphore(%run_scoped3A_106 : memref<!tpu.dma_semaphore, #tpu.memory_space<semaphore_mem>>) {add = true}
        %dma_wait3A_117 = arith.constant 0 : i32
        %dma_wait3A_118 = arith.constant 0 : i32
        %dma_wait3A_119 = tpu.memref_slice %arg9[%scan3A_29, %dma_wait3A_117, %dma_wait3A_118] : memref<2x80x128xf32, #tpu.memory_space<vmem>> -> memref<1x80x128xf32, #tpu.memory_space<vmem>>
        %dma_wait3A_120 = tpu.memref_squeeze %dma_wait3A_119 : memref<1x80x128xf32, #tpu.memory_space<vmem>> -> memref<80x128xf32, #tpu.memory_space<vmem>>
        %dma_wait3A_121 = arith.constant 0 : i32
        %dma_wait3A_122 = tpu.memref_slice %arg8[%add3A_86, %dma_wait3A_121] : memref<125x80xi32, #tpu.memory_space<vmem>> -> memref<1x80xi32, #tpu.memory_space<vmem>>
        %dma_wait3A_123 = tpu.memref_squeeze %dma_wait3A_122 : memref<1x80xi32, #tpu.memory_space<vmem>> -> memref<80xi32, #tpu.memory_space<vmem>>
        %dma_wait3A_124 = arith.constant 0 : i32
        %dma_wait3A_125 = arith.constant 0 : i32
        %dma_wait3A_126 = tpu.memref_slice %arg10[%dma_wait3A_124, %dma_wait3A_125] : memref<10000x128xf32, #tpu.memory_space<vmem_shared>> -> memref<10000x128xf32, #tpu.memory_space<vmem_shared>>
        tpu.wait_indirect_dma semaphore(%run_scoped3A_106 : memref<!tpu.dma_semaphore, #tpu.memory_space<semaphore_mem>>) src(%dma_wait3A_120 : memref<80x128xf32, #tpu.memory_space<vmem>>) dst(%dma_wait3A_126 : memref<10000x128xf32, #tpu.memory_space<vmem_shared>>)
        tpu.yield
      }) : () -> ()
      %add3A_98 = arith.constant 2 : i32
      %add3A_99 = arith.addi %add3A_86, %add3A_98 : i32
      %lt3A_100 = arith.constant 125 : i32
      %lt3A_101 = arith.cmpi slt, %add3A_99, %lt3A_100 : i32
      %convert_element_type3A_102 = arith.extui %lt3A_101 : i1 to i32
      %cond3A_103 = arith.constant 0 : i32
      %cond3A_104 = arith.cmpi ne, %convert_element_type3A_102, %cond3A_103 : i32
      scf.if %cond3A_104 {
        %add3A_106 = arith.constant 2 : i32
        %add3A_107 = arith.addi %add3A_86, %add3A_106 : i32
        %mul3A_108 = arith.constant 80 : i32
        %mul3A_109 = arith.muli %add3A_107, %mul3A_108 : i32
        %multiple_of3A_110 = tpu.assume_multiple %mul3A_109, 8 : i32
        %dma_start3A_111 = arith.constant 0 : i32
        %dma_start3A_112 = arith.constant 0 : i32
        %dma_start3A_113 = tpu.memref_slice %arg9[%scan3A_29, %dma_start3A_111, %dma_start3A_112] : memref<2x80x128xf32, #tpu.memory_space<vmem>> -> memref<1x80x128xf32, #tpu.memory_space<vmem>>
        %dma_start3A_114 = tpu.memref_squeeze %dma_start3A_113 : memref<1x80x128xf32, #tpu.memory_space<vmem>> -> memref<80x128xf32, #tpu.memory_space<vmem>>
        %dma_start3A_115 = tpu.memref_slice %arg7[%multiple_of3A_110] : memref<10000xi32, #tpu.memory_space<vmem>> -> memref<80xi32, #tpu.memory_space<vmem>>
        %dma_start3A_116 = arith.constant 0 : i32
        %dma_start3A_117 = arith.constant 0 : i32
        %dma_start3A_118 = tpu.memref_slice %arg2[%dma_start3A_116, %dma_start3A_117] : memref<10000x128xf32, #tpu.memory_space<hbm>> -> memref<10000x128xf32, #tpu.memory_space<hbm>>
        tpu.enqueue_indirect_dma source(%dma_start3A_118 : memref<10000x128xf32, #tpu.memory_space<hbm>>) target(%dma_start3A_114 : memref<80x128xf32, #tpu.memory_space<vmem>>) offsets(%dma_start3A_115 : memref<80xi32, #tpu.memory_space<vmem>>) semaphore(%arg12 : memref<!tpu.dma_semaphore, #tpu.memory_space<semaphore_mem>>)
      } else {
      }
      %scan3A_105 = arith.constant 0 : i32
      scf.yield %scan3A_105 : i32
    }
    %scan3A_36 = arith.constant 62 : i32
    %multiple_of3A_37 = arith.constant 9920 : i32
    %multiple_of3A_38 = tpu.assume_multiple %multiple_of3A_37, 8 : i32
    %dma_wait3A = arith.constant 0 : i32
    %dma_wait3A_39 = arith.constant 0 : i32
    %dma_wait3A_40 = arith.constant 0 : i32
    %dma_wait3A_41 = tpu.memref_slice %arg9[%dma_wait3A, %dma_wait3A_39, %dma_wait3A_40] : memref<2x80x128xf32, #tpu.memory_space<vmem>> -> memref<1x80x128xf32, #tpu.memory_space<vmem>>
    %dma_wait3A_42 = tpu.memref_squeeze %dma_wait3A_41 : memref<1x80x128xf32, #tpu.memory_space<vmem>> -> memref<80x128xf32, #tpu.memory_space<vmem>>
    %dma_wait3A_43 = tpu.memref_slice %arg7[%multiple_of3A_38] : memref<10000xi32, #tpu.memory_space<vmem>> -> memref<80xi32, #tpu.memory_space<vmem>>
    %dma_wait3A_44 = arith.constant 0 : i32
    %dma_wait3A_45 = arith.constant 0 : i32
    %dma_wait3A_46 = tpu.memref_slice %arg2[%dma_wait3A_44, %dma_wait3A_45] : memref<10000x128xf32, #tpu.memory_space<hbm>> -> memref<10000x128xf32, #tpu.memory_space<hbm>>
    tpu.wait_indirect_dma semaphore(%arg11 : memref<!tpu.dma_semaphore, #tpu.memory_space<semaphore_mem>>) src(%dma_wait3A_46 : memref<10000x128xf32, #tpu.memory_space<hbm>>) dst(%dma_wait3A_42 : memref<80x128xf32, #tpu.memory_space<vmem>>)
    %run_scoped3A = arith.constant 0 : i32
    %run_scoped3A_47 = arith.constant 124 : i32
    "tpu.region"() ({
      %run_scoped3A_59 = tpu.sem_alloc : memref<!tpu.dma_semaphore, #tpu.memory_space<semaphore_mem>>
      %dma_start3A_60 = arith.constant 0 : i32
      %dma_start3A_61 = arith.constant 0 : i32
      %dma_start3A_62 = tpu.memref_slice %arg9[%run_scoped3A, %dma_start3A_60, %dma_start3A_61] : memref<2x80x128xf32, #tpu.memory_space<vmem>> -> memref<1x80x128xf32, #tpu.memory_space<vmem>>
      %dma_start3A_63 = tpu.memref_squeeze %dma_start3A_62 : memref<1x80x128xf32, #tpu.memory_space<vmem>> -> memref<80x128xf32, #tpu.memory_space<vmem>>
      %dma_start3A_64 = arith.constant 0 : i32
      %dma_start3A_65 = tpu.memref_slice %arg8[%run_scoped3A_47, %dma_start3A_64] : memref<125x80xi32, #tpu.memory_space<vmem>> -> memref<1x80xi32, #tpu.memory_space<vmem>>
      %dma_start3A_66 = tpu.memref_squeeze %dma_start3A_65 : memref<1x80xi32, #tpu.memory_space<vmem>> -> memref<80xi32, #tpu.memory_space<vmem>>
      %dma_start3A_67 = arith.constant 0 : i32
      %dma_start3A_68 = arith.constant 0 : i32
      %dma_start3A_69 = tpu.memref_slice %arg10[%dma_start3A_67, %dma_start3A_68] : memref<10000x128xf32, #tpu.memory_space<vmem_shared>> -> memref<10000x128xf32, #tpu.memory_space<vmem_shared>>
      tpu.enqueue_indirect_dma source(%dma_start3A_63 : memref<80x128xf32, #tpu.memory_space<vmem>>) target(%dma_start3A_69 : memref<10000x128xf32, #tpu.memory_space<vmem_shared>>) offsets(%dma_start3A_66 : memref<80xi32, #tpu.memory_space<vmem>>) semaphore(%run_scoped3A_59 : memref<!tpu.dma_semaphore, #tpu.memory_space<semaphore_mem>>) {add = true}
      %dma_wait3A_70 = arith.constant 0 : i32
      %dma_wait3A_71 = arith.constant 0 : i32
      %dma_wait3A_72 = tpu.memref_slice %arg9[%run_scoped3A, %dma_wait3A_70, %dma_wait3A_71] : memref<2x80x128xf32, #tpu.memory_space<vmem>> -> memref<1x80x128xf32, #tpu.memory_space<vmem>>
      %dma_wait3A_73 = tpu.memref_squeeze %dma_wait3A_72 : memref<1x80x128xf32, #tpu.memory_space<vmem>> -> memref<80x128xf32, #tpu.memory_space<vmem>>
      %dma_wait3A_74 = arith.constant 0 : i32
      %dma_wait3A_75 = tpu.memref_slice %arg8[%run_scoped3A_47, %dma_wait3A_74] : memref<125x80xi32, #tpu.memory_space<vmem>> -> memref<1x80xi32, #tpu.memory_space<vmem>>
      %dma_wait3A_76 = tpu.memref_squeeze %dma_wait3A_75 : memref<1x80xi32, #tpu.memory_space<vmem>> -> memref<80xi32, #tpu.memory_space<vmem>>
      %dma_wait3A_77 = arith.constant 0 : i32
      %dma_wait3A_78 = arith.constant 0 : i32
      %dma_wait3A_79 = tpu.memref_slice %arg10[%dma_wait3A_77, %dma_wait3A_78] : memref<10000x128xf32, #tpu.memory_space<vmem_shared>> -> memref<10000x128xf32, #tpu.memory_space<vmem_shared>>
      tpu.wait_indirect_dma semaphore(%run_scoped3A_59 : memref<!tpu.dma_semaphore, #tpu.memory_space<semaphore_mem>>) src(%dma_wait3A_73 : memref<80x128xf32, #tpu.memory_space<vmem>>) dst(%dma_wait3A_79 : memref<10000x128xf32, #tpu.memory_space<vmem_shared>>)
      tpu.yield
    }) : () -> ()
    %barrier3A_48 = arith.constant 0 : index
    tpu.barrier barrier_id(%barrier3A_48)
    %lt3A_49 = arith.constant 15 : i32
    %lt3A_50 = arith.cmpi slt, %arg1, %lt3A_49 : i32
    %convert_element_type3A_51 = arith.extui %lt3A_50 : i1 to i32
    %cond3A_52 = arith.constant 0 : i32
    %cond3A_53 = arith.cmpi ne, %convert_element_type3A_51, %cond3A_52 : i32
    scf.if %cond3A_53 {
      "tpu.region"() ({
        %run_scoped3A_59 = tpu.sem_alloc : memref<!tpu.dma_semaphore, #tpu.memory_space<semaphore_mem>>
        %dma_start3A_60 = arith.constant 0 : i32
        %dma_start3A_61 = tpu.memref_slice %arg6[%arg0, %mul3A_2, %dma_start3A_60] : memref<2x10000x128xf32, #tpu.memory_space<hbm>> -> memref<1x632x128xf32, #tpu.memory_space<hbm>>
        %dma_start3A_62 = tpu.memref_squeeze %dma_start3A_61 : memref<1x632x128xf32, #tpu.memory_space<hbm>> -> memref<632x128xf32, #tpu.memory_space<hbm>>
        %dma_start3A_63 = arith.constant 0 : i32
        %dma_start3A_64 = tpu.memref_slice %arg10[%mul3A_2, %dma_start3A_63] : memref<10000x128xf32, #tpu.memory_space<vmem_shared>> -> memref<632x128xf32, #tpu.memory_space<vmem_shared>>
        tpu.enqueue_dma source(%dma_start3A_64 : memref<632x128xf32, #tpu.memory_space<vmem_shared>>) target(%dma_start3A_62 : memref<632x128xf32, #tpu.memory_space<hbm>>) target_semaphore(%run_scoped3A_59 : memref<!tpu.dma_semaphore, #tpu.memory_space<semaphore_mem>>)
        %dma_wait3A_65 = arith.constant 0 : i32
        %dma_wait3A_66 = tpu.memref_slice %arg6[%arg0, %mul3A_2, %dma_wait3A_65] : memref<2x10000x128xf32, #tpu.memory_space<hbm>> -> memref<1x632x128xf32, #tpu.memory_space<hbm>>
        %dma_wait3A_67 = tpu.memref_squeeze %dma_wait3A_66 : memref<1x632x128xf32, #tpu.memory_space<hbm>> -> memref<632x128xf32, #tpu.memory_space<hbm>>
        %dma_wait3A_68 = arith.constant 0 : i32
        %dma_wait3A_69 = tpu.memref_slice %arg10[%mul3A_2, %dma_wait3A_68] : memref<10000x128xf32, #tpu.memory_space<vmem_shared>> -> memref<632x128xf32, #tpu.memory_space<vmem_shared>>
        tpu.wait_dma2 semaphore(%run_scoped3A_59 : memref<!tpu.dma_semaphore, #tpu.memory_space<semaphore_mem>>) src(%dma_wait3A_69 : memref<632x128xf32, #tpu.memory_space<vmem_shared>>) dst(%dma_wait3A_67 : memref<632x128xf32, #tpu.memory_space<hbm>>)
        tpu.yield
      }) : () -> ()
    } else {
    }
    %eq3A_54 = arith.constant 15 : i32
    %eq3A_55 = arith.cmpi eq, %arg1, %eq3A_54 : i32
    %convert_element_type3A_56 = arith.extui %eq3A_55 : i1 to i32
    %cond3A_57 = arith.constant 0 : i32
    %cond3A_58 = arith.cmpi ne, %convert_element_type3A_56, %cond3A_57 : i32
    scf.if %cond3A_58 {
      "tpu.region"() ({
        %run_scoped3A_59 = tpu.sem_alloc : memref<!tpu.dma_semaphore, #tpu.memory_space<semaphore_mem>>
        %dma_start3A_60 = arith.constant 9480 : i32
        %dma_start3A_61 = arith.constant 0 : i32
        %dma_start3A_62 = tpu.memref_slice %arg6[%arg0, %dma_start3A_60, %dma_start3A_61] : memref<2x10000x128xf32, #tpu.memory_space<hbm>> -> memref<1x520x128xf32, #tpu.memory_space<hbm>>
        %dma_start3A_63 = tpu.memref_squeeze %dma_start3A_62 : memref<1x520x128xf32, #tpu.memory_space<hbm>> -> memref<520x128xf32, #tpu.memory_space<hbm>>
        %dma_start3A_64 = arith.constant 9480 : i32
        %dma_start3A_65 = arith.constant 0 : i32
        %dma_start3A_66 = tpu.memref_slice %arg10[%dma_start3A_64, %dma_start3A_65] : memref<10000x128xf32, #tpu.memory_space<vmem_shared>> -> memref<520x128xf32, #tpu.memory_space<vmem_shared>>
        tpu.enqueue_dma source(%dma_start3A_66 : memref<520x128xf32, #tpu.memory_space<vmem_shared>>) target(%dma_start3A_63 : memref<520x128xf32, #tpu.memory_space<hbm>>) target_semaphore(%run_scoped3A_59 : memref<!tpu.dma_semaphore, #tpu.memory_space<semaphore_mem>>)
        %dma_wait3A_67 = arith.constant 9480 : i32
        %dma_wait3A_68 = arith.constant 0 : i32
        %dma_wait3A_69 = tpu.memref_slice %arg6[%arg0, %dma_wait3A_67, %dma_wait3A_68] : memref<2x10000x128xf32, #tpu.memory_space<hbm>> -> memref<1x520x128xf32, #tpu.memory_space<hbm>>
        %dma_wait3A_70 = tpu.memref_squeeze %dma_wait3A_69 : memref<1x520x128xf32, #tpu.memory_space<hbm>> -> memref<520x128xf32, #tpu.memory_space<hbm>>
        %dma_wait3A_71 = arith.constant 9480 : i32
        %dma_wait3A_72 = arith.constant 0 : i32
        %dma_wait3A_73 = tpu.memref_slice %arg10[%dma_wait3A_71, %dma_wait3A_72] : memref<10000x128xf32, #tpu.memory_space<vmem_shared>> -> memref<520x128xf32, #tpu.memory_space<vmem_shared>>
        tpu.wait_dma2 semaphore(%run_scoped3A_59 : memref<!tpu.dma_semaphore, #tpu.memory_space<semaphore_mem>>) src(%dma_wait3A_73 : memref<520x128xf32, #tpu.memory_space<vmem_shared>>) dst(%dma_wait3A_70 : memref<520x128xf32, #tpu.memory_space<hbm>>)
        tpu.yield
      }) : () -> ()
    } else {
    }
    return
  }
}

#map = affine_map<(d0, d1) -> (0, 0)>
#map1 = affine_map<(d0, d1) -> (0, 0, 0)>
module attributes {stable_mosaic.version = 14 : i64} {
  func.func @body(%arg0: i32, %arg1: i32, %arg2: memref<10000x128xf32, #tpu.memory_space<hbm>>, %arg3: memref<32x10000xi32, #tpu.memory_space<hbm>>, %arg4: memref<32x125x80xi32, #tpu.memory_space<hbm>>, %arg5: memref<632x128xf32, #tpu.memory_space<hbm>>, %arg6: memref<2x10000x128xf32, #tpu.memory_space<hbm>>, %arg7: memref<10000xi32, #tpu.memory_space<vmem>>, %arg8: memref<125x80xi32, #tpu.memory_space<vmem>>, %arg9: memref<2x80x128xf32, #tpu.memory_space<vmem>>, %arg10: memref<10000x128xf32, #tpu.memory_space<vmem_shared>>, %arg11: memref<!tpu.dma_semaphore, #tpu.memory_space<semaphore_mem>>, %arg12: memref<!tpu.dma_semaphore, #tpu.memory_space<semaphore_mem>>) attributes {dimension_semantics = [#tpu.dimension_semantics<core_parallel>, #tpu.dimension_semantics<subcore_parallel>], iteration_bounds = array<i64: 2, 16>, scalar_prefetch = 0 : i64, scratch_operands = 6 : i64, tpu.core_type = #tpu.core_type<sc_vector_subcore>, window_params = [{transform_indices = #map}, {transform_indices = #map}, {transform_indices = #map1}, {transform_indices = #map}, {transform_indices = #map1}]} {
    %mul3A = arith.constant 16 : i32
    %mul3A_0 = arith.muli %arg0, %mul3A : i32
    %add3A = arith.addi %mul3A_0, %arg1 : i32
    "tpu.region"() ({
      %run_scoped3A_59 = tpu.sem_alloc : memref<!tpu.dma_semaphore, #tpu.memory_space<semaphore_mem>>
      %dma_start3A_60 = arith.constant 0 : i32
      %dma_start3A_61 = tpu.memref_slice %arg3[%add3A, %dma_start3A_60] : memref<32x10000xi32, #tpu.memory_space<hbm>> -> memref<1x10000xi32, #tpu.memory_space<hbm>>
      %dma_start3A_62 = tpu.memref_squeeze %dma_start3A_61 : memref<1x10000xi32, #tpu.memory_space<hbm>> -> memref<10000xi32, #tpu.memory_space<hbm>>
      %dma_start3A_63 = arith.constant 0 : i32
      %dma_start3A_64 = tpu.memref_slice %arg3[%add3A, %dma_start3A_63] : memref<32x10000xi32, #tpu.memory_space<hbm>> -> memref<1x10000xi32, #tpu.memory_space<hbm>>
      %dma_start3A_65 = tpu.memref_squeeze %dma_start3A_64 : memref<1x10000xi32, #tpu.memory_space<hbm>> -> memref<10000xi32, #tpu.memory_space<hbm>>
      tpu.enqueue_dma source(%dma_start3A_65 : memref<10000xi32, #tpu.memory_space<hbm>>) target(%arg7 : memref<10000xi32, #tpu.memory_space<vmem>>) target_semaphore(%run_scoped3A_59 : memref<!tpu.dma_semaphore, #tpu.memory_space<semaphore_mem>>)
      %dma_wait3A_66 = arith.constant 0 : i32
      %dma_wait3A_67 = tpu.memref_slice %arg3[%add3A, %dma_wait3A_66] : memref<32x10000xi32, #tpu.memory_space<hbm>> -> memref<1x10000xi32, #tpu.memory_space<hbm>>
      %dma_wait3A_68 = tpu.memref_squeeze %dma_wait3A_67 : memref<1x10000xi32, #tpu.memory_space<hbm>> -> memref<10000xi32, #tpu.memory_space<hbm>>
      %dma_wait3A_69 = arith.constant 0 : i32
      %dma_wait3A_70 = tpu.memref_slice %arg3[%add3A, %dma_wait3A_69] : memref<32x10000xi32, #tpu.memory_space<hbm>> -> memref<1x10000xi32, #tpu.memory_space<hbm>>
      %dma_wait3A_71 = tpu.memref_squeeze %dma_wait3A_70 : memref<1x10000xi32, #tpu.memory_space<hbm>> -> memref<10000xi32, #tpu.memory_space<hbm>>
      tpu.wait_dma2 semaphore(%run_scoped3A_59 : memref<!tpu.dma_semaphore, #tpu.memory_space<semaphore_mem>>) src(%dma_wait3A_71 : memref<10000xi32, #tpu.memory_space<hbm>>) dst(%arg7 : memref<10000xi32, #tpu.memory_space<vmem>>)
      tpu.yield
    }) : () -> ()
    "tpu.region"() ({
      %run_scoped3A_59 = tpu.sem_alloc : memref<!tpu.dma_semaphore, #tpu.memory_space<semaphore_mem>>
      %dma_start3A_60 = arith.constant 0 : i32
      %dma_start3A_61 = arith.constant 0 : i32
      %dma_start3A_62 = tpu.memref_slice %arg4[%add3A, %dma_start3A_60, %dma_start3A_61] : memref<32x125x80xi32, #tpu.memory_space<hbm>> -> memref<1x125x80xi32, #tpu.memory_space<hbm>>
      %dma_start3A_63 = tpu.memref_squeeze %dma_start3A_62 : memref<1x125x80xi32, #tpu.memory_space<hbm>> -> memref<125x80xi32, #tpu.memory_space<hbm>>
      %dma_start3A_64 = arith.constant 0 : i32
      %dma_start3A_65 = arith.constant 0 : i32
      %dma_start3A_66 = tpu.memref_slice %arg4[%add3A, %dma_start3A_64, %dma_start3A_65] : memref<32x125x80xi32, #tpu.memory_space<hbm>> -> memref<1x125x80xi32, #tpu.memory_space<hbm>>
      %dma_start3A_67 = tpu.memref_squeeze %dma_start3A_66 : memref<1x125x80xi32, #tpu.memory_space<hbm>> -> memref<125x80xi32, #tpu.memory_space<hbm>>
      tpu.enqueue_dma source(%dma_start3A_67 : memref<125x80xi32, #tpu.memory_space<hbm>>) target(%arg8 : memref<125x80xi32, #tpu.memory_space<vmem>>) target_semaphore(%run_scoped3A_59 : memref<!tpu.dma_semaphore, #tpu.memory_space<semaphore_mem>>)
      %dma_wait3A_68 = arith.constant 0 : i32
      %dma_wait3A_69 = arith.constant 0 : i32
      %dma_wait3A_70 = tpu.memref_slice %arg4[%add3A, %dma_wait3A_68, %dma_wait3A_69] : memref<32x125x80xi32, #tpu.memory_space<hbm>> -> memref<1x125x80xi32, #tpu.memory_space<hbm>>
      %dma_wait3A_71 = tpu.memref_squeeze %dma_wait3A_70 : memref<1x125x80xi32, #tpu.memory_space<hbm>> -> memref<125x80xi32, #tpu.memory_space<hbm>>
      %dma_wait3A_72 = arith.constant 0 : i32
      %dma_wait3A_73 = arith.constant 0 : i32
      %dma_wait3A_74 = tpu.memref_slice %arg4[%add3A, %dma_wait3A_72, %dma_wait3A_73] : memref<32x125x80xi32, #tpu.memory_space<hbm>> -> memref<1x125x80xi32, #tpu.memory_space<hbm>>
      %dma_wait3A_75 = tpu.memref_squeeze %dma_wait3A_74 : memref<1x125x80xi32, #tpu.memory_space<hbm>> -> memref<125x80xi32, #tpu.memory_space<hbm>>
      tpu.wait_dma2 semaphore(%run_scoped3A_59 : memref<!tpu.dma_semaphore, #tpu.memory_space<semaphore_mem>>) src(%dma_wait3A_75 : memref<125x80xi32, #tpu.memory_space<hbm>>) dst(%arg8 : memref<125x80xi32, #tpu.memory_space<vmem>>)
      tpu.yield
    }) : () -> ()
    %mul3A_1 = arith.constant 632 : i32
    %mul3A_2 = arith.muli %arg1, %mul3A_1 : i32
    %lt3A = arith.constant 15 : i32
    %lt3A_3 = arith.cmpi slt, %arg1, %lt3A : i32
    %convert_element_type3A = arith.extui %lt3A_3 : i1 to i32
    %cond3A = arith.constant 0 : i32
    %cond3A_4 = arith.cmpi ne, %convert_element_type3A, %cond3A : i32
    scf.if %cond3A_4 {
      "tpu.region"() ({
        %run_scoped3A_59 = tpu.sem_alloc : memref<!tpu.dma_semaphore, #tpu.memory_space<semaphore_mem>>
        %dma_start3A_60 = arith.constant 0 : i32
        %dma_start3A_61 = tpu.memref_slice %arg10[%mul3A_2, %dma_start3A_60] : memref<10000x128xf32, #tpu.memory_space<vmem_shared>> -> memref<632x128xf32, #tpu.memory_space<vmem_shared>>
        tpu.enqueue_dma source(%arg5 : memref<632x128xf32, #tpu.memory_space<hbm>>) target(%dma_start3A_61 : memref<632x128xf32, #tpu.memory_space<vmem_shared>>) target_semaphore(%run_scoped3A_59 : memref<!tpu.dma_semaphore, #tpu.memory_space<semaphore_mem>>)
        %dma_wait3A_62 = arith.constant 0 : i32
        %dma_wait3A_63 = tpu.memref_slice %arg10[%mul3A_2, %dma_wait3A_62] : memref<10000x128xf32, #tpu.memory_space<vmem_shared>> -> memref<632x128xf32, #tpu.memory_space<vmem_shared>>
        tpu.wait_dma2 semaphore(%run_scoped3A_59 : memref<!tpu.dma_semaphore, #tpu.memory_space<semaphore_mem>>) src(%arg5 : memref<632x128xf32, #tpu.memory_space<hbm>>) dst(%dma_wait3A_63 : memref<632x128xf32, #tpu.memory_space<vmem_shared>>)
        tpu.yield
      }) : () -> ()
    } else {
    }
    %eq3A = arith.constant 15 : i32
    %eq3A_5 = arith.cmpi eq, %arg1, %eq3A : i32
    %convert_element_type3A_6 = arith.extui %eq3A_5 : i1 to i32
    %cond3A_7 = arith.constant 0 : i32
    %cond3A_8 = arith.cmpi ne, %convert_element_type3A_6, %cond3A_7 : i32
    scf.if %cond3A_8 {
      "tpu.region"() ({
        %run_scoped3A_59 = tpu.sem_alloc : memref<!tpu.dma_semaphore, #tpu.memory_space<semaphore_mem>>
        %dma_start3A_60 = arith.constant 9480 : i32
        %dma_start3A_61 = arith.constant 0 : i32
        %dma_start3A_62 = tpu.memref_slice %arg10[%dma_start3A_60, %dma_start3A_61] : memref<10000x128xf32, #tpu.memory_space<vmem_shared>> -> memref<520x128xf32, #tpu.memory_space<vmem_shared>>
        %dma_start3A_63 = arith.constant 0 : i32
        %dma_start3A_64 = arith.constant 0 : i32
        %dma_start3A_65 = tpu.memref_slice %arg5[%dma_start3A_63, %dma_start3A_64] : memref<632x128xf32, #tpu.memory_space<hbm>> -> memref<520x128xf32, #tpu.memory_space<hbm>>
        tpu.enqueue_dma source(%dma_start3A_65 : memref<520x128xf32, #tpu.memory_space<hbm>>) target(%dma_start3A_62 : memref<520x128xf32, #tpu.memory_space<vmem_shared>>) target_semaphore(%run_scoped3A_59 : memref<!tpu.dma_semaphore, #tpu.memory_space<semaphore_mem>>)
        %dma_wait3A_66 = arith.constant 9480 : i32
        %dma_wait3A_67 = arith.constant 0 : i32
        %dma_wait3A_68 = tpu.memref_slice %arg10[%dma_wait3A_66, %dma_wait3A_67] : memref<10000x128xf32, #tpu.memory_space<vmem_shared>> -> memref<520x128xf32, #tpu.memory_space<vmem_shared>>
        %dma_wait3A_69 = arith.constant 0 : i32
        %dma_wait3A_70 = arith.constant 0 : i32
        %dma_wait3A_71 = tpu.memref_slice %arg5[%dma_wait3A_69, %dma_wait3A_70] : memref<632x128xf32, #tpu.memory_space<hbm>> -> memref<520x128xf32, #tpu.memory_space<hbm>>
        tpu.wait_dma2 semaphore(%run_scoped3A_59 : memref<!tpu.dma_semaphore, #tpu.memory_space<semaphore_mem>>) src(%dma_wait3A_71 : memref<520x128xf32, #tpu.memory_space<hbm>>) dst(%dma_wait3A_68 : memref<520x128xf32, #tpu.memory_space<vmem_shared>>)
        tpu.yield
      }) : () -> ()
    } else {
    }
    %barrier3A = arith.constant 0 : index
    tpu.barrier barrier_id(%barrier3A)
    %multiple_of3A = arith.constant 0 : i32
    %multiple_of3A_9 = tpu.assume_multiple %multiple_of3A, 8 : i32
    %dma_start3A = arith.constant 0 : i32
    %dma_start3A_10 = arith.constant 0 : i32
    %dma_start3A_11 = arith.constant 0 : i32
    %dma_start3A_12 = tpu.memref_slice %arg9[%dma_start3A, %dma_start3A_10, %dma_start3A_11] : memref<2x80x128xf32, #tpu.memory_space<vmem>> -> memref<1x80x128xf32, #tpu.memory_space<vmem>>
    %dma_start3A_13 = tpu.memref_squeeze %dma_start3A_12 : memref<1x80x128xf32, #tpu.memory_space<vmem>> -> memref<80x128xf32, #tpu.memory_space<vmem>>
    %dma_start3A_14 = tpu.memref_slice %arg7[%multiple_of3A_9] : memref<10000xi32, #tpu.memory_space<vmem>> -> memref<80xi32, #tpu.memory_space<vmem>>
    %dma_start3A_15 = arith.constant 0 : i32
    %dma_start3A_16 = arith.constant 0 : i32
    %dma_start3A_17 = tpu.memref_slice %arg2[%dma_start3A_15, %dma_start3A_16] : memref<10000x128xf32, #tpu.memory_space<hbm>> -> memref<10000x128xf32, #tpu.memory_space<hbm>>
    tpu.enqueue_indirect_dma source(%dma_start3A_17 : memref<10000x128xf32, #tpu.memory_space<hbm>>) target(%dma_start3A_13 : memref<80x128xf32, #tpu.memory_space<vmem>>) offsets(%dma_start3A_14 : memref<80xi32, #tpu.memory_space<vmem>>) semaphore(%arg11 : memref<!tpu.dma_semaphore, #tpu.memory_space<semaphore_mem>>)
    %multiple_of3A_18 = arith.constant 80 : i32
    %multiple_of3A_19 = tpu.assume_multiple %multiple_of3A_18, 8 : i32
    %dma_start3A_20 = arith.constant 1 : i32
    %dma_start3A_21 = arith.constant 0 : i32
    %dma_start3A_22 = arith.constant 0 : i32
    %dma_start3A_23 = tpu.memref_slice %arg9[%dma_start3A_20, %dma_start3A_21, %dma_start3A_22] : memref<2x80x128xf32, #tpu.memory_space<vmem>> -> memref<1x80x128xf32, #tpu.memory_space<vmem>>
    %dma_start3A_24 = tpu.memref_squeeze %dma_start3A_23 : memref<1x80x128xf32, #tpu.memory_space<vmem>> -> memref<80x128xf32, #tpu.memory_space<vmem>>
    %dma_start3A_25 = tpu.memref_slice %arg7[%multiple_of3A_19] : memref<10000xi32, #tpu.memory_space<vmem>> -> memref<80xi32, #tpu.memory_space<vmem>>
    %dma_start3A_26 = arith.constant 0 : i32
    %dma_start3A_27 = arith.constant 0 : i32
    %dma_start3A_28 = tpu.memref_slice %arg2[%dma_start3A_26, %dma_start3A_27] : memref<10000x128xf32, #tpu.memory_space<hbm>> -> memref<10000x128xf32, #tpu.memory_space<hbm>>
    tpu.enqueue_indirect_dma source(%dma_start3A_28 : memref<10000x128xf32, #tpu.memory_space<hbm>>) target(%dma_start3A_24 : memref<80x128xf32, #tpu.memory_space<vmem>>) offsets(%dma_start3A_25 : memref<80xi32, #tpu.memory_space<vmem>>) semaphore(%arg12 : memref<!tpu.dma_semaphore, #tpu.memory_space<semaphore_mem>>)
    %scan3A = arith.constant 0 : i32
    %scan3A_29 = arith.constant 1 : i32
    %scan3A_30 = arith.constant 0 : i32
    %scan3A_31 = arith.constant 0 : i32
    %scan3A_32 = arith.constant 62 : i32
    %scan3A_33 = arith.addi %scan3A_31, %scan3A_32 : i32
    %scan3A_34 = arith.constant 1 : i32
    %scan3A_35 = scf.for %scan3A_59 = %scan3A_31 to %scan3A_33 step %scan3A_34 iter_args(%scan3A_60 = %scan3A_30) -> (i32)  : i32 {
      %mul3A_61 = arith.constant 2 : i32
      %mul3A_62 = arith.muli %scan3A_59, %mul3A_61 : i32
      %add3A_63 = arith.constant 0 : i32
      %add3A_64 = arith.addi %mul3A_62, %add3A_63 : i32
      %mul3A_65 = arith.constant 80 : i32
      %mul3A_66 = arith.muli %add3A_64, %mul3A_65 : i32
      %multiple_of3A_67 = tpu.assume_multiple %mul3A_66, 8 : i32
      %dma_wait3A_68 = arith.constant 0 : i32
      %dma_wait3A_69 = arith.constant 0 : i32
      %dma_wait3A_70 = tpu.memref_slice %arg9[%scan3A, %dma_wait3A_68, %dma_wait3A_69] : memref<2x80x128xf32, #tpu.memory_space<vmem>> -> memref<1x80x128xf32, #tpu.memory_space<vmem>>
      %dma_wait3A_71 = tpu.memref_squeeze %dma_wait3A_70 : memref<1x80x128xf32, #tpu.memory_space<vmem>> -> memref<80x128xf32, #tpu.memory_space<vmem>>
      %dma_wait3A_72 = tpu.memref_slice %arg7[%multiple_of3A_67] : memref<10000xi32, #tpu.memory_space<vmem>> -> memref<80xi32, #tpu.memory_space<vmem>>
      %dma_wait3A_73 = arith.constant 0 : i32
      %dma_wait3A_74 = arith.constant 0 : i32
      %dma_wait3A_75 = tpu.memref_slice %arg2[%dma_wait3A_73, %dma_wait3A_74] : memref<10000x128xf32, #tpu.memory_space<hbm>> -> memref<10000x128xf32, #tpu.memory_space<hbm>>
      tpu.wait_indirect_dma semaphore(%arg11 : memref<!tpu.dma_semaphore, #tpu.memory_space<semaphore_mem>>) src(%dma_wait3A_75 : memref<10000x128xf32, #tpu.memory_space<hbm>>) dst(%dma_wait3A_71 : memref<80x128xf32, #tpu.memory_space<vmem>>)
      "tpu.region"() ({
        %run_scoped3A_106 = tpu.sem_alloc : memref<!tpu.dma_semaphore, #tpu.memory_space<semaphore_mem>>
        %dma_start3A_107 = arith.constant 0 : i32
        %dma_start3A_108 = arith.constant 0 : i32
        %dma_start3A_109 = tpu.memref_slice %arg9[%scan3A, %dma_start3A_107, %dma_start3A_108] : memref<2x80x128xf32, #tpu.memory_space<vmem>> -> memref<1x80x128xf32, #tpu.memory_space<vmem>>
        %dma_start3A_110 = tpu.memref_squeeze %dma_start3A_109 : memref<1x80x128xf32, #tpu.memory_space<vmem>> -> memref<80x128xf32, #tpu.memory_space<vmem>>
        %dma_start3A_111 = arith.constant 0 : i32
        %dma_start3A_112 = tpu.memref_slice %arg8[%add3A_64, %dma_start3A_111] : memref<125x80xi32, #tpu.memory_space<vmem>> -> memref<1x80xi32, #tpu.memory_space<vmem>>
        %dma_start3A_113 = tpu.memref_squeeze %dma_start3A_112 : memref<1x80xi32, #tpu.memory_space<vmem>> -> memref<80xi32, #tpu.memory_space<vmem>>
        %dma_start3A_114 = arith.constant 0 : i32
        %dma_start3A_115 = arith.constant 0 : i32
        %dma_start3A_116 = tpu.memref_slice %arg10[%dma_start3A_114, %dma_start3A_115] : memref<10000x128xf32, #tpu.memory_space<vmem_shared>> -> memref<10000x128xf32, #tpu.memory_space<vmem_shared>>
        tpu.enqueue_indirect_dma source(%dma_start3A_110 : memref<80x128xf32, #tpu.memory_space<vmem>>) target(%dma_start3A_116 : memref<10000x128xf32, #tpu.memory_space<vmem_shared>>) offsets(%dma_start3A_113 : memref<80xi32, #tpu.memory_space<vmem>>) semaphore(%run_scoped3A_106 : memref<!tpu.dma_semaphore, #tpu.memory_space<semaphore_mem>>) {add = true}
        %dma_wait3A_117 = arith.constant 0 : i32
        %dma_wait3A_118 = arith.constant 0 : i32
        %dma_wait3A_119 = tpu.memref_slice %arg9[%scan3A, %dma_wait3A_117, %dma_wait3A_118] : memref<2x80x128xf32, #tpu.memory_space<vmem>> -> memref<1x80x128xf32, #tpu.memory_space<vmem>>
        %dma_wait3A_120 = tpu.memref_squeeze %dma_wait3A_119 : memref<1x80x128xf32, #tpu.memory_space<vmem>> -> memref<80x128xf32, #tpu.memory_space<vmem>>
        %dma_wait3A_121 = arith.constant 0 : i32
        %dma_wait3A_122 = tpu.memref_slice %arg8[%add3A_64, %dma_wait3A_121] : memref<125x80xi32, #tpu.memory_space<vmem>> -> memref<1x80xi32, #tpu.memory_space<vmem>>
        %dma_wait3A_123 = tpu.memref_squeeze %dma_wait3A_122 : memref<1x80xi32, #tpu.memory_space<vmem>> -> memref<80xi32, #tpu.memory_space<vmem>>
        %dma_wait3A_124 = arith.constant 0 : i32
        %dma_wait3A_125 = arith.constant 0 : i32
        %dma_wait3A_126 = tpu.memref_slice %arg10[%dma_wait3A_124, %dma_wait3A_125] : memref<10000x128xf32, #tpu.memory_space<vmem_shared>> -> memref<10000x128xf32, #tpu.memory_space<vmem_shared>>
        tpu.wait_indirect_dma semaphore(%run_scoped3A_106 : memref<!tpu.dma_semaphore, #tpu.memory_space<semaphore_mem>>) src(%dma_wait3A_120 : memref<80x128xf32, #tpu.memory_space<vmem>>) dst(%dma_wait3A_126 : memref<10000x128xf32, #tpu.memory_space<vmem_shared>>)
        tpu.yield
      }) : () -> ()
      %add3A_76 = arith.constant 2 : i32
      %add3A_77 = arith.addi %add3A_64, %add3A_76 : i32
      %lt3A_78 = arith.constant 125 : i32
      %lt3A_79 = arith.cmpi slt, %add3A_77, %lt3A_78 : i32
      %convert_element_type3A_80 = arith.extui %lt3A_79 : i1 to i32
      %cond3A_81 = arith.constant 0 : i32
      %cond3A_82 = arith.cmpi ne, %convert_element_type3A_80, %cond3A_81 : i32
      scf.if %cond3A_82 {
        %add3A_106 = arith.constant 2 : i32
        %add3A_107 = arith.addi %add3A_64, %add3A_106 : i32
        %mul3A_108 = arith.constant 80 : i32
        %mul3A_109 = arith.muli %add3A_107, %mul3A_108 : i32
        %multiple_of3A_110 = tpu.assume_multiple %mul3A_109, 8 : i32
        %dma_start3A_111 = arith.constant 0 : i32
        %dma_start3A_112 = arith.constant 0 : i32
        %dma_start3A_113 = tpu.memref_slice %arg9[%scan3A, %dma_start3A_111, %dma_start3A_112] : memref<2x80x128xf32, #tpu.memory_space<vmem>> -> memref<1x80x128xf32, #tpu.memory_space<vmem>>
        %dma_start3A_114 = tpu.memref_squeeze %dma_start3A_113 : memref<1x80x128xf32, #tpu.memory_space<vmem>> -> memref<80x128xf32, #tpu.memory_space<vmem>>
        %dma_start3A_115 = tpu.memref_slice %arg7[%multiple_of3A_110] : memref<10000xi32, #tpu.memory_space<vmem>> -> memref<80xi32, #tpu.memory_space<vmem>>
        %dma_start3A_116 = arith.constant 0 : i32
        %dma_start3A_117 = arith.constant 0 : i32
        %dma_start3A_118 = tpu.memref_slice %arg2[%dma_start3A_116, %dma_start3A_117] : memref<10000x128xf32, #tpu.memory_space<hbm>> -> memref<10000x128xf32, #tpu.memory_space<hbm>>
        tpu.enqueue_indirect_dma source(%dma_start3A_118 : memref<10000x128xf32, #tpu.memory_space<hbm>>) target(%dma_start3A_114 : memref<80x128xf32, #tpu.memory_space<vmem>>) offsets(%dma_start3A_115 : memref<80xi32, #tpu.memory_space<vmem>>) semaphore(%arg11 : memref<!tpu.dma_semaphore, #tpu.memory_space<semaphore_mem>>)
      } else {
      }
      %mul3A_83 = arith.constant 2 : i32
      %mul3A_84 = arith.muli %scan3A_59, %mul3A_83 : i32
      %add3A_85 = arith.constant 1 : i32
      %add3A_86 = arith.addi %mul3A_84, %add3A_85 : i32
      %mul3A_87 = arith.constant 80 : i32
      %mul3A_88 = arith.muli %add3A_86, %mul3A_87 : i32
      %multiple_of3A_89 = tpu.assume_multiple %mul3A_88, 8 : i32
      %dma_wait3A_90 = arith.constant 0 : i32
      %dma_wait3A_91 = arith.constant 0 : i32
      %dma_wait3A_92 = tpu.memref_slice %arg9[%scan3A_29, %dma_wait3A_90, %dma_wait3A_91] : memref<2x80x128xf32, #tpu.memory_space<vmem>> -> memref<1x80x128xf32, #tpu.memory_space<vmem>>
      %dma_wait3A_93 = tpu.memref_squeeze %dma_wait3A_92 : memref<1x80x128xf32, #tpu.memory_space<vmem>> -> memref<80x128xf32, #tpu.memory_space<vmem>>
      %dma_wait3A_94 = tpu.memref_slice %arg7[%multiple_of3A_89] : memref<10000xi32, #tpu.memory_space<vmem>> -> memref<80xi32, #tpu.memory_space<vmem>>
      %dma_wait3A_95 = arith.constant 0 : i32
      %dma_wait3A_96 = arith.constant 0 : i32
      %dma_wait3A_97 = tpu.memref_slice %arg2[%dma_wait3A_95, %dma_wait3A_96] : memref<10000x128xf32, #tpu.memory_space<hbm>> -> memref<10000x128xf32, #tpu.memory_space<hbm>>
      tpu.wait_indirect_dma semaphore(%arg12 : memref<!tpu.dma_semaphore, #tpu.memory_space<semaphore_mem>>) src(%dma_wait3A_97 : memref<10000x128xf32, #tpu.memory_space<hbm>>) dst(%dma_wait3A_93 : memref<80x128xf32, #tpu.memory_space<vmem>>)
      "tpu.region"() ({
        %run_scoped3A_106 = tpu.sem_alloc : memref<!tpu.dma_semaphore, #tpu.memory_space<semaphore_mem>>
        %dma_start3A_107 = arith.constant 0 : i32
        %dma_start3A_108 = arith.constant 0 : i32
        %dma_start3A_109 = tpu.memref_slice %arg9[%scan3A_29, %dma_start3A_107, %dma_start3A_108] : memref<2x80x128xf32, #tpu.memory_space<vmem>> -> memref<1x80x128xf32, #tpu.memory_space<vmem>>
        %dma_start3A_110 = tpu.memref_squeeze %dma_start3A_109 : memref<1x80x128xf32, #tpu.memory_space<vmem>> -> memref<80x128xf32, #tpu.memory_space<vmem>>
        %dma_start3A_111 = arith.constant 0 : i32
        %dma_start3A_112 = tpu.memref_slice %arg8[%add3A_86, %dma_start3A_111] : memref<125x80xi32, #tpu.memory_space<vmem>> -> memref<1x80xi32, #tpu.memory_space<vmem>>
        %dma_start3A_113 = tpu.memref_squeeze %dma_start3A_112 : memref<1x80xi32, #tpu.memory_space<vmem>> -> memref<80xi32, #tpu.memory_space<vmem>>
        %dma_start3A_114 = arith.constant 0 : i32
        %dma_start3A_115 = arith.constant 0 : i32
        %dma_start3A_116 = tpu.memref_slice %arg10[%dma_start3A_114, %dma_start3A_115] : memref<10000x128xf32, #tpu.memory_space<vmem_shared>> -> memref<10000x128xf32, #tpu.memory_space<vmem_shared>>
        tpu.enqueue_indirect_dma source(%dma_start3A_110 : memref<80x128xf32, #tpu.memory_space<vmem>>) target(%dma_start3A_116 : memref<10000x128xf32, #tpu.memory_space<vmem_shared>>) offsets(%dma_start3A_113 : memref<80xi32, #tpu.memory_space<vmem>>) semaphore(%run_scoped3A_106 : memref<!tpu.dma_semaphore, #tpu.memory_space<semaphore_mem>>) {add = true}
        %dma_wait3A_117 = arith.constant 0 : i32
        %dma_wait3A_118 = arith.constant 0 : i32
        %dma_wait3A_119 = tpu.memref_slice %arg9[%scan3A_29, %dma_wait3A_117, %dma_wait3A_118] : memref<2x80x128xf32, #tpu.memory_space<vmem>> -> memref<1x80x128xf32, #tpu.memory_space<vmem>>
        %dma_wait3A_120 = tpu.memref_squeeze %dma_wait3A_119 : memref<1x80x128xf32, #tpu.memory_space<vmem>> -> memref<80x128xf32, #tpu.memory_space<vmem>>
        %dma_wait3A_121 = arith.constant 0 : i32
        %dma_wait3A_122 = tpu.memref_slice %arg8[%add3A_86, %dma_wait3A_121] : memref<125x80xi32, #tpu.memory_space<vmem>> -> memref<1x80xi32, #tpu.memory_space<vmem>>
        %dma_wait3A_123 = tpu.memref_squeeze %dma_wait3A_122 : memref<1x80xi32, #tpu.memory_space<vmem>> -> memref<80xi32, #tpu.memory_space<vmem>>
        %dma_wait3A_124 = arith.constant 0 : i32
        %dma_wait3A_125 = arith.constant 0 : i32
        %dma_wait3A_126 = tpu.memref_slice %arg10[%dma_wait3A_124, %dma_wait3A_125] : memref<10000x128xf32, #tpu.memory_space<vmem_shared>> -> memref<10000x128xf32, #tpu.memory_space<vmem_shared>>
        tpu.wait_indirect_dma semaphore(%run_scoped3A_106 : memref<!tpu.dma_semaphore, #tpu.memory_space<semaphore_mem>>) src(%dma_wait3A_120 : memref<80x128xf32, #tpu.memory_space<vmem>>) dst(%dma_wait3A_126 : memref<10000x128xf32, #tpu.memory_space<vmem_shared>>)
        tpu.yield
      }) : () -> ()
      %add3A_98 = arith.constant 2 : i32
      %add3A_99 = arith.addi %add3A_86, %add3A_98 : i32
      %lt3A_100 = arith.constant 125 : i32
      %lt3A_101 = arith.cmpi slt, %add3A_99, %lt3A_100 : i32
      %convert_element_type3A_102 = arith.extui %lt3A_101 : i1 to i32
      %cond3A_103 = arith.constant 0 : i32
      %cond3A_104 = arith.cmpi ne, %convert_element_type3A_102, %cond3A_103 : i32
      scf.if %cond3A_104 {
        %add3A_106 = arith.constant 2 : i32
        %add3A_107 = arith.addi %add3A_86, %add3A_106 : i32
        %mul3A_108 = arith.constant 80 : i32
        %mul3A_109 = arith.muli %add3A_107, %mul3A_108 : i32
        %multiple_of3A_110 = tpu.assume_multiple %mul3A_109, 8 : i32
        %dma_start3A_111 = arith.constant 0 : i32
        %dma_start3A_112 = arith.constant 0 : i32
        %dma_start3A_113 = tpu.memref_slice %arg9[%scan3A_29, %dma_start3A_111, %dma_start3A_112] : memref<2x80x128xf32, #tpu.memory_space<vmem>> -> memref<1x80x128xf32, #tpu.memory_space<vmem>>
        %dma_start3A_114 = tpu.memref_squeeze %dma_start3A_113 : memref<1x80x128xf32, #tpu.memory_space<vmem>> -> memref<80x128xf32, #tpu.memory_space<vmem>>
        %dma_start3A_115 = tpu.memref_slice %arg7[%multiple_of3A_110] : memref<10000xi32, #tpu.memory_space<vmem>> -> memref<80xi32, #tpu.memory_space<vmem>>
        %dma_start3A_116 = arith.constant 0 : i32
        %dma_start3A_117 = arith.constant 0 : i32
        %dma_start3A_118 = tpu.memref_slice %arg2[%dma_start3A_116, %dma_start3A_117] : memref<10000x128xf32, #tpu.memory_space<hbm>> -> memref<10000x128xf32, #tpu.memory_space<hbm>>
        tpu.enqueue_indirect_dma source(%dma_start3A_118 : memref<10000x128xf32, #tpu.memory_space<hbm>>) target(%dma_start3A_114 : memref<80x128xf32, #tpu.memory_space<vmem>>) offsets(%dma_start3A_115 : memref<80xi32, #tpu.memory_space<vmem>>) semaphore(%arg12 : memref<!tpu.dma_semaphore, #tpu.memory_space<semaphore_mem>>)
      } else {
      }
      %scan3A_105 = arith.constant 0 : i32
      scf.yield %scan3A_105 : i32
    }
    %scan3A_36 = arith.constant 62 : i32
    %multiple_of3A_37 = arith.constant 9920 : i32
    %multiple_of3A_38 = tpu.assume_multiple %multiple_of3A_37, 8 : i32
    %dma_wait3A = arith.constant 0 : i32
    %dma_wait3A_39 = arith.constant 0 : i32
    %dma_wait3A_40 = arith.constant 0 : i32
    %dma_wait3A_41 = tpu.memref_slice %arg9[%dma_wait3A, %dma_wait3A_39, %dma_wait3A_40] : memref<2x80x128xf32, #tpu.memory_space<vmem>> -> memref<1x80x128xf32, #tpu.memory_space<vmem>>
    %dma_wait3A_42 = tpu.memref_squeeze %dma_wait3A_41 : memref<1x80x128xf32, #tpu.memory_space<vmem>> -> memref<80x128xf32, #tpu.memory_space<vmem>>
    %dma_wait3A_43 = tpu.memref_slice %arg7[%multiple_of3A_38] : memref<10000xi32, #tpu.memory_space<vmem>> -> memref<80xi32, #tpu.memory_space<vmem>>
    %dma_wait3A_44 = arith.constant 0 : i32
    %dma_wait3A_45 = arith.constant 0 : i32
    %dma_wait3A_46 = tpu.memref_slice %arg2[%dma_wait3A_44, %dma_wait3A_45] : memref<10000x128xf32, #tpu.memory_space<hbm>> -> memref<10000x128xf32, #tpu.memory_space<hbm>>
    tpu.wait_indirect_dma semaphore(%arg11 : memref<!tpu.dma_semaphore, #tpu.memory_space<semaphore_mem>>) src(%dma_wait3A_46 : memref<10000x128xf32, #tpu.memory_space<hbm>>) dst(%dma_wait3A_42 : memref<80x128xf32, #tpu.memory_space<vmem>>)
    %run_scoped3A = arith.constant 0 : i32
    %run_scoped3A_47 = arith.constant 124 : i32
    "tpu.region"() ({
      %run_scoped3A_59 = tpu.sem_alloc : memref<!tpu.dma_semaphore, #tpu.memory_space<semaphore_mem>>
      %dma_start3A_60 = arith.constant 0 : i32
      %dma_start3A_61 = arith.constant 0 : i32
      %dma_start3A_62 = tpu.memref_slice %arg9[%run_scoped3A, %dma_start3A_60, %dma_start3A_61] : memref<2x80x128xf32, #tpu.memory_space<vmem>> -> memref<1x80x128xf32, #tpu.memory_space<vmem>>
      %dma_start3A_63 = tpu.memref_squeeze %dma_start3A_62 : memref<1x80x128xf32, #tpu.memory_space<vmem>> -> memref<80x128xf32, #tpu.memory_space<vmem>>
      %dma_start3A_64 = arith.constant 0 : i32
      %dma_start3A_65 = tpu.memref_slice %arg8[%run_scoped3A_47, %dma_start3A_64] : memref<125x80xi32, #tpu.memory_space<vmem>> -> memref<1x80xi32, #tpu.memory_space<vmem>>
      %dma_start3A_66 = tpu.memref_squeeze %dma_start3A_65 : memref<1x80xi32, #tpu.memory_space<vmem>> -> memref<80xi32, #tpu.memory_space<vmem>>
      %dma_start3A_67 = arith.constant 0 : i32
      %dma_start3A_68 = arith.constant 0 : i32
      %dma_start3A_69 = tpu.memref_slice %arg10[%dma_start3A_67, %dma_start3A_68] : memref<10000x128xf32, #tpu.memory_space<vmem_shared>> -> memref<10000x128xf32, #tpu.memory_space<vmem_shared>>
      tpu.enqueue_indirect_dma source(%dma_start3A_63 : memref<80x128xf32, #tpu.memory_space<vmem>>) target(%dma_start3A_69 : memref<10000x128xf32, #tpu.memory_space<vmem_shared>>) offsets(%dma_start3A_66 : memref<80xi32, #tpu.memory_space<vmem>>) semaphore(%run_scoped3A_59 : memref<!tpu.dma_semaphore, #tpu.memory_space<semaphore_mem>>) {add = true}
      %dma_wait3A_70 = arith.constant 0 : i32
      %dma_wait3A_71 = arith.constant 0 : i32
      %dma_wait3A_72 = tpu.memref_slice %arg9[%run_scoped3A, %dma_wait3A_70, %dma_wait3A_71] : memref<2x80x128xf32, #tpu.memory_space<vmem>> -> memref<1x80x128xf32, #tpu.memory_space<vmem>>
      %dma_wait3A_73 = tpu.memref_squeeze %dma_wait3A_72 : memref<1x80x128xf32, #tpu.memory_space<vmem>> -> memref<80x128xf32, #tpu.memory_space<vmem>>
      %dma_wait3A_74 = arith.constant 0 : i32
      %dma_wait3A_75 = tpu.memref_slice %arg8[%run_scoped3A_47, %dma_wait3A_74] : memref<125x80xi32, #tpu.memory_space<vmem>> -> memref<1x80xi32, #tpu.memory_space<vmem>>
      %dma_wait3A_76 = tpu.memref_squeeze %dma_wait3A_75 : memref<1x80xi32, #tpu.memory_space<vmem>> -> memref<80xi32, #tpu.memory_space<vmem>>
      %dma_wait3A_77 = arith.constant 0 : i32
      %dma_wait3A_78 = arith.constant 0 : i32
      %dma_wait3A_79 = tpu.memref_slice %arg10[%dma_wait3A_77, %dma_wait3A_78] : memref<10000x128xf32, #tpu.memory_space<vmem_shared>> -> memref<10000x128xf32, #tpu.memory_space<vmem_shared>>
      tpu.wait_indirect_dma semaphore(%run_scoped3A_59 : memref<!tpu.dma_semaphore, #tpu.memory_space<semaphore_mem>>) src(%dma_wait3A_73 : memref<80x128xf32, #tpu.memory_space<vmem>>) dst(%dma_wait3A_79 : memref<10000x128xf32, #tpu.memory_space<vmem_shared>>)
      tpu.yield
    }) : () -> ()
    %barrier3A_48 = arith.constant 0 : index
    tpu.barrier barrier_id(%barrier3A_48)
    %lt3A_49 = arith.constant 15 : i32
    %lt3A_50 = arith.cmpi slt, %arg1, %lt3A_49 : i32
    %convert_element_type3A_51 = arith.extui %lt3A_50 : i1 to i32
    %cond3A_52 = arith.constant 0 : i32
    %cond3A_53 = arith.cmpi ne, %convert_element_type3A_51, %cond3A_52 : i32
    scf.if %cond3A_53 {
      "tpu.region"() ({
        %run_scoped3A_59 = tpu.sem_alloc : memref<!tpu.dma_semaphore, #tpu.memory_space<semaphore_mem>>
        %dma_start3A_60 = arith.constant 0 : i32
        %dma_start3A_61 = tpu.memref_slice %arg6[%arg0, %mul3A_2, %dma_start3A_60] : memref<2x10000x128xf32, #tpu.memory_space<hbm>> -> memref<1x632x128xf32, #tpu.memory_space<hbm>>
        %dma_start3A_62 = tpu.memref_squeeze %dma_start3A_61 : memref<1x632x128xf32, #tpu.memory_space<hbm>> -> memref<632x128xf32, #tpu.memory_space<hbm>>
        %dma_start3A_63 = arith.constant 0 : i32
        %dma_start3A_64 = tpu.memref_slice %arg10[%mul3A_2, %dma_start3A_63] : memref<10000x128xf32, #tpu.memory_space<vmem_shared>> -> memref<632x128xf32, #tpu.memory_space<vmem_shared>>
        tpu.enqueue_dma source(%dma_start3A_64 : memref<632x128xf32, #tpu.memory_space<vmem_shared>>) target(%dma_start3A_62 : memref<632x128xf32, #tpu.memory_space<hbm>>) target_semaphore(%run_scoped3A_59 : memref<!tpu.dma_semaphore, #tpu.memory_space<semaphore_mem>>)
        %dma_wait3A_65 = arith.constant 0 : i32
        %dma_wait3A_66 = tpu.memref_slice %arg6[%arg0, %mul3A_2, %dma_wait3A_65] : memref<2x10000x128xf32, #tpu.memory_space<hbm>> -> memref<1x632x128xf32, #tpu.memory_space<hbm>>
        %dma_wait3A_67 = tpu.memref_squeeze %dma_wait3A_66 : memref<1x632x128xf32, #tpu.memory_space<hbm>> -> memref<632x128xf32, #tpu.memory_space<hbm>>
        %dma_wait3A_68 = arith.constant 0 : i32
        %dma_wait3A_69 = tpu.memref_slice %arg10[%mul3A_2, %dma_wait3A_68] : memref<10000x128xf32, #tpu.memory_space<vmem_shared>> -> memref<632x128xf32, #tpu.memory_space<vmem_shared>>
        tpu.wait_dma2 semaphore(%run_scoped3A_59 : memref<!tpu.dma_semaphore, #tpu.memory_space<semaphore_mem>>) src(%dma_wait3A_69 : memref<632x128xf32, #tpu.memory_space<vmem_shared>>) dst(%dma_wait3A_67 : memref<632x128xf32, #tpu.memory_space<hbm>>)
        tpu.yield
      }) : () -> ()
    } else {
    }
    %eq3A_54 = arith.constant 15 : i32
    %eq3A_55 = arith.cmpi eq, %arg1, %eq3A_54 : i32
    %convert_element_type3A_56 = arith.extui %eq3A_55 : i1 to i32
    %cond3A_57 = arith.constant 0 : i32
    %cond3A_58 = arith.cmpi ne, %convert_element_type3A_56, %cond3A_57 : i32
    scf.if %cond3A_58 {
      "tpu.region"() ({
        %run_scoped3A_59 = tpu.sem_alloc : memref<!tpu.dma_semaphore, #tpu.memory_space<semaphore_mem>>
        %dma_start3A_60 = arith.constant 9480 : i32
        %dma_start3A_61 = arith.constant 0 : i32
        %dma_start3A_62 = tpu.memref_slice %arg6[%arg0, %dma_start3A_60, %dma_start3A_61] : memref<2x10000x128xf32, #tpu.memory_space<hbm>> -> memref<1x520x128xf32, #tpu.memory_space<hbm>>
        %dma_start3A_63 = tpu.memref_squeeze %dma_start3A_62 : memref<1x520x128xf32, #tpu.memory_space<hbm>> -> memref<520x128xf32, #tpu.memory_space<hbm>>
        %dma_start3A_64 = arith.constant 9480 : i32
        %dma_start3A_65 = arith.constant 0 : i32
        %dma_start3A_66 = tpu.memref_slice %arg10[%dma_start3A_64, %dma_start3A_65] : memref<10000x128xf32, #tpu.memory_space<vmem_shared>> -> memref<520x128xf32, #tpu.memory_space<vmem_shared>>
        tpu.enqueue_dma source(%dma_start3A_66 : memref<520x128xf32, #tpu.memory_space<vmem_shared>>) target(%dma_start3A_63 : memref<520x128xf32, #tpu.memory_space<hbm>>) target_semaphore(%run_scoped3A_59 : memref<!tpu.dma_semaphore, #tpu.memory_space<semaphore_mem>>)
        %dma_wait3A_67 = arith.constant 9480 : i32
        %dma_wait3A_68 = arith.constant 0 : i32
        %dma_wait3A_69 = tpu.memref_slice %arg6[%arg0, %dma_wait3A_67, %dma_wait3A_68] : memref<2x10000x128xf32, #tpu.memory_space<hbm>> -> memref<1x520x128xf32, #tpu.memory_space<hbm>>
        %dma_wait3A_70 = tpu.memref_squeeze %dma_wait3A_69 : memref<1x520x128xf32, #tpu.memory_space<hbm>> -> memref<520x128xf32, #tpu.memory_space<hbm>>
        %dma_wait3A_71 = arith.constant 9480 : i32
        %dma_wait3A_72 = arith.constant 0 : i32
        %dma_wait3A_73 = tpu.memref_slice %arg10[%dma_wait3A_71, %dma_wait3A_72] : memref<10000x128xf32, #tpu.memory_space<vmem_shared>> -> memref<520x128xf32, #tpu.memory_space<vmem_shared>>
        tpu.wait_dma2 semaphore(%run_scoped3A_59 : memref<!tpu.dma_semaphore, #tpu.memory_space<semaphore_mem>>) src(%dma_wait3A_73 : memref<520x128xf32, #tpu.memory_space<vmem_shared>>) dst(%dma_wait3A_70 : memref<520x128xf32, #tpu.memory_space<hbm>>)
        tpu.yield
      }) : () -> ()
    } else {
    }
    return
  }
}

module attributes {stable_mosaic.version = 14 : i64} {
  func.func @body(%arg0: memref<2x10000xf32, #tpu.memory_space<vmem>>, %arg1: memref<1x10000xf32, #tpu.memory_space<vmem>>) attributes {dimension_semantics = [], scalar_prefetch = 0 : i64, scratch_operands = 0 : i64, tpu.core_type = #tpu.core_type<tc>} {
    %get3A = arith.constant 0 : index
    %get3A_0 = arith.constant 0 : index
    %get3A_1 = vector.load %arg0[%get3A, %get3A_0] : memref<2x10000xf32, #tpu.memory_space<vmem>>, vector<1x10000xf32>
    %get3A_2 = arith.constant 1 : index
    %get3A_3 = arith.constant 0 : index
    %get3A_4 = vector.load %arg0[%get3A_2, %get3A_3] : memref<2x10000xf32, #tpu.memory_space<vmem>>, vector<1x10000xf32>
    %add3A = arith.addf %get3A_1, %get3A_4 : vector<1x10000xf32>
    %add3A_5 = arith.constant 1.000000e+00 : f32
    %add3A_6 = vector.broadcast %add3A_5 : f32 to vector<1x10000xf32>
    %add3A_7 = arith.addf %add3A, %add3A_6 : vector<1x10000xf32>
    %rsqrt3A = math.rsqrt %add3A_7 : vector<1x10000xf32>
    %swap3A = arith.constant 0 : index
    %swap3A_8 = arith.constant 0 : index
    %swap3A_9 = vector.load %arg1[%swap3A, %swap3A_8] : memref<1x10000xf32, #tpu.memory_space<vmem>>, vector<1x10000xf32>
    tpu.vector_store %arg1[%swap3A, %swap3A_8], %rsqrt3A {strides = array<i32>} : memref<1x10000xf32, #tpu.memory_space<vmem>>, vector<1x10000xf32>,
    return
  }
}

module attributes {stable_mosaic.version = 14 : i64} {
  func.func @body(%arg0: i32, %arg1: memref<1000x128xf32, #tpu.memory_space<vmem>>, %arg2: memref<128x128xf32, #tpu.memory_space<vmem>>, %arg3: memref<1000x1xf32, #tpu.memory_space<vmem>>, %arg4: memref<1000x128xf32, #tpu.memory_space<vmem>>) attributes {dimension_semantics = [#tpu.dimension_semantics<arbitrary>], iteration_bounds = array<i64: 10>, scalar_prefetch = 0 : i64, scratch_operands = 0 : i64, tpu.core_type = #tpu.core_type<tc>, window_params = [{transform_indices = @transform_0, window_bounds = array<i64: 1000, 128>}, {pipeline_mode = #tpu.pipeline_mode<synchronous>, transform_indices = @transform_1, window_bounds = array<i64: 128, 128>}, {transform_indices = @transform_2, window_bounds = array<i64: 1000, 1>}, {transform_indices = @transform_3, window_bounds = array<i64: 1000, 128>}]} {
    %get3A = arith.constant 0 : index
    %get3A_0 = arith.constant 0 : index
    %get3A_1 = vector.load %arg1[%get3A, %get3A_0] : memref<1000x128xf32, #tpu.memory_space<vmem>>, vector<1000x128xf32>
    %get3A_2 = arith.constant 0 : index
    %get3A_3 = arith.constant 0 : index
    %get3A_4 = vector.load %arg2[%get3A_2, %get3A_3] : memref<128x128xf32, #tpu.memory_space<vmem>>, vector<128x128xf32>
    %dot_general3A = arith.constant dense<0.000000e+00> : vector<1000x128xf32>
    %dot_general3A_5 = tpu.matmul %get3A_1, %get3A_4, %dot_general3A {dimension_numbers = #tpu.dot_dimension_numbers<[1], [0], [0], [1], [0, 0, 1, 1], [], []>, transpose_lhs_hint = false} : vector<1000x128xf32>, vector<128x128xf32>, vector<1000x128xf32> -> vector<1000x128xf32>
    %get3A_6 = arith.constant 0 : index
    %get3A_7 = arith.constant 0 : index
    %get3A_8 = vector.load %arg3[%get3A_6, %get3A_7] : memref<1000x1xf32, #tpu.memory_space<vmem>>, vector<1000x1xf32>
    %mul3A = vector.broadcast %get3A_8 : vector<1000x1xf32> to vector<1000x128xf32>
    %mul3A_9 = arith.mulf %dot_general3A_5, %mul3A : vector<1000x128xf32>
    %swap3A = arith.constant 0 : index
    %swap3A_10 = arith.constant 0 : index
    %swap3A_11 = vector.load %arg4[%swap3A, %swap3A_10] : memref<1000x128xf32, #tpu.memory_space<vmem>>, vector<1000x128xf32>
    tpu.vector_store %arg4[%swap3A, %swap3A_10], %mul3A_9 {strides = array<i32>} : memref<1000x128xf32, #tpu.memory_space<vmem>>, vector<1000x128xf32>,
    return
  }
  func.func @transform_0(%arg0: i32) -> (i32, i32) {
    %c0_i32 = arith.constant 0 : i32
    %c0_i32_0 = arith.constant 0 : i32
    return %arg0, %c0_i32 : i32, i32
  }
  func.func @transform_1(%arg0: i32) -> (i32, i32) {
    %c0_i32 = arith.constant 0 : i32
    %c0_i32_0 = arith.constant 0 : i32
    %c0_i32_1 = arith.constant 0 : i32
    return %c0_i32, %c0_i32_0 : i32, i32
  }
  func.func @transform_2(%arg0: i32) -> (i32, i32) {
    %c0_i32 = arith.constant 0 : i32
    %c0_i32_0 = arith.constant 0 : i32
    return %arg0, %c0_i32 : i32, i32
  }
  func.func @transform_3(%arg0: i32) -> (i32, i32) {
    %c0_i32 = arith.constant 0 : i32
    %c0_i32_0 = arith.constant 0 : i32
    return %arg0, %c0_i32 : i32, i32
  }
}

module attributes {stable_mosaic.version = 14 : i64} {
  func.func @body(%arg0: i32, %arg1: memref<2x1000x128xf32, #tpu.memory_space<vmem>>, %arg2: memref<1000x128xf32, #tpu.memory_space<vmem>>, %arg3: memref<1000x1xf32, #tpu.memory_space<vmem>>, %arg4: memref<1x128xf32, #tpu.memory_space<vmem>>, %arg5: memref<1000x128xf32, #tpu.memory_space<vmem>>, %arg6: memref<1x128xf32, #tpu.memory_space<vmem>>, %arg7: memref<1x128xf32, #tpu.memory_space<vmem>>) attributes {dimension_semantics = [#tpu.dimension_semantics<arbitrary>], iteration_bounds = array<i64: 10>, scalar_prefetch = 0 : i64, scratch_operands = 0 : i64, tpu.core_type = #tpu.core_type<tc>, window_params = [{transform_indices = @transform_0, window_bounds = array<i64: 2, 1000, 128>}, {transform_indices = @transform_1, window_bounds = array<i64: 1000, 128>}, {transform_indices = @transform_2, window_bounds = array<i64: 1000, 1>}, {pipeline_mode = #tpu.pipeline_mode<synchronous>, transform_indices = @transform_3, window_bounds = array<i64: 1, 128>}, {transform_indices = @transform_4, window_bounds = array<i64: 1000, 128>}, {pipeline_mode = #tpu.pipeline_mode<synchronous>, transform_indices = @transform_5, window_bounds = array<i64: 1, 128>}, {pipeline_mode = #tpu.pipeline_mode<synchronous>, transform_indices = @transform_6, window_bounds = array<i64: 1, 128>}]} {
    %get3A = arith.constant 0 : index
    %get3A_0 = arith.constant 0 : index
    %get3A_1 = vector.load %arg3[%get3A, %get3A_0] : memref<1000x1xf32, #tpu.memory_space<vmem>>, vector<1000x1xf32>
    %get3A_2 = arith.constant 0 : index
    %get3A_3 = arith.constant 0 : index
    %get3A_4 = arith.constant 0 : index
    %get3A_5 = vector.load %arg1[%get3A_2, %get3A_3, %get3A_4] : memref<2x1000x128xf32, #tpu.memory_space<vmem>>, vector<1x1000x128xf32>
    %get3A_6 = vector.shape_cast %get3A_5 : vector<1x1000x128xf32> to vector<1000x128xf32>
    %get3A_7 = arith.constant 1 : index
    %get3A_8 = arith.constant 0 : index
    %get3A_9 = arith.constant 0 : index
    %get3A_10 = vector.load %arg1[%get3A_7, %get3A_8, %get3A_9] : memref<2x1000x128xf32, #tpu.memory_space<vmem>>, vector<1x1000x128xf32>
    %get3A_11 = vector.shape_cast %get3A_10 : vector<1x1000x128xf32> to vector<1000x128xf32>
    %add3A = arith.addf %get3A_6, %get3A_11 : vector<1000x128xf32>
    %get3A_12 = arith.constant 0 : index
    %get3A_13 = arith.constant 0 : index
    %get3A_14 = vector.load %arg2[%get3A_12, %get3A_13] : memref<1000x128xf32, #tpu.memory_space<vmem>>, vector<1000x128xf32>
    %add3A_15 = arith.addf %add3A, %get3A_14 : vector<1000x128xf32>
    %mul3A = vector.broadcast %get3A_1 : vector<1000x1xf32> to vector<1000x128xf32>
    %mul3A_16 = arith.mulf %mul3A, %add3A_15 : vector<1000x128xf32>
    %get3A_17 = arith.constant 0 : index
    %get3A_18 = arith.constant 0 : index
    %get3A_19 = vector.load %arg4[%get3A_17, %get3A_18] : memref<1x128xf32, #tpu.memory_space<vmem>>, vector<1x128xf32>
    %add3A_20 = vector.broadcast %get3A_19 : vector<1x128xf32> to vector<1000x128xf32>
    %add3A_21 = arith.addf %mul3A_16, %add3A_20 : vector<1000x128xf32>
    %swap3A = arith.constant 0 : index
    %swap3A_22 = arith.constant 0 : index
    %swap3A_23 = vector.load %arg5[%swap3A, %swap3A_22] : memref<1000x128xf32, #tpu.memory_space<vmem>>, vector<1000x128xf32>
    tpu.vector_store %arg5[%swap3A, %swap3A_22], %add3A_21 {strides = array<i32>} : memref<1000x128xf32, #tpu.memory_space<vmem>>, vector<1000x128xf32>,
    %eq3A = arith.constant 0 : i32
    %eq3A_24 = arith.cmpi eq, %arg0, %eq3A : i32
    %convert_element_type3A = arith.extui %eq3A_24 : i1 to i32
    %cond3A = arith.constant 0 : i32
    %cond3A_25 = arith.cmpi ne, %convert_element_type3A, %cond3A : i32
    scf.if %cond3A_25 {
      %broadcast_in_dim3A_45 = arith.constant 0.000000e+00 : f32
      %broadcast_in_dim3A_46 = vector.broadcast %broadcast_in_dim3A_45 : f32 to vector<1x128xf32>
      %swap3A_47 = arith.constant 0 : index
      %swap3A_48 = arith.constant 0 : index
      %swap3A_49 = vector.load %arg6[%swap3A_47, %swap3A_48] : memref<1x128xf32, #tpu.memory_space<vmem>>, vector<1x128xf32>
      tpu.vector_store %arg6[%swap3A_47, %swap3A_48], %broadcast_in_dim3A_46 {strides = array<i32>} : memref<1x128xf32, #tpu.memory_space<vmem>>, vector<1x128xf32>,
      %broadcast_in_dim3A_50 = arith.constant 0.000000e+00 : f32
      %broadcast_in_dim3A_51 = vector.broadcast %broadcast_in_dim3A_50 : f32 to vector<1x128xf32>
      %swap3A_52 = arith.constant 0 : index
      %swap3A_53 = arith.constant 0 : index
      %swap3A_54 = vector.load %arg7[%swap3A_52, %swap3A_53] : memref<1x128xf32, #tpu.memory_space<vmem>>, vector<1x128xf32>
      tpu.vector_store %arg7[%swap3A_52, %swap3A_53], %broadcast_in_dim3A_51 {strides = array<i32>} : memref<1x128xf32, #tpu.memory_space<vmem>>, vector<1x128xf32>,
    } else {
    }
    %get3A_26 = arith.constant 0 : index
    %get3A_27 = arith.constant 0 : index
    %get3A_28 = vector.load %arg6[%get3A_26, %get3A_27] : memref<1x128xf32, #tpu.memory_space<vmem>>, vector<1x128xf32>
    %reduce_sum3A = arith.constant dense<0.000000e+00> : vector<128xf32>
    %reduce_sum3A_29 = vector.multi_reduction <add>, %add3A_21, %reduce_sum3A [0] : vector<1000x128xf32> to vector<128xf32>
    %broadcast_in_dim3A = vector.shape_cast %reduce_sum3A_29 : vector<128xf32> to vector<1x128xf32>
    %add3A_30 = arith.addf %get3A_28, %broadcast_in_dim3A : vector<1x128xf32>
    %swap3A_31 = arith.constant 0 : index
    %swap3A_32 = arith.constant 0 : index
    %swap3A_33 = vector.load %arg6[%swap3A_31, %swap3A_32] : memref<1x128xf32, #tpu.memory_space<vmem>>, vector<1x128xf32>
    tpu.vector_store %arg6[%swap3A_31, %swap3A_32], %add3A_30 {strides = array<i32>} : memref<1x128xf32, #tpu.memory_space<vmem>>, vector<1x128xf32>,
    %get3A_34 = arith.constant 0 : index
    %get3A_35 = arith.constant 0 : index
    %get3A_36 = vector.load %arg7[%get3A_34, %get3A_35] : memref<1x128xf32, #tpu.memory_space<vmem>>, vector<1x128xf32>
    %mul3A_37 = arith.mulf %add3A_21, %add3A_21 : vector<1000x128xf32>
    %reduce_sum3A_38 = arith.constant dense<0.000000e+00> : vector<128xf32>
    %reduce_sum3A_39 = vector.multi_reduction <add>, %mul3A_37, %reduce_sum3A_38 [0] : vector<1000x128xf32> to vector<128xf32>
    %broadcast_in_dim3A_40 = vector.shape_cast %reduce_sum3A_39 : vector<128xf32> to vector<1x128xf32>
    %add3A_41 = arith.addf %get3A_36, %broadcast_in_dim3A_40 : vector<1x128xf32>
    %swap3A_42 = arith.constant 0 : index
    %swap3A_43 = arith.constant 0 : index
    %swap3A_44 = vector.load %arg7[%swap3A_42, %swap3A_43] : memref<1x128xf32, #tpu.memory_space<vmem>>, vector<1x128xf32>
    tpu.vector_store %arg7[%swap3A_42, %swap3A_43], %add3A_41 {strides = array<i32>} : memref<1x128xf32, #tpu.memory_space<vmem>>, vector<1x128xf32>,
    return
  }
  func.func @transform_0(%arg0: i32) -> (i32, i32, i32) {
    %c0_i32 = arith.constant 0 : i32
    %c0_i32_0 = arith.constant 0 : i32
    %c0_i32_1 = arith.constant 0 : i32
    return %c0_i32, %arg0, %c0_i32_0 : i32, i32, i32
  }
  func.func @transform_1(%arg0: i32) -> (i32, i32) {
    %c0_i32 = arith.constant 0 : i32
    %c0_i32_0 = arith.constant 0 : i32
    return %arg0, %c0_i32 : i32, i32
  }
  func.func @transform_2(%arg0: i32) -> (i32, i32) {
    %c0_i32 = arith.constant 0 : i32
    %c0_i32_0 = arith.constant 0 : i32
    return %arg0, %c0_i32 : i32, i32
  }
  func.func @transform_3(%arg0: i32) -> (i32, i32) {
    %c0_i32 = arith.constant 0 : i32
    %c0_i32_0 = arith.constant 0 : i32
    %c0_i32_1 = arith.constant 0 : i32
    return %c0_i32, %c0_i32_0 : i32, i32
  }
  func.func @transform_4(%arg0: i32) -> (i32, i32) {
    %c0_i32 = arith.constant 0 : i32
    %c0_i32_0 = arith.constant 0 : i32
    return %arg0, %c0_i32 : i32, i32
  }
  func.func @transform_5(%arg0: i32) -> (i32, i32) {
    %c0_i32 = arith.constant 0 : i32
    %c0_i32_0 = arith.constant 0 : i32
    %c0_i32_1 = arith.constant 0 : i32
    return %c0_i32, %c0_i32_0 : i32, i32
  }
  func.func @transform_6(%arg0: i32) -> (i32, i32) {
    %c0_i32 = arith.constant 0 : i32
    %c0_i32_0 = arith.constant 0 : i32
    %c0_i32_1 = arith.constant 0 : i32
    return %c0_i32, %c0_i32_0 : i32, i32
  }
}

module attributes {stable_mosaic.version = 14 : i64} {
  func.func @body(%arg0: i32, %arg1: memref<1000x128xf32, #tpu.memory_space<vmem>>, %arg2: memref<1x128xf32, #tpu.memory_space<vmem>>, %arg3: memref<1x128xf32, #tpu.memory_space<vmem>>, %arg4: memref<1x128xf32, #tpu.memory_space<vmem>>, %arg5: memref<1x128xf32, #tpu.memory_space<vmem>>, %arg6: memref<128x128xf32, #tpu.memory_space<vmem>>, %arg7: memref<1000x1xf32, #tpu.memory_space<vmem>>, %arg8: memref<1000x128xf32, #tpu.memory_space<vmem>>) attributes {dimension_semantics = [#tpu.dimension_semantics<arbitrary>], iteration_bounds = array<i64: 10>, scalar_prefetch = 0 : i64, scratch_operands = 0 : i64, tpu.core_type = #tpu.core_type<tc>, window_params = [{transform_indices = @transform_0, window_bounds = array<i64: 1000, 128>}, {pipeline_mode = #tpu.pipeline_mode<synchronous>, transform_indices = @transform_1, window_bounds = array<i64: 1, 128>}, {pipeline_mode = #tpu.pipeline_mode<synchronous>, transform_indices = @transform_2, window_bounds = array<i64: 1, 128>}, {pipeline_mode = #tpu.pipeline_mode<synchronous>, transform_indices = @transform_3, window_bounds = array<i64: 1, 128>}, {pipeline_mode = #tpu.pipeline_mode<synchronous>, transform_indices = @transform_4, window_bounds = array<i64: 1, 128>}, {pipeline_mode = #tpu.pipeline_mode<synchronous>, transform_indices = @transform_5, window_bounds = array<i64: 128, 128>}, {transform_indices = @transform_6, window_bounds = array<i64: 1000, 1>}, {transform_indices = @transform_7, window_bounds = array<i64: 1000, 128>}]} {
    %get3A = arith.constant 0 : index
    %get3A_0 = arith.constant 0 : index
    %get3A_1 = vector.load %arg2[%get3A, %get3A_0] : memref<1x128xf32, #tpu.memory_space<vmem>>, vector<1x128xf32>
    %mul3A = arith.constant 9.99999974E-5 : f32
    %mul3A_2 = vector.broadcast %mul3A : f32 to vector<1x128xf32>
    %mul3A_3 = arith.mulf %get3A_1, %mul3A_2 : vector<1x128xf32>
    %get3A_4 = arith.constant 0 : index
    %get3A_5 = arith.constant 0 : index
    %get3A_6 = vector.load %arg3[%get3A_4, %get3A_5] : memref<1x128xf32, #tpu.memory_space<vmem>>, vector<1x128xf32>
    %mul3A_7 = arith.constant 9.99999974E-5 : f32
    %mul3A_8 = vector.broadcast %mul3A_7 : f32 to vector<1x128xf32>
    %mul3A_9 = arith.mulf %get3A_6, %mul3A_8 : vector<1x128xf32>
    %mul3A_10 = arith.mulf %mul3A_3, %mul3A_3 : vector<1x128xf32>
    %sub3A = arith.subf %mul3A_9, %mul3A_10 : vector<1x128xf32>
    %add3A = arith.constant 9.99999974E-6 : f32
    %add3A_11 = vector.broadcast %add3A : f32 to vector<1x128xf32>
    %add3A_12 = arith.addf %sub3A, %add3A_11 : vector<1x128xf32>
    %rsqrt3A = math.rsqrt %add3A_12 : vector<1x128xf32>
    %get3A_13 = arith.constant 0 : index
    %get3A_14 = arith.constant 0 : index
    %get3A_15 = vector.load %arg1[%get3A_13, %get3A_14] : memref<1000x128xf32, #tpu.memory_space<vmem>>, vector<1000x128xf32>
    %sub3A_16 = vector.broadcast %mul3A_3 : vector<1x128xf32> to vector<1000x128xf32>
    %sub3A_17 = arith.subf %get3A_15, %sub3A_16 : vector<1000x128xf32>
    %get3A_18 = arith.constant 0 : index
    %get3A_19 = arith.constant 0 : index
    %get3A_20 = vector.load %arg4[%get3A_18, %get3A_19] : memref<1x128xf32, #tpu.memory_space<vmem>>, vector<1x128xf32>
    %mul3A_21 = arith.mulf %rsqrt3A, %get3A_20 : vector<1x128xf32>
    %mul3A_22 = vector.broadcast %mul3A_21 : vector<1x128xf32> to vector<1000x128xf32>
    %mul3A_23 = arith.mulf %sub3A_17, %mul3A_22 : vector<1000x128xf32>
    %get3A_24 = arith.constant 0 : index
    %get3A_25 = arith.constant 0 : index
    %get3A_26 = vector.load %arg5[%get3A_24, %get3A_25] : memref<1x128xf32, #tpu.memory_space<vmem>>, vector<1x128xf32>
    %add3A_27 = vector.broadcast %get3A_26 : vector<1x128xf32> to vector<1000x128xf32>
    %add3A_28 = arith.addf %mul3A_23, %add3A_27 : vector<1000x128xf32>
    %max3A = arith.constant 0.000000e+00 : f32
    %max3A_29 = vector.broadcast %max3A : f32 to vector<1000x128xf32>
    %max3A_30 = arith.maximumf %add3A_28, %max3A_29 : vector<1000x128xf32>
    %get3A_31 = arith.constant 0 : index
    %get3A_32 = arith.constant 0 : index
    %get3A_33 = vector.load %arg6[%get3A_31, %get3A_32] : memref<128x128xf32, #tpu.memory_space<vmem>>, vector<128x128xf32>
    %dot_general3A = arith.constant dense<0.000000e+00> : vector<1000x128xf32>
    %dot_general3A_34 = tpu.matmul %max3A_30, %get3A_33, %dot_general3A {dimension_numbers = #tpu.dot_dimension_numbers<[1], [0], [0], [1], [0, 0, 1, 1], [], []>, transpose_lhs_hint = false} : vector<1000x128xf32>, vector<128x128xf32>, vector<1000x128xf32> -> vector<1000x128xf32>
    %get3A_35 = arith.constant 0 : index
    %get3A_36 = arith.constant 0 : index
    %get3A_37 = vector.load %arg7[%get3A_35, %get3A_36] : memref<1000x1xf32, #tpu.memory_space<vmem>>, vector<1000x1xf32>
    %mul3A_38 = vector.broadcast %get3A_37 : vector<1000x1xf32> to vector<1000x128xf32>
    %mul3A_39 = arith.mulf %dot_general3A_34, %mul3A_38 : vector<1000x128xf32>
    %swap3A = arith.constant 0 : index
    %swap3A_40 = arith.constant 0 : index
    %swap3A_41 = vector.load %arg8[%swap3A, %swap3A_40] : memref<1000x128xf32, #tpu.memory_space<vmem>>, vector<1000x128xf32>
    tpu.vector_store %arg8[%swap3A, %swap3A_40], %mul3A_39 {strides = array<i32>} : memref<1000x128xf32, #tpu.memory_space<vmem>>, vector<1000x128xf32>,
    return
  }
  func.func @transform_0(%arg0: i32) -> (i32, i32) {
    %c0_i32 = arith.constant 0 : i32
    %c0_i32_0 = arith.constant 0 : i32
    return %arg0, %c0_i32 : i32, i32
  }
  func.func @transform_1(%arg0: i32) -> (i32, i32) {
    %c0_i32 = arith.constant 0 : i32
    %c0_i32_0 = arith.constant 0 : i32
    %c0_i32_1 = arith.constant 0 : i32
    return %c0_i32, %c0_i32_0 : i32, i32
  }
  func.func @transform_2(%arg0: i32) -> (i32, i32) {
    %c0_i32 = arith.constant 0 : i32
    %c0_i32_0 = arith.constant 0 : i32
    %c0_i32_1 = arith.constant 0 : i32
    return %c0_i32, %c0_i32_0 : i32, i32
  }
  func.func @transform_3(%arg0: i32) -> (i32, i32) {
    %c0_i32 = arith.constant 0 : i32
    %c0_i32_0 = arith.constant 0 : i32
    %c0_i32_1 = arith.constant 0 : i32
    return %c0_i32, %c0_i32_0 : i32, i32
  }
  func.func @transform_4(%arg0: i32) -> (i32, i32) {
    %c0_i32 = arith.constant 0 : i32
    %c0_i32_0 = arith.constant 0 : i32
    %c0_i32_1 = arith.constant 0 : i32
    return %c0_i32, %c0_i32_0 : i32, i32
  }
  func.func @transform_5(%arg0: i32) -> (i32, i32) {
    %c0_i32 = arith.constant 0 : i32
    %c0_i32_0 = arith.constant 0 : i32
    %c0_i32_1 = arith.constant 0 : i32
    return %c0_i32, %c0_i32_0 : i32, i32
  }
  func.func @transform_6(%arg0: i32) -> (i32, i32) {
    %c0_i32 = arith.constant 0 : i32
    %c0_i32_0 = arith.constant 0 : i32
    return %arg0, %c0_i32 : i32, i32
  }
  func.func @transform_7(%arg0: i32) -> (i32, i32) {
    %c0_i32 = arith.constant 0 : i32
    %c0_i32_0 = arith.constant 0 : i32
    return %arg0, %c0_i32 : i32, i32
  }
}

module attributes {stable_mosaic.version = 14 : i64} {
  func.func @body(%arg0: i32, %arg1: memref<2x1000x128xf32, #tpu.memory_space<vmem>>, %arg2: memref<1000x128xf32, #tpu.memory_space<vmem>>, %arg3: memref<1000x1xf32, #tpu.memory_space<vmem>>, %arg4: memref<1x128xf32, #tpu.memory_space<vmem>>, %arg5: memref<1000x128xf32, #tpu.memory_space<vmem>>) attributes {dimension_semantics = [#tpu.dimension_semantics<arbitrary>], iteration_bounds = array<i64: 10>, scalar_prefetch = 0 : i64, scratch_operands = 0 : i64, tpu.core_type = #tpu.core_type<tc>, window_params = [{transform_indices = @transform_0, window_bounds = array<i64: 2, 1000, 128>}, {transform_indices = @transform_1, window_bounds = array<i64: 1000, 128>}, {transform_indices = @transform_2, window_bounds = array<i64: 1000, 1>}, {pipeline_mode = #tpu.pipeline_mode<synchronous>, transform_indices = @transform_3, window_bounds = array<i64: 1, 128>}, {transform_indices = @transform_4, window_bounds = array<i64: 1000, 128>}]} {
    %get3A = arith.constant 0 : index
    %get3A_0 = arith.constant 0 : index
    %get3A_1 = vector.load %arg3[%get3A, %get3A_0] : memref<1000x1xf32, #tpu.memory_space<vmem>>, vector<1000x1xf32>
    %get3A_2 = arith.constant 0 : index
    %get3A_3 = arith.constant 0 : index
    %get3A_4 = arith.constant 0 : index
    %get3A_5 = vector.load %arg1[%get3A_2, %get3A_3, %get3A_4] : memref<2x1000x128xf32, #tpu.memory_space<vmem>>, vector<1x1000x128xf32>
    %get3A_6 = vector.shape_cast %get3A_5 : vector<1x1000x128xf32> to vector<1000x128xf32>
    %get3A_7 = arith.constant 1 : index
    %get3A_8 = arith.constant 0 : index
    %get3A_9 = arith.constant 0 : index
    %get3A_10 = vector.load %arg1[%get3A_7, %get3A_8, %get3A_9] : memref<2x1000x128xf32, #tpu.memory_space<vmem>>, vector<1x1000x128xf32>
    %get3A_11 = vector.shape_cast %get3A_10 : vector<1x1000x128xf32> to vector<1000x128xf32>
    %add3A = arith.addf %get3A_6, %get3A_11 : vector<1000x128xf32>
    %get3A_12 = arith.constant 0 : index
    %get3A_13 = arith.constant 0 : index
    %get3A_14 = vector.load %arg2[%get3A_12, %get3A_13] : memref<1000x128xf32, #tpu.memory_space<vmem>>, vector<1000x128xf32>
    %add3A_15 = arith.addf %add3A, %get3A_14 : vector<1000x128xf32>
    %mul3A = vector.broadcast %get3A_1 : vector<1000x1xf32> to vector<1000x128xf32>
    %mul3A_16 = arith.mulf %mul3A, %add3A_15 : vector<1000x128xf32>
    %get3A_17 = arith.constant 0 : index
    %get3A_18 = arith.constant 0 : index
    %get3A_19 = vector.load %arg4[%get3A_17, %get3A_18] : memref<1x128xf32, #tpu.memory_space<vmem>>, vector<1x128xf32>
    %add3A_20 = vector.broadcast %get3A_19 : vector<1x128xf32> to vector<1000x128xf32>
    %add3A_21 = arith.addf %mul3A_16, %add3A_20 : vector<1000x128xf32>
    %swap3A = arith.constant 0 : index
    %swap3A_22 = arith.constant 0 : index
    %swap3A_23 = vector.load %arg5[%swap3A, %swap3A_22] : memref<1000x128xf32, #tpu.memory_space<vmem>>, vector<1000x128xf32>
    tpu.vector_store %arg5[%swap3A, %swap3A_22], %add3A_21 {strides = array<i32>} : memref<1000x128xf32, #tpu.memory_space<vmem>>, vector<1000x128xf32>,
    return
  }
  func.func @transform_0(%arg0: i32) -> (i32, i32, i32) {
    %c0_i32 = arith.constant 0 : i32
    %c0_i32_0 = arith.constant 0 : i32
    %c0_i32_1 = arith.constant 0 : i32
    return %c0_i32, %arg0, %c0_i32_0 : i32, i32, i32
  }
  func.func @transform_1(%arg0: i32) -> (i32, i32) {
    %c0_i32 = arith.constant 0 : i32
    %c0_i32_0 = arith.constant 0 : i32
    return %arg0, %c0_i32 : i32, i32
  }
  func.func @transform_2(%arg0: i32) -> (i32, i32) {
    %c0_i32 = arith.constant 0 : i32
    %c0_i32_0 = arith.constant 0 : i32
    return %arg0, %c0_i32 : i32, i32
  }
  func.func @transform_3(%arg0: i32) -> (i32, i32) {
    %c0_i32 = arith.constant 0 : i32
    %c0_i32_0 = arith.constant 0 : i32
    %c0_i32_1 = arith.constant 0 : i32
    return %c0_i32, %c0_i32_0 : i32, i32
  }
  func.func @transform_4(%arg0: i32) -> (i32, i32) {
    %c0_i32 = arith.constant 0 : i32
    %c0_i32_0 = arith.constant 0 : i32
    return %arg0, %c0_i32 : i32, i32
  }
}

</mosaic_0001>

<sc_bundles>
// kernel: kernel.13.cloned.1.call-start
scs
__scs_entry_jumppad:
0x0: {  	(pc) =	sbr.rel $0x88, $3  }
0x1: {  	(tag) =	ssettag $0x0;
	lr =	simm.s32 $0x1  }
0x2: {  	[smem:$0x3F95] =	sst lr;
	_ =	strace $0xD0000000  }
0x3: {  	_ = 	snop  }
0x4: {  	_ = 	snop  }
0x5: {  	_ = 	snop  }
0x6: {  	_ = 	snop  }
0x7: {  	_ = 	snop  }
__scs_overlays_trampoline_lowered:
0x8: {  	[smem:$0x3FA4] =	sst s0  }
0x9: {  	[smem:$0x3FA5] =	sst s1  }
0xa: {  	[smem:$0x3FA6] =	sst s2  }
0xb: {  	[smem:$0x3FA7] =	sst s3  }
0xc: {  	[smem:$0x3FA8] =	sst s4  }
0xd: {  	[smem:$0x3FA9] =	sst s5  }
0xe: {  	[smem:$0x3FAA] =	sst s6  }
0xf: {  	[smem:$0x3FAB] =	sst s7  }
0x10: {  	[smem:$0x3FAC] =	sst s8  }
0x11: {  	[smem:$0x3FAD] =	sst s9;
	s0 =	simm.s32 @!p0 $0x0  }
0x12: {  	s1 =	sld [smem:$0x3F93];
	s0 =	simm.s32 @p0 $0x1  }
0x13: {  	[smem:$0x3FAE] =	sst s0;
	s0 =	simm.s32 @!p1 $0x0  }
0x14: {  	s2 =	sld [smem:$0x3F92];
	s0 =	simm.s32 @p1 $0x1  }
0x15: {  	[smem:$0x3FAF] =	sst s0;
	s0 =	simm.s32 @!p2 $0x0  }
0x16: {  	s3 =	sld [smem:$0x3FDB];
	s0 =	simm.s32 @p2 $0x1  }
0x17: {  	s4 =	simm.s32 $0x1BF5;
	[smem:$0x3FB1] =	sst s0  }
0x18: {  	s0 =	sld [smem:$0x3F94];
	_ =	swait.ge [sflag:s4], $0x0  }
0x19: {  	s7 =	sld [smem:$0x3F95]  }
0x1a: {  	s8 =	sadd.s32 $0xFFFFE003, lr  }
0x1b: {  	s9 =	sadd.s32 $0xFFFFFEF7, lr;
	s5 =	simm.s32 $0xFFFFFFFF;
	p2 =	slt.u32 s8, $0xFFFFF086  }
0x1c: {  	p1 =	slt.u32 s9, $0xF7A;
	s5 =	simm.s32 @!p2 $0x0  }
0x1d: {  	s5 =	simm.s32 @p1 $0x1;
	p0 =	seq.s32 s7, s2  }
0x1e: {  	s7 =	smul.u32 @!p0 $0xF7A, s2;
	p2 =	seq.s32 @!p0 s5, $0x0  }
0x1f: {  	s9 =	smul.u32 $0xF7A, s1;
	s8 =	simm.s32 @!p0 $0x1BF5;
	p2 =	por !p2, p0  }
0x20: {  	[sflag:s8] =	ssyncset.s32 @!p0 $0xFFFFF086;
	s6 =	sadd.s32 @!p0 s3, s7;
	s7 =	simm.s32 @!p0 $0x108  }
0x21: {  	s3 =	sadd.s32 s3, s9;
	s6 =	sadd.s32 @!p0 $0x88, s6;
	s7 =	simm.s32 @p2 $0x1082  }
0x22: {  	[simem:s7], [sflag:s8] =	dma.local @!p0 [hbm:s6], $0xF7A  }
0x23: {  	s9 =	sor.u32 $0xD0000000, s2;
	s6 =	simm.s32 $0x108;
	_ =	swait.ge @!p0 [sflag:s8], $0x0  }
0x24: {  	s3 =	sadd.s32 $0x88, s3;
	s6 =	simm.s32 @!p1 $0x1082;
	[sflag:s4] =	ssyncset.s32 $0xFFFFF086  }
0x25: {  	[simem:s6], [sflag:s4] =	dma.local [hbm:s3], $0xF7A  }
0x26: {  	[smem:$0x3F95] =	sst s1;
	(tag) =	ssettag s2;
	_ =	strace s9  }
0x27: {  	s1 =	sld [smem:$0x3FA5]  }
0x28: {  	s2 =	sld [smem:$0x3FA6]  }
0x29: {  	s4 =	sld [smem:$0x3FA8]  }
0x2a: {  	p0 =	seq.s32 s5, $0x0;
	s5 =	sld [smem:$0x3FA9]  }
0x2b: {  	s6 =	sld [smem:$0x3FAA]  }
0x2c: {  	s7 =	sld [smem:$0x3FAB]  }
0x2d: {  	s3 =	simm.s32 $0x108;
	s8 =	sld [smem:$0x3FAC]  }
0x2e: {  	s3 =	simm.s32 @!p0 $0x1082;
	s9 =	sld [smem:$0x3FAD]  }
0x2f: {  	lr =	sadd.s32 s0, s3;
	s0 =	sld [smem:$0x3FA4]  }
0x30: {  	s3 =	sld [smem:$0x3FA7]  }
0x31: {  	[smem:$0x3FB0] =	sst s10  }
0x32: {  	s10 =	sld [smem:$0x3FAE];
	_ =	sdelay $0x3  }
0x33: {  	p0 =	seq.s32 s10, $0x1;
	s10 =	sld [smem:$0x3FB0];
	_ =	sdelay $0x3  }
0x34: {  	[smem:$0x3FB0] =	sst s10  }
0x35: {  	s10 =	sld [smem:$0x3FAF];
	_ =	sdelay $0x3  }
0x36: {  	p1 =	seq.s32 s10, $0x1;
	s10 =	sld [smem:$0x3FB0];
	_ =	sdelay $0x3  }
0x37: {  	[smem:$0x3FB0] =	sst s10  }
0x38: {  	s10 =	sld [smem:$0x3FB1]  }
0x39: {  	_ = 	snop;
	(pc) =	sbr.ind lr, $3  }
0x3a: {  	_ = 	snop  }
0x3b: {  	_ = 	snop  }
0x3c: {  	p2 =	seq.s32 s10, $0x1;
	s10 =	sld [smem:$0x3FB0]  }
0x3d: {  	_ =	shalt  }
0x3e: {  	_ =	shalt  }
0x3f: {  	_ =	shalt  }
0x40: {  	_ =	shalt  }
0x41: {  	_ =	shalt  }
0x42: {  	_ =	shalt  }
0x43: {  	_ =	shalt  }
0x44: {  	_ =	shalt  }
0x45: {  	_ =	shalt  }
0x46: {  	_ =	shalt  }
0x47: {  	_ =	shalt  }
0x48: {  	_ =	shalt  }
0x49: {  	_ =	shalt  }
0x4a: {  	_ =	shalt  }
0x4b: {  	_ =	shalt  }
0x4c: {  	_ =	shalt  }
0x4d: {  	_ =	shalt  }
0x4e: {  	_ =	shalt  }
0x4f: {  	_ =	shalt  }
0x50: {  	_ =	shalt  }
0x51: {  	_ =	shalt  }
0x52: {  	_ =	shalt  }
0x53: {  	_ =	shalt  }
0x54: {  	_ =	shalt  }
0x55: {  	_ =	shalt  }
0x56: {  	_ =	shalt  }
0x57: {  	_ =	shalt  }
0x58: {  	_ =	shalt  }
0x59: {  	_ =	shalt  }
0x5a: {  	_ =	shalt  }
0x5b: {  	_ =	shalt  }
0x5c: {  	_ =	shalt  }
0x5d: {  	_ =	shalt  }
0x5e: {  	_ =	shalt  }
0x5f: {  	_ =	shalt  }
0x60: {  	_ =	shalt  }
0x61: {  	_ =	shalt  }
0x62: {  	_ =	shalt  }
0x63: {  	_ =	shalt  }
0x64: {  	_ =	shalt  }
0x65: {  	_ =	shalt  }
0x66: {  	_ =	shalt  }
0x67: {  	_ =	shalt  }
0x68: {  	_ =	shalt  }
0x69: {  	_ =	shalt  }
0x6a: {  	_ =	shalt  }
0x6b: {  	_ =	shalt  }
0x6c: {  	_ =	shalt  }
0x6d: {  	_ =	shalt  }
0x6e: {  	_ =	shalt  }
0x6f: {  	_ =	shalt  }
0x70: {  	_ =	shalt  }
0x71: {  	_ =	shalt  }
0x72: {  	_ =	shalt  }
0x73: {  	_ =	shalt  }
0x74: {  	_ =	shalt  }
0x75: {  	_ =	shalt  }
0x76: {  	_ =	shalt  }
0x77: {  	_ =	shalt  }
0x78: {  	_ =	shalt  }
0x79: {  	_ =	shalt  }
0x7a: {  	_ =	shalt  }
0x7b: {  	_ =	shalt  }
0x7c: {  	_ =	shalt  }
0x7d: {  	_ =	shalt  }
0x7e: {  	_ =	shalt  }
0x7f: {  	_ =	shalt  }
0x80: {  	_ =	shalt  }
0x81: {  	_ =	shalt  }
0x82: {  	_ =	shalt  }
0x83: {  	_ =	shalt  }
0x84: {  	_ =	shalt  }
0x85: {  	_ =	shalt  }
0x86: {  	_ =	shalt  }
0x87: {  	_ =	shalt  }
.Lfunc_end0:
.L_simem_size_0:
called_computation_lowered:
.L_overlay_start_0:
0x88: {  	s2 =	sld [smem:$0x3FD9]  }
0x89: {  	s3 =	sld [smem:$0x3FFE];
	_ =	sdelay $0x1  }
0x8a: {  	s1 =	srdreg.scid  }
0x8b: {  	s0 =	sand.u32 $0x1, s1  }
0x8c: {  	s16 =	sshll.u32 s0, $0xA;
	s2 =	sadd.s32 s3, s2  }
0x8d: {  	s2 =	sadd.s32 s2, s16  }
0x8e: {  	[smem:$0x3FBC] =	sst s2  }
0x8f: {  	_ = 	snop  }
0x90: {  	(tm) =	ssettm $0x1  }
0x91: {  	s17 =	sld [smem:$0x3FFB];
	_ =	sdelay $0x3  }
0x92: {  	_ =	strace s17  }
0x93: {  	s2 =	sld [smem:$0x3FFC];
	_ =	sdelay $0x3  }
0x94: {  	_ =	strace s2  }
0x95: {  	s2 =	sld [smem:$0x3FFD];
	_ =	sdelay $0x3  }
0x96: {  	_ =	strace s2  }
0x97: {  	_ =	strace $0x8FFFFFFF  }
0x98: {  	s18 =	sld [smem:$0x3FDB];
	_ =	sdelay $0x1  }
0x99: {  	s19 =	simm.s32 $_scs_section_size  }
0x9a: {  	s4 =	simm.s32 $_size__tile_overlayer_lowered;
	s5 =	simm.s32 $_tile_overlayer_lowered  }
0x9b: {  	s22 =	simm.s32 $0x1BFF;
	s21 =	sshll.u32 s5, $0x1;
	s2 =	sadd.s32 s19, s18  }
0x9c: {  	s6 =	simm.s32 $0x0;
	s20 =	sshll.u32 s4, $0x1;
	s4 =	sadd.s32 s21, s2  }
0x9d: {  	[timem:s6], [sflag:s22] =	dma.local [hbm:s4], s20  }
0x9e: {  	_ =	swait.ge [sflag:s22], s20  }
0x9f: {  	s3 =	ssub.s32 $0x0, s20;
	[sflag:s22] =	ssyncset.done $0x0  }
0xa0: {  	[sflag:s22] =	ssyncadd.s32 s3;
	_ =	sdelay $0x1  }
0xa1: {  	s23 =	simm.s32 $0x1B8B  }
0xa2: {  	_ =	swait.ge [sflag:s23], $0x1  }
0xa3: {  	[sflag:s23] =	ssyncset.done $0x0  }
0xa4: {  	s25 =	simm.s32 $0x1B8E;
	s24 =	sld [smem:$0x3FFE];
	[sflag:s23] =	ssyncadd.s32 $0xFFFFFFFF  }
0xa5: {  	s26 =	simm.s32 $execute0_lowered;
	[smem:$0x3FD2] =	sst s25  }
0xa6: {  	s4 =	sshll.u32 s26, $0x1;
	_ =	strace $0x80000046;
	[dreg:$0x1] =	wrdreg $0xFFFFFFFF  }
0xa7: {  	s28 =	simm.s32 $_size_execute0_lowered;
	s2 =	sadd.s32 s2, s4;
	[dreg:$0x0] =	wrdreg $0x0  }
0xa8: {  	s4 =	sshll.u32 s28, $0x1;
	[dreg:$0x2] =	wrdreg s2  }
0xa9: {  	[dreg:$0x3] =	wrdreg s4  }
0xaa: {  	[dreg:$0x4] =	wrdreg $0xC0  }
0xab: {  	_ =	task [dreg:s6], $0x5FFFF  }
0xac: {  	[dreg:$0x1] =	wrdreg $0xFFFFFFFF  }
0xad: {  	[dreg:$0x0] =	wrdreg $0x60  }
0xae: {  	[dreg:$0x2] =	wrdreg s24  }
0xaf: {  	[dreg:$0x3] =	wrdreg $0x68000  }
0xb0: {  	[dreg:$0x4] =	wrdreg $0x9  }
0xb1: {  	_ =	task.clear_ibuf [dreg:s6], $0x5FFFF;
	_ =	strace $0x90000046  }
0xb2: {  	s29 =	simm.s32 $0x9;
	_ =	strace $0x80000048  }
0xb3: {  	_ =	swait.ge [sflag:s29], $0x1  }
0xb4: {  	[sflag:s29] =	ssyncadd.s32 $0xFFFFFFFF  }
0xb5: {  	_ =	strace $0x90000048  }
0xb6: {  	_ =	sfence  }
0xb7: {  	s30 =	sld [smem:$0x0];
	_ =	sdelay $0x2  }
0xb8: {  	s31 =	sshll.u32 s1, $0xD;
	s1 =	sshrl.u32 s1, $0x2  }
0xb9: {  	s3 =	sand.u32 $0x4000, s31;
	s1 =	sadd.s32 s1, s30  }
0xba: {  	s0 =	sor.u32 s3, s0;
	s1 =	sshll.u32 s1, $0x11  }
0xbb: {  	s0 =	sor.u32 s1, s0  }
0xbc: {  	s0 =	sadd.s32 $0x8F2B, s0  }
0xbd: {  	[sflag:s0] =	ssyncadd.remote.s32 $0x1  }
0xbe: {  	_ =	sfence.sel $0xFFFF  }
0xbf: {  	[dreg:$0x0] =	wrdreg $0xFFFFFFFF;
	(pc) =	sbr.abs _section_cstart, $3  }
0xc0: {  	[dreg:$0x1] =	wrdreg $0xFFFFFFFF  }
0xc1: {  	_ =	task.clear_ibuf [dreg:s6], $0x2FFFF;
	_ =	strace $0x9FFFFFFF  }
0xc2: {  	(tm) =	ssettm $0x7FFFFFFF  }
0xc3: {  	_ =	shalt  }
tec
execute0_lowered:
.L_overlay_start_1:
0x0: {  	(tag) =	ssettag $0x1  }
0x1: {  	s6 =	rddreg [dreg:$0x0]  }
0x2: {  	s2 =	rddreg [dreg:$0x1]  }
0x3: {  	s0 =	rddreg [dreg:$0x2];
	s3 =	simm.s32 $0x0  }
0x4: {  	s1 =	stileid.u32;
	s5 =	srdreg.scid;
	s16 =	simm.s32 $0x80  }
0x5: {  	s17 =	simm.s32 $0x100;
	s18 =	simm.s32 $0x180;
	s19 =	simm.s32 $0x1  }
0x6: {  	s20 =	simm.s32 $0x0;
	[smem:$0x7FF] =	sst s3;
	s4 =	sshll.u32 s1, $0xB  }
0x7: {  	s8 =	sand.u32 $0x1, s5;
	s9 =	smul.u32 $0x4F000, s1;
	s5 =	sadd.s32 $0x13400, s6  }
0x8: {  	s13 =	smul.u32 $0x13C00, s1;
	s14 =	sadd.s32 $0x16200, s6;
	p0 =	seq.s32 s1, $0xF  }
0x9: {  	_ =	strace $0x80000047;
	s7 =	sadd.s32 s4, s6;
	s4 =	sadd.s32 $0x15C00, s6  }
0xa: {  	s10 =	ssub.s32 $0x2, s8;
	s11 =	smul.u32 $0x138800, s8;
	s8 =	sshll.u32 s8, $0xF  }
0xb: {  	s12 =	sshrl.u32 s10, $0x1;
	s26 =	sadd.s32 s8, s7;
	s28 =	sshrl.u32 s9, $0x2  }
0xc: {  	s10 =	ssub.s32 s10, s12;
	s6 =	sadd.s32 $0x3400, s26;
	s29 =	sadd.s32 s13, s11  }
0xd: {  	s15 =	sadd.s32 s28, s2;
	s31 =	sshrl.u32 s11, $0x3;
	s12 =	sadd.s32 $0x128400, s2  }
0xe: {  	s11 =	simm.s32 $0x4000;
	s13 =	sshll.u32 @!p0 s1, $0x6;
	s30 =	sshrl.u32 s29, $0x3  }
0xf: {  	s8 =	sadd.s32 s14, s31;
	s9 =	smax.u32 s10, $0x1;
	s10 =	simm.s32 $0x2  }
0x10: {  	s12 =	sshrl.u32 @p0 s12, $0x3;
	s13 =	sor.u32 @!p0 $0x1C02, s13;
	s7 =	sadd.s32 s14, s30  }
0x11: {  	s8 =	sadd.s32 $0x25080, s8;
	s14 =	sshrl.u32 @!p0 s15, $0x3;
	s15 =	simm.s32 $0x50  }
.LBB2_1:
0x12: {  	[tilespmem:s3], [sflag:$0x2] =	stream.linear.gather [hbm4b:s6+s3], $0x3E80, $0x38;
	[tilespmem:$0x1A080] =	vst v63  }
0x13: {  	_ =	swait.ge [sflag:s10], $0x3E80  }
0x14: {  	[sflag:s10] =	ssyncset.done $0x0  }
0x15: {  	[sflag:s10] =	ssyncadd.s32 $0xFFFFC180  }
0x16: {  	[tilespmem:s11], [sflag:$0x2] =	stream.linear.gather [hbm4b:s4+s3], $0x2800, $0x38;
	[tilespmem:$0x1A080] =	vst v63  }
0x17: {  	_ =	swait.ge [sflag:s10], $0x2800  }
0x18: {  	[sflag:s10] =	ssyncset.done $0x0  }
0x19: {  	s21 =	simm.s32 @p0 $0x1FC2;
	[sflag:s10] =	ssyncadd.s32 $0xFFFFD800  }
0x1a: {  	[spmem:s12], [sflag:s21] =	dma.local @p0 [hbm:s5], $0x2080  }
0x1b: {  	s21 =	simm.s32 @p0 $0x2  }
0x1c: {  	_ =	swait.ge @p0 [sflag:s21], $0x2080  }
0x1d: {  	[sflag:s21] =	ssyncset.done @p0 $0x0  }
0x1e: {  	[sflag:s21] =	ssyncadd.s32 @p0 $0xFFFFDF80;
	s21 =	simm.s32 @!p0 $0x2  }
0x1f: {  	[spmem:s14], [sflag:s13] =	dma.local @!p0 [hbm:s5], $0x2780  }
0x20: {  	_ =	swait.ge @!p0 [sflag:s21], $0x2780  }
0x21: {  	[sflag:s21] =	ssyncset.done @!p0 $0x0  }
0x22: {  	[sflag:s21] =	ssyncadd.s32 @!p0 $0xFFFFD880  }
0x23: {  	[bflag:$0x0] =	sbarrier.arrive $0xFFFF  }
0x24: {  	[spmem:s2] =	stream.indirect.scatter.add.f32 [tilespmem:s11], [sflag:$0x1], $0x80, s3, s15, $0xb8;
	[tilespmem:$0x1A080] =	vst v63  }
0x25: {  	_ = 	snop  }
0x26: {  	[spmem:s2] =	stream.indirect.scatter.add.f32 [tilespmem:s11], [sflag:$0x1], $0x80, s16, s15, $0xb8;
	[tilespmem:$0x1A080] =	vst v63  }
0x27: {  	_ = 	snop  }
0x28: {  	[spmem:s2] =	stream.indirect.scatter.add.f32 [tilespmem:s11], [sflag:$0x1], $0x80, s17, s15, $0xb8;
	[tilespmem:$0x1A080] =	vst v63  }
0x29: {  	_ = 	snop  }
0x2a: {  	[spmem:s2] =	stream.indirect.scatter.add.f32 [tilespmem:s11], [sflag:$0x1], $0x80, s18, s15, $0xb8;
	[tilespmem:$0x1A080] =	vst v63  }
0x2b: {  	s31 =	simm.s32 $0x200  }
0x2c: {  	[spmem:s2] =	stream.indirect.scatter.add.f32 [tilespmem:s11], [sflag:$0x1], $0x80, s31, s15, $0xb8;
	[tilespmem:$0x1A080] =	vst v63  }
0x2d: {  	_ =	swait.ge [sflag:s19], $0x2800  }
0x2e: {  	s21 =	simm.s32 $0xA00;
	[sflag:s19] =	ssyncset.done $0x0  }
.LBB2_2:
0x2f: {  	s22 =	sshra.s32 s21, $0x2;
	[sflag:s19] =	ssyncadd.s32 $0xFFFFD800;
	p1 =	sne.s32 s21, $0xF800  }
0x30: {  	[spmem:s2] =	stream.indirect.scatter.add.f32 [tilespmem:s11], [sflag:$0x1], $0x80, s22, s15, $0xb8;
	[tilespmem:$0x1A080] =	vst v63  }
.Ltmp0:
0x31: {  	_ = 	snop;
	(pc) =	sbr.rel @p1 .LBB2_2-.Ltmp0, $4  }
0x32: {  	_ = 	snop  }
0x33: {  	s21 =	sadd.s32 $0x200, s21  }
0x34: {  	_ =	swait.ge [sflag:s19], $0x2800  }
0x35: {  	[sflag:s19] =	ssyncset.done $0x0  }
0x36: {  	[sflag:s19] =	ssyncadd.s32 $0xFFFFD800  }
0x37: {  	_ =	swait.ge [sflag:s19], $0x2800  }
0x38: {  	[sflag:s19] =	ssyncset.done $0x0  }
0x39: {  	[sflag:s19] =	ssyncadd.s32 $0xFFFFD800  }
0x3a: {  	_ =	swait.ge [sflag:s19], $0x2800  }
0x3b: {  	[sflag:s19] =	ssyncset.done $0x0  }
0x3c: {  	[sflag:s19] =	ssyncadd.s32 $0xFFFFD800  }
0x3d: {  	_ =	swait.ge [sflag:s19], $0x2800  }
0x3e: {  	[sflag:s19] =	ssyncset.done $0x0  }
0x3f: {  	[sflag:s19] =	ssyncadd.s32 $0xFFFFD800  }
0x40: {  	_ =	swait.ge [sflag:s19], $0x2800  }
0x41: {  	[sflag:s19] =	ssyncset.done $0x0  }
0x42: {  	[sflag:s19] =	ssyncadd.s32 $0xFFFFD800  }
0x43: {  	s21 =	simm.s32 @p0 $0x1FC2;
	[bflag:$0x0] =	sbarrier.arrive $0xFFFF  }
0x44: {  	[hbm:s8], [sflag:s21] =	dma.local @p0 [spmem:s12], $0x2080  }
0x45: {  	s21 =	simm.s32 @p0 $0x2  }
0x46: {  	s20 =	sadd.s32 $0x1, s20;
	_ =	swait.ge @p0 [sflag:s21], $0x2080  }
0x47: {  	p1 =	sne.s32 s20, s9;
	[sflag:s21] =	ssyncset.done @p0 $0x0  }
.Ltmp1:
0x48: {  	[sflag:s21] =	ssyncadd.s32 @p0 $0xFFFFDF80;
	s21 =	simm.s32 @!p0 $0x2;
	(pc) =	sbr.rel @p1 .LBB2_1-.Ltmp1, $4  }
0x49: {  	[hbm:s7], [sflag:s13] =	dma.local @!p0 [spmem:s14], $0x2780  }
0x4a: {  	_ =	swait.ge @!p0 [sflag:s21], $0x2780  }
0x4b: {  	[sflag:s21] =	ssyncset.done @!p0 $0x0  }
0x4c: {  	[sflag:s21] =	ssyncadd.s32 @!p0 $0xFFFFD880  }
0x4d: {  	_ =	sfence.sel $0x180000  }
0x4e: {  	[bflag:$0x0] =	sbarrier.arrive $0xFFFF  }
0x4f: {  	p0 =	sne.s32 s1, $0x0;
	_ =	strace $0x90000047  }
0x50: {  	s0 =	sadd.s32 @!p0 $0x100000, s0;
	[bflag:$0x2] =	sbarrier.arrive $0xFFFF  }
0x51: {  	[sflag:s0] =	ssyncadd.tile.s32 @!p0 $0x1;
	_ =	shalt  }
.Lfunc_end2:
_tile_overlayer_lowered:
.L_overlay_start_2:
0x52: {  	(tag) =	ssettag $0x2  }
0x53: {  	s0 =	rddreg [dreg:$0x0];
	s2 =	stileid.u32  }
0x54: {  	s1 =	rddreg [dreg:$0x1];
	p0 =	sne.s32 s2, $0x0  }
0x55: {  	s3 =	rddreg [dreg:$0x2];
	[bflag:$0x3] =	sbarrier.arrive $0xFFFF;
	s2 =	simm.s32 @!p0 $0x1C02  }
0x56: {  	[timem:s3], [sflag:s2] =	dma.local @!p0 [hbm:s0], s1  }
0x57: {  	s0 =	simm.s32 @!p0 $0x2  }
0x58: {  	_ =	swait.ge @!p0 [sflag:s0], s1  }
0x59: {  	s1 =	ssub.s32 @!p0 $0x0, s1;
	[sflag:s0] =	ssyncset.done @!p0 $0x0  }
0x5a: {  	[sflag:s0] =	ssyncadd.s32 @!p0 s1  }
0x5b: {  	[bflag:$0x3] =	sbarrier.arrive $0xFFFF  }
0x5c: {  	_ =	shalt  }

// kernel: kernel.16.cloned.1.call-start
scs
__scs_entry_jumppad:
0x0: {  	(pc) =	sbr.rel $0x88, $3  }
0x1: {  	(tag) =	ssettag $0x0;
	lr =	simm.s32 $0x1  }
0x2: {  	[smem:$0x3F95] =	sst lr;
	_ =	strace $0xD0000000  }
0x3: {  	_ = 	snop  }
0x4: {  	_ = 	snop  }
0x5: {  	_ = 	snop  }
0x6: {  	_ = 	snop  }
0x7: {  	_ = 	snop  }
__scs_overlays_trampoline_lowered:
0x8: {  	[smem:$0x3FA4] =	sst s0  }
0x9: {  	[smem:$0x3FA5] =	sst s1  }
0xa: {  	[smem:$0x3FA6] =	sst s2  }
0xb: {  	[smem:$0x3FA7] =	sst s3  }
0xc: {  	[smem:$0x3FA8] =	sst s4  }
0xd: {  	[smem:$0x3FA9] =	sst s5  }
0xe: {  	[smem:$0x3FAA] =	sst s6  }
0xf: {  	[smem:$0x3FAB] =	sst s7  }
0x10: {  	[smem:$0x3FAC] =	sst s8  }
0x11: {  	[smem:$0x3FAD] =	sst s9;
	s0 =	simm.s32 @!p0 $0x0  }
0x12: {  	s1 =	sld [smem:$0x3F93];
	s0 =	simm.s32 @p0 $0x1  }
0x13: {  	[smem:$0x3FAE] =	sst s0;
	s0 =	simm.s32 @!p1 $0x0  }
0x14: {  	s2 =	sld [smem:$0x3F92];
	s0 =	simm.s32 @p1 $0x1  }
0x15: {  	[smem:$0x3FAF] =	sst s0;
	s0 =	simm.s32 @!p2 $0x0  }
0x16: {  	s3 =	sld [smem:$0x3FDB];
	s0 =	simm.s32 @p2 $0x1  }
0x17: {  	s4 =	simm.s32 $0x1BF5;
	[smem:$0x3FB1] =	sst s0  }
0x18: {  	s0 =	sld [smem:$0x3F94];
	_ =	swait.ge [sflag:s4], $0x0  }
0x19: {  	s7 =	sld [smem:$0x3F95]  }
0x1a: {  	s8 =	sadd.s32 $0xFFFFE003, lr  }
0x1b: {  	s9 =	sadd.s32 $0xFFFFFEF7, lr;
	s5 =	simm.s32 $0xFFFFFFFF;
	p2 =	slt.u32 s8, $0xFFFFF086  }
0x1c: {  	p1 =	slt.u32 s9, $0xF7A;
	s5 =	simm.s32 @!p2 $0x0  }
0x1d: {  	s5 =	simm.s32 @p1 $0x1;
	p0 =	seq.s32 s7, s2  }
0x1e: {  	s7 =	smul.u32 @!p0 $0xF7A, s2;
	p2 =	seq.s32 @!p0 s5, $0x0  }
0x1f: {  	s9 =	smul.u32 $0xF7A, s1;
	s8 =	simm.s32 @!p0 $0x1BF5;
	p2 =	por !p2, p0  }
0x20: {  	[sflag:s8] =	ssyncset.s32 @!p0 $0xFFFFF086;
	s6 =	sadd.s32 @!p0 s3, s7;
	s7 =	simm.s32 @!p0 $0x108  }
0x21: {  	s3 =	sadd.s32 s3, s9;
	s6 =	sadd.s32 @!p0 $0x88, s6;
	s7 =	simm.s32 @p2 $0x1082  }
0x22: {  	[simem:s7], [sflag:s8] =	dma.local @!p0 [hbm:s6], $0xF7A  }
0x23: {  	s9 =	sor.u32 $0xD0000000, s2;
	s6 =	simm.s32 $0x108;
	_ =	swait.ge @!p0 [sflag:s8], $0x0  }
0x24: {  	s3 =	sadd.s32 $0x88, s3;
	s6 =	simm.s32 @!p1 $0x1082;
	[sflag:s4] =	ssyncset.s32 $0xFFFFF086  }
0x25: {  	[simem:s6], [sflag:s4] =	dma.local [hbm:s3], $0xF7A  }
0x26: {  	[smem:$0x3F95] =	sst s1;
	(tag) =	ssettag s2;
	_ =	strace s9  }
0x27: {  	s1 =	sld [smem:$0x3FA5]  }
0x28: {  	s2 =	sld [smem:$0x3FA6]  }
0x29: {  	s4 =	sld [smem:$0x3FA8]  }
0x2a: {  	p0 =	seq.s32 s5, $0x0;
	s5 =	sld [smem:$0x3FA9]  }
0x2b: {  	s6 =	sld [smem:$0x3FAA]  }
0x2c: {  	s7 =	sld [smem:$0x3FAB]  }
0x2d: {  	s3 =	simm.s32 $0x108;
	s8 =	sld [smem:$0x3FAC]  }
0x2e: {  	s3 =	simm.s32 @!p0 $0x1082;
	s9 =	sld [smem:$0x3FAD]  }
0x2f: {  	lr =	sadd.s32 s0, s3;
	s0 =	sld [smem:$0x3FA4]  }
0x30: {  	s3 =	sld [smem:$0x3FA7]  }
0x31: {  	[smem:$0x3FB0] =	sst s10  }
0x32: {  	s10 =	sld [smem:$0x3FAE];
	_ =	sdelay $0x3  }
0x33: {  	p0 =	seq.s32 s10, $0x1;
	s10 =	sld [smem:$0x3FB0];
	_ =	sdelay $0x3  }
0x34: {  	[smem:$0x3FB0] =	sst s10  }
0x35: {  	s10 =	sld [smem:$0x3FAF];
	_ =	sdelay $0x3  }
0x36: {  	p1 =	seq.s32 s10, $0x1;
	s10 =	sld [smem:$0x3FB0];
	_ =	sdelay $0x3  }
0x37: {  	[smem:$0x3FB0] =	sst s10  }
0x38: {  	s10 =	sld [smem:$0x3FB1]  }
0x39: {  	_ = 	snop;
	(pc) =	sbr.ind lr, $3  }
0x3a: {  	_ = 	snop  }
0x3b: {  	_ = 	snop  }
0x3c: {  	p2 =	seq.s32 s10, $0x1;
	s10 =	sld [smem:$0x3FB0]  }
0x3d: {  	_ =	shalt  }
0x3e: {  	_ =	shalt  }
0x3f: {  	_ =	shalt  }
0x40: {  	_ =	shalt  }
0x41: {  	_ =	shalt  }
0x42: {  	_ =	shalt  }
0x43: {  	_ =	shalt  }
0x44: {  	_ =	shalt  }
0x45: {  	_ =	shalt  }
0x46: {  	_ =	shalt  }
0x47: {  	_ =	shalt  }
0x48: {  	_ =	shalt  }
0x49: {  	_ =	shalt  }
0x4a: {  	_ =	shalt  }
0x4b: {  	_ =	shalt  }
0x4c: {  	_ =	shalt  }
0x4d: {  	_ =	shalt  }
0x4e: {  	_ =	shalt  }
0x4f: {  	_ =	shalt  }
0x50: {  	_ =	shalt  }
0x51: {  	_ =	shalt  }
0x52: {  	_ =	shalt  }
0x53: {  	_ =	shalt  }
0x54: {  	_ =	shalt  }
0x55: {  	_ =	shalt  }
0x56: {  	_ =	shalt  }
0x57: {  	_ =	shalt  }
0x58: {  	_ =	shalt  }
0x59: {  	_ =	shalt  }
0x5a: {  	_ =	shalt  }
0x5b: {  	_ =	shalt  }
0x5c: {  	_ =	shalt  }
0x5d: {  	_ =	shalt  }
0x5e: {  	_ =	shalt  }
0x5f: {  	_ =	shalt  }
0x60: {  	_ =	shalt  }
0x61: {  	_ =	shalt  }
0x62: {  	_ =	shalt  }
0x63: {  	_ =	shalt  }
0x64: {  	_ =	shalt  }
0x65: {  	_ =	shalt  }
0x66: {  	_ =	shalt  }
0x67: {  	_ =	shalt  }
0x68: {  	_ =	shalt  }
0x69: {  	_ =	shalt  }
0x6a: {  	_ =	shalt  }
0x6b: {  	_ =	shalt  }
0x6c: {  	_ =	shalt  }
0x6d: {  	_ =	shalt  }
0x6e: {  	_ =	shalt  }
0x6f: {  	_ =	shalt  }
0x70: {  	_ =	shalt  }
0x71: {  	_ =	shalt  }
0x72: {  	_ =	shalt  }
0x73: {  	_ =	shalt  }
0x74: {  	_ =	shalt  }
0x75: {  	_ =	shalt  }
0x76: {  	_ =	shalt  }
0x77: {  	_ =	shalt  }
0x78: {  	_ =	shalt  }
0x79: {  	_ =	shalt  }
0x7a: {  	_ =	shalt  }
0x7b: {  	_ =	shalt  }
0x7c: {  	_ =	shalt  }
0x7d: {  	_ =	shalt  }
0x7e: {  	_ =	shalt  }
0x7f: {  	_ =	shalt  }
0x80: {  	_ =	shalt  }
0x81: {  	_ =	shalt  }
0x82: {  	_ =	shalt  }
0x83: {  	_ =	shalt  }
0x84: {  	_ =	shalt  }
0x85: {  	_ =	shalt  }
0x86: {  	_ =	shalt  }
0x87: {  	_ =	shalt  }
.Lfunc_end0:
.L_simem_size_0:
called_computation.1_lowered:
.L_overlay_start_0:
0x88: {  	s2 =	sld [smem:$0x3FD9]  }
0x89: {  	s3 =	sld [smem:$0x3FFE];
	_ =	sdelay $0x1  }
0x8a: {  	s1 =	srdreg.scid  }
0x8b: {  	s0 =	sand.u32 $0x1, s1  }
0x8c: {  	s17 =	sshll.u32 s0, $0xA;
	s2 =	sadd.s32 s3, s2  }
0x8d: {  	s2 =	sadd.s32 s2, s17  }
0x8e: {  	[smem:$0x3FBC] =	sst s2  }
0x8f: {  	_ = 	snop  }
0x90: {  	s2 =	sld [smem:$0x3FD0];
	(tm) =	ssettm $0x1  }
0x91: {  	s18 =	sld [smem:$0x3FFB];
	_ =	sdelay $0x3  }
0x92: {  	_ =	strace s18  }
0x93: {  	s3 =	sld [smem:$0x3FFC];
	_ =	sdelay $0x3  }
0x94: {  	_ =	strace s3  }
0x95: {  	s3 =	sld [smem:$0x3FFD];
	_ =	sdelay $0x3  }
0x96: {  	_ =	strace s3  }
0x97: {  	_ =	strace $0x8FFFFFFF  }
0x98: {  	s19 =	sld [smem:$0x3FDB];
	_ =	sdelay $0x1  }
0x99: {  	s4 =	simm.s32 $_scs_section_size  }
0x9a: {  	s5 =	simm.s32 $_size__tile_overlayer_lowered;
	s6 =	simm.s32 $_tile_overlayer_lowered  }
0x9b: {  	s22 =	simm.s32 $0x1BFF;
	s21 =	sshll.u32 s6, $0x1;
	s3 =	sadd.s32 s4, s19  }
0x9c: {  	s7 =	simm.s32 $0x0;
	s20 =	sshll.u32 s5, $0x1;
	s5 =	sadd.s32 s21, s3  }
0x9d: {  	[timem:s7], [sflag:s22] =	dma.local [hbm:s5], s20  }
0x9e: {  	_ =	swait.ge [sflag:s22], s20  }
0x9f: {  	s4 =	ssub.s32 $0x0, s20;
	[sflag:s22] =	ssyncset.done $0x0  }
0xa0: {  	[sflag:s22] =	ssyncadd.s32 s4;
	_ =	sdelay $0x1  }
0xa1: {  	s23 =	simm.s32 $0x1B8B  }
0xa2: {  	_ =	swait.ge [sflag:s23], $0x1  }
0xa3: {  	[sflag:s23] =	ssyncset.done $0x0  }
0xa4: {  	s25 =	simm.s32 $0x1B8E;
	s24 =	sld [smem:$0x3FFE];
	[sflag:s23] =	ssyncadd.s32 $0xFFFFFFFF  }
0xa5: {  	s26 =	simm.s32 $execute0_lowered;
	[smem:$0x3FD2] =	sst s25  }
0xa6: {  	s5 =	sshll.u32 s26, $0x1;
	_ =	strace $0x80000049;
	[dreg:$0x1] =	wrdreg $0xFFFFFFFF  }
0xa7: {  	s28 =	simm.s32 $_size_execute0_lowered;
	s3 =	sadd.s32 s3, s5;
	[dreg:$0x0] =	wrdreg $0x0  }
0xa8: {  	s5 =	sshll.u32 s28, $0x1;
	[dreg:$0x2] =	wrdreg s3  }
0xa9: {  	[dreg:$0x3] =	wrdreg s5  }
0xaa: {  	[dreg:$0x4] =	wrdreg $0xC0  }
0xab: {  	_ =	task [dreg:s7], $0x5FFFF  }
0xac: {  	[dreg:$0x1] =	wrdreg $0xFFFFFFFF  }
0xad: {  	[dreg:$0x0] =	wrdreg $0x60  }
0xae: {  	[dreg:$0x2] =	wrdreg s24  }
0xaf: {  	[dreg:$0x3] =	wrdreg s2  }
0xb0: {  	[dreg:$0x4] =	wrdreg $0xB7800  }
0xb1: {  	[dreg:$0x5] =	wrdreg $0x9  }
0xb2: {  	_ =	task.clear_ibuf [dreg:s7], $0x6FFFF;
	_ =	strace $0x90000049  }
0xb3: {  	s29 =	simm.s32 $0x9;
	_ =	strace $0x8000004B  }
0xb4: {  	_ =	swait.ge [sflag:s29], $0x1  }
0xb5: {  	[sflag:s29] =	ssyncadd.s32 $0xFFFFFFFF  }
0xb6: {  	_ =	strace $0x9000004B  }
0xb7: {  	_ =	sfence  }
0xb8: {  	s30 =	sld [smem:$0x0];
	_ =	sdelay $0x2  }
0xb9: {  	s31 =	sshll.u32 s1, $0xD;
	s1 =	sshrl.u32 s1, $0x2  }
0xba: {  	s3 =	sand.u32 $0x4000, s31;
	s1 =	sadd.s32 s1, s30  }
0xbb: {  	s0 =	sor.u32 s3, s0;
	s1 =	sshll.u32 s1, $0x11  }
0xbc: {  	s0 =	sor.u32 s1, s0  }
0xbd: {  	s0 =	sadd.s32 $0x8F2B, s0  }
0xbe: {  	[sflag:s0] =	ssyncadd.remote.s32 $0x1  }
0xbf: {  	_ =	sfence.sel $0xFFFF  }
0xc0: {  	[dreg:$0x0] =	wrdreg $0xFFFFFFFF;
	(pc) =	sbr.abs _section_cstart, $3  }
0xc1: {  	[dreg:$0x1] =	wrdreg $0xFFFFFFFF  }
0xc2: {  	_ =	task.clear_ibuf [dreg:s7], $0x2FFFF;
	_ =	strace $0x9FFFFFFF  }
0xc3: {  	(tm) =	ssettm $0x7FFFFFFF  }
tec
execute0_lowered:
.L_overlay_start_1:
0x0: {  	(tag) =	ssettag $0x1  }
0x1: {  	s6 =	rddreg [dreg:$0x0]  }
0x2: {  	s7 =	rddreg [dreg:$0x1]  }
0x3: {  	s1 =	rddreg [dreg:$0x2];
	s2 =	srdreg.scid;
	s3 =	simm.s32 $0x0  }
0x4: {  	s0 =	stileid.u32;
	s18 =	simm.s32 $0x50;
	s19 =	simm.s32 $0x6780  }
0x5: {  	s20 =	simm.s32 $0x8F80;
	s21 =	simm.s32 $0x1;
	s22 =	simm.s32 $0x2  }
0x6: {  	s23 =	simm.s32 $0x6480;
	s28 =	simm.s32 $0x0;
	s8 =	sand.u32 $0x1, s2  }
0x7: {  	[smem:$0x7FF] =	sst s3;
	s11 =	sshll.u32 s0, $0x7;
	s12 =	smul.u32 $0x4F000, s0  }
0x8: {  	s14 =	smul.u32 $0x13C00, s0;
	s15 =	sadd.s32 $0x3CE00, s6;
	s16 =	sadd.s32 $0x128400, s1  }
0x9: {  	p0 =	seq.s32 s0, $0xF;
	s4 =	sshll.u32 s8, $0x4;
	_ =	strace $0x8000004A  }
0xa: {  	s11 =	sand.u32 $0x380, s11;
	s13 =	ssub.s32 $0x2, s8;
	s8 =	smul.u32 $0x138800, s8  }
0xb: {  	s5 =	sor.u32 s0, s4;
	s4 =	sadd.s32 $0x15C00, s6;
	s24 =	sshrl.u32 s13, $0x1  }
0xc: {  	s25 =	sshrl.u32 s12, $0x2;
	s12 =	simm.s32 $0x400;
	s9 =	sshll.u32 s5, $0xB  }
0xd: {  	s5 =	sshrl.u32 s5, $0x3;
	s26 =	sadd.s32 s14, s8;
	s17 =	sadd.s32 s25, s1  }
0xe: {  	s30 =	sshrl.u32 s8, $0x3;
	s14 =	simm.s32 $0x2780;
	s25 =	simm.s32 $0x6500  }
0xf: {  	s9 =	sadd.s32 s9, s6;
	s10 =	smul.u32 $0x13C00, s5;
	s5 =	sadd.s32 $0x13400, s6  }
0x10: {  	s29 =	sshrl.u32 s26, $0x3;
	s31 =	sadd.s32 s15, s30;
	s17 =	sshrl.u32 @!p0 s17, $0x3  }
0x11: {  	s26 =	simm.s32 $0x6580;
	s8 =	sadd.s32 s15, s29;
	s15 =	sshrl.u32 @p0 s16, $0x3  }
0x12: {  	s16 =	sshll.u32 @!p0 s0, $0x6;
	s10 =	sor.u32 s11, s10;
	s11 =	ssub.s32 s13, s24  }
0x13: {  	s13 =	simm.s32 $0x3;
	s16 =	sor.u32 @!p0 $0x1C03, s16;
	s10 =	sshrl.u32 s10, $0x3  }
0x14: {  	s24 =	simm.s32 $0x26C0;
	s6 =	sadd.s32 s7, s10;
	s7 =	sadd.s32 $0x3400, s9  }
0x15: {  	s9 =	sadd.s32 $0x25080, s31;
	s10 =	smax.u32 s11, $0x1;
	s11 =	simm.s32 $0x80  }
.LBB2_1:
0x16: {  	[tilespmem:s3], [sflag:$0x3] =	stream.strided.gather [hbm4b:s6+s11], $0x2780, s12, s11, $0x38;
	[tilespmem:$0x1F000] =	vst v63  }
0x17: {  	_ =	swait.ge [sflag:s13], $0x2780  }
0x18: {  	[sflag:s13] =	ssyncset.done $0x0  }
0x19: {  	[sflag:s13] =	ssyncadd.s32 $0xFFFFD880  }
0x1a: {  	[tilespmem:s14], [sflag:$0x3] =	stream.linear.gather [hbm4b:s7+s3], $0x3E80, $0x38;
	[tilespmem:$0x1F000] =	vst v63  }
0x1b: {  	_ =	swait.ge [sflag:s13], $0x3E80  }
0x1c: {  	[sflag:s13] =	ssyncset.done $0x0  }
0x1d: {  	s29 =	simm.s32 @p0 $0x1FC3;
	[sflag:s13] =	ssyncadd.s32 $0xFFFFC180  }
0x1e: {  	[spmem:s15], [sflag:s29] =	dma.local @p0 [hbm:s5], $0x2080  }
0x1f: {  	s29 =	simm.s32 @p0 $0x3  }
0x20: {  	_ =	swait.ge @p0 [sflag:s29], $0x2080  }
0x21: {  	[sflag:s29] =	ssyncset.done @p0 $0x0  }
0x22: {  	[sflag:s29] =	ssyncadd.s32 @p0 $0xFFFFDF80;
	s29 =	simm.s32 @!p0 $0x3  }
0x23: {  	[spmem:s17], [sflag:s16] =	dma.local @!p0 [hbm:s5], $0x2780  }
0x24: {  	_ =	swait.ge @!p0 [sflag:s29], $0x2780  }
0x25: {  	[sflag:s29] =	ssyncset.done @!p0 $0x0  }
0x26: {  	[sflag:s29] =	ssyncadd.s32 @!p0 $0xFFFFD880  }
0x27: {  	[bflag:$0x0] =	sbarrier.arrive $0xFFFF  }
0x28: {  	[tilespmem:s19], [sflag:$0x1] =	stream.indirect.gather [hbm4b:s4+s18], $0x80, s3, s18, $0xb8;
	[tilespmem:$0x1F000] =	vst v63  }
0x29: {  	_ = 	snop  }
0x2a: {  	[tilespmem:s20], [sflag:$0x2] =	stream.indirect.gather [hbm4b:s4+s18], $0x80, s18, s18, $0xb8;
	[tilespmem:$0x1F000] =	vst v63  }
0x2b: {  	_ =	swait.ge [sflag:s21], $0x2800  }
0x2c: {  	[sflag:s21] =	ssyncset.done $0x0  }
0x2d: {  	s29 =	simm.s32 $0x2780;
	[sflag:s21] =	ssyncadd.s32 $0xFFFFD800  }
0x2e: {  	[spmem:s1] =	stream.indirect.scatter.add.f32 [tilespmem:s19], [sflag:$0x3], $0x80, s29, s18, $0xb8;
	[tilespmem:$0x1F000] =	vst v63  }
0x2f: {  	_ =	swait.ge [sflag:s13], $0x2800  }
0x30: {  	[sflag:s13] =	ssyncset.done $0x0  }
0x31: {  	s29 =	simm.s32 $0xA0;
	[sflag:s13] =	ssyncadd.s32 $0xFFFFD800  }
0x32: {  	[tilespmem:s19], [sflag:$0x1] =	stream.indirect.gather [hbm4b:s4+s18], $0x80, s29, s18, $0xb8;
	[tilespmem:$0x1F000] =	vst v63  }
0x33: {  	_ =	swait.ge [sflag:s22], $0x2800  }
0x34: {  	[sflag:s22] =	ssyncset.done $0x0  }
0x35: {  	s29 =	simm.s32 $0x2800;
	[sflag:s22] =	ssyncadd.s32 $0xFFFFD800  }
0x36: {  	[spmem:s1] =	stream.indirect.scatter.add.f32 [tilespmem:s20], [sflag:$0x3], $0x80, s29, s18, $0xb8;
	[tilespmem:$0x1F000] =	vst v63  }
0x37: {  	_ =	swait.ge [sflag:s13], $0x2800  }
0x38: {  	s30 =	simm.s32 $0x400;
	[sflag:s13] =	ssyncset.done $0x0  }
0x39: {  	s31 =	simm.s32 $0x190;
	s29 =	simm.s32 $0xF0;
	[sflag:s13] =	ssyncadd.s32 $0xFFFFD800  }
.LBB2_2:
0x3a: {  	[tilespmem:s20], [sflag:$0x2] =	stream.indirect.gather [hbm4b:s4+s18], $0x80, s29, s18, $0xb8;
	[tilespmem:$0x1F000] =	vst v63  }
0x3b: {  	s0 =	smov.u32 s30;
	s29 =	smov.u32 s31  }
0x3c: {  	p1 =	sne.s32 s30, $0xF000;
	s30 =	sadd.s32 $0x400, s30;
	_ =	swait.ge [sflag:s21], $0x2800  }
0x3d: {  	s0 =	sshra.s32 s0, $0x2;
	[sflag:s21] =	ssyncset.done $0x0  }
0x3e: {  	s2 =	sadd.s32 $0x2780, s0;
	[sflag:s21] =	ssyncadd.s32 $0xFFFFD800  }
0x3f: {  	[spmem:s1] =	stream.indirect.scatter.add.f32 [tilespmem:s19], [sflag:$0x3], $0x80, s2, s18, $0xb8;
	[tilespmem:$0x1F000] =	vst v63  }
0x40: {  	_ =	swait.ge [sflag:s13], $0x2800  }
0x41: {  	[sflag:s13] =	ssyncset.done $0x0  }
0x42: {  	s2 =	sadd.s32 $0xFFFFFFB0, s31;
	[sflag:s13] =	ssyncadd.s32 $0xFFFFD800  }
0x43: {  	[tilespmem:s19], [sflag:$0x1] =	stream.indirect.gather [hbm4b:s4+s18], $0x80, s2, s18, $0xb8;
	[tilespmem:$0x1F000] =	vst v63  }
0x44: {  	_ =	swait.ge [sflag:s22], $0x2800  }
0x45: {  	[sflag:s22] =	ssyncset.done $0x0  }
.Ltmp0:
0x46: {  	s0 =	sadd.s32 $0x2800, s0;
	[sflag:s22] =	ssyncadd.s32 $0xFFFFD800;
	(pc) =	sbr.rel @p1 .LBB2_2-.Ltmp0, $4  }
0x47: {  	[spmem:s1] =	stream.indirect.scatter.add.f32 [tilespmem:s20], [sflag:$0x3], $0x80, s0, s18, $0xb8;
	[tilespmem:$0x1F000] =	vst v63  }
0x48: {  	_ =	swait.ge [sflag:s13], $0x2800  }
0x49: {  	[sflag:s13] =	ssyncset.done $0x0  }
0x4a: {  	s31 =	sadd.s32 $0xA0, s31;
	[sflag:s13] =	ssyncadd.s32 $0xFFFFD800  }
0x4b: {  	[tilespmem:s20], [sflag:$0x2] =	stream.indirect.gather [hbm4b:s4+s18], $0x80, s29, s18, $0xb8;
	[tilespmem:$0x1F000] =	vst v63  }
0x4c: {  	_ =	swait.ge [sflag:s21], $0x2800  }
0x4d: {  	[sflag:s21] =	ssyncset.done $0x0  }
0x4e: {  	[sflag:s21] =	ssyncadd.s32 $0xFFFFD800  }
0x4f: {  	[spmem:s1] =	stream.indirect.scatter.add.f32 [tilespmem:s19], [sflag:$0x3], $0x80, s23, s18, $0xb8;
	[tilespmem:$0x1F000] =	vst v63  }
0x50: {  	_ =	swait.ge [sflag:s13], $0x2800  }
0x51: {  	[sflag:s13] =	ssyncset.done $0x0  }
0x52: {  	[sflag:s13] =	ssyncadd.s32 $0xFFFFD800  }
0x53: {  	[tilespmem:s19], [sflag:$0x1] =	stream.indirect.gather [hbm4b:s4+s18], $0x80, s24, s18, $0xb8;
	[tilespmem:$0x1F000] =	vst v63  }
0x54: {  	_ =	swait.ge [sflag:s22], $0x2800  }
0x55: {  	[sflag:s22] =	ssyncset.done $0x0  }
0x56: {  	[sflag:s22] =	ssyncadd.s32 $0xFFFFD800  }
0x57: {  	[spmem:s1] =	stream.indirect.scatter.add.f32 [tilespmem:s20], [sflag:$0x3], $0x80, s25, s18, $0xb8;
	[tilespmem:$0x1F000] =	vst v63  }
0x58: {  	_ =	swait.ge [sflag:s13], $0x2800  }
0x59: {  	[sflag:s13] =	ssyncset.done $0x0  }
0x5a: {  	[sflag:s13] =	ssyncadd.s32 $0xFFFFD800  }
0x5b: {  	_ =	swait.ge [sflag:s21], $0x2800  }
0x5c: {  	[sflag:s21] =	ssyncset.done $0x0  }
0x5d: {  	[sflag:s21] =	ssyncadd.s32 $0xFFFFD800  }
0x5e: {  	[spmem:s1] =	stream.indirect.scatter.add.f32 [tilespmem:s19], [sflag:$0x3], $0x80, s26, s18, $0xb8;
	[tilespmem:$0x1F000] =	vst v63  }
0x5f: {  	_ =	swait.ge [sflag:s13], $0x2800  }
0x60: {  	[sflag:s13] =	ssyncset.done $0x0  }
0x61: {  	[sflag:s13] =	ssyncadd.s32 $0xFFFFD800  }
0x62: {  	s0 =	simm.s32 @p0 $0x1FC3;
	[bflag:$0x0] =	sbarrier.arrive $0xFFFF  }
0x63: {  	[hbm:s9], [sflag:s0] =	dma.local @p0 [spmem:s15], $0x2080  }
0x64: {  	s0 =	simm.s32 @p0 $0x3  }
0x65: {  	s28 =	sadd.s32 $0x1, s28;
	_ =	swait.ge @p0 [sflag:s0], $0x2080  }
0x66: {  	p1 =	sne.s32 s28, s10;
	[sflag:s0] =	ssyncset.done @p0 $0x0  }
.Ltmp1:
0x67: {  	[sflag:s0] =	ssyncadd.s32 @p0 $0xFFFFDF80;
	s0 =	simm.s32 @!p0 $0x3;
	(pc) =	sbr.rel @p1 .LBB2_1-.Ltmp1, $4  }
0x68: {  	[hbm:s8], [sflag:s16] =	dma.local @!p0 [spmem:s17], $0x2780  }
0x69: {  	_ =	swait.ge @!p0 [sflag:s0], $0x2780  }
0x6a: {  	[sflag:s0] =	ssyncset.done @!p0 $0x0  }
0x6b: {  	[sflag:s0] =	ssyncadd.s32 @!p0 $0xFFFFD880  }
0x6c: {  	_ =	sfence.sel $0x180000  }
0x6d: {  	[bflag:$0x0] =	sbarrier.arrive $0xFFFF  }
0x6e: {  	_ =	strace $0x9000004A  }
0x6f: {  	s0 =	stileid.u32;
	[bflag:$0x2] =	sbarrier.arrive $0xFFFF  }
0x70: {  	p0 =	sne.s32 s0, $0x0;
	s0 =	rddreg [dreg:$0x3]  }
0x71: {  	s0 =	sadd.s32 @!p0 $0x100000, s0  }
0x72: {  	[sflag:s0] =	ssyncadd.tile.s32 @!p0 $0x1;
	_ =	shalt  }
.Lfunc_end2:
_tile_overlayer_lowered:
.L_overlay_start_2:
0x73: {  	(tag) =	ssettag $0x2  }
0x74: {  	s0 =	rddreg [dreg:$0x0];
	s2 =	stileid.u32  }
0x75: {  	s1 =	rddreg [dreg:$0x1];
	p0 =	sne.s32 s2, $0x0  }
0x76: {  	s3 =	rddreg [dreg:$0x2];
	[bflag:$0x3] =	sbarrier.arrive $0xFFFF;
	s2 =	simm.s32 @!p0 $0x1C03  }
0x77: {  	[timem:s3], [sflag:s2] =	dma.local @!p0 [hbm:s0], s1  }
0x78: {  	s0 =	simm.s32 @!p0 $0x3  }
0x79: {  	_ =	swait.ge @!p0 [sflag:s0], s1  }
0x7a: {  	s1 =	ssub.s32 @!p0 $0x0, s1;
	[sflag:s0] =	ssyncset.done @!p0 $0x0  }
0x7b: {  	[sflag:s0] =	ssyncadd.s32 @!p0 s1  }
0x7c: {  	[bflag:$0x3] =	sbarrier.arrive $0xFFFF  }
0x7d: {  	_ =	shalt  }

// kernel: kernel.19.cloned.1.call-start
scs
__scs_entry_jumppad:
0x0: {  	(pc) =	sbr.rel $0x88, $3  }
0x1: {  	(tag) =	ssettag $0x0;
	lr =	simm.s32 $0x1  }
0x2: {  	[smem:$0x3F95] =	sst lr;
	_ =	strace $0xD0000000  }
0x3: {  	_ = 	snop  }
0x4: {  	_ = 	snop  }
0x5: {  	_ = 	snop  }
0x6: {  	_ = 	snop  }
0x7: {  	_ = 	snop  }
__scs_overlays_trampoline_lowered:
0x8: {  	[smem:$0x3FA4] =	sst s0  }
0x9: {  	[smem:$0x3FA5] =	sst s1  }
0xa: {  	[smem:$0x3FA6] =	sst s2  }
0xb: {  	[smem:$0x3FA7] =	sst s3  }
0xc: {  	[smem:$0x3FA8] =	sst s4  }
0xd: {  	[smem:$0x3FA9] =	sst s5  }
0xe: {  	[smem:$0x3FAA] =	sst s6  }
0xf: {  	[smem:$0x3FAB] =	sst s7  }
0x10: {  	[smem:$0x3FAC] =	sst s8  }
0x11: {  	[smem:$0x3FAD] =	sst s9;
	s0 =	simm.s32 @!p0 $0x0  }
0x12: {  	s1 =	sld [smem:$0x3F93];
	s0 =	simm.s32 @p0 $0x1  }
0x13: {  	[smem:$0x3FAE] =	sst s0;
	s0 =	simm.s32 @!p1 $0x0  }
0x14: {  	s2 =	sld [smem:$0x3F92];
	s0 =	simm.s32 @p1 $0x1  }
0x15: {  	[smem:$0x3FAF] =	sst s0;
	s0 =	simm.s32 @!p2 $0x0  }
0x16: {  	s3 =	sld [smem:$0x3FDB];
	s0 =	simm.s32 @p2 $0x1  }
0x17: {  	s4 =	simm.s32 $0x1BF5;
	[smem:$0x3FB1] =	sst s0  }
0x18: {  	s0 =	sld [smem:$0x3F94];
	_ =	swait.ge [sflag:s4], $0x0  }
0x19: {  	s7 =	sld [smem:$0x3F95]  }
0x1a: {  	s8 =	sadd.s32 $0xFFFFE003, lr  }
0x1b: {  	s9 =	sadd.s32 $0xFFFFFEF7, lr;
	s5 =	simm.s32 $0xFFFFFFFF;
	p2 =	slt.u32 s8, $0xFFFFF086  }
0x1c: {  	p1 =	slt.u32 s9, $0xF7A;
	s5 =	simm.s32 @!p2 $0x0  }
0x1d: {  	s5 =	simm.s32 @p1 $0x1;
	p0 =	seq.s32 s7, s2  }
0x1e: {  	s7 =	smul.u32 @!p0 $0xF7A, s2;
	p2 =	seq.s32 @!p0 s5, $0x0  }
0x1f: {  	s9 =	smul.u32 $0xF7A, s1;
	s8 =	simm.s32 @!p0 $0x1BF5;
	p2 =	por !p2, p0  }
0x20: {  	[sflag:s8] =	ssyncset.s32 @!p0 $0xFFFFF086;
	s6 =	sadd.s32 @!p0 s3, s7;
	s7 =	simm.s32 @!p0 $0x108  }
0x21: {  	s3 =	sadd.s32 s3, s9;
	s6 =	sadd.s32 @!p0 $0x88, s6;
	s7 =	simm.s32 @p2 $0x1082  }
0x22: {  	[simem:s7], [sflag:s8] =	dma.local @!p0 [hbm:s6], $0xF7A  }
0x23: {  	s9 =	sor.u32 $0xD0000000, s2;
	s6 =	simm.s32 $0x108;
	_ =	swait.ge @!p0 [sflag:s8], $0x0  }
0x24: {  	s3 =	sadd.s32 $0x88, s3;
	s6 =	simm.s32 @!p1 $0x1082;
	[sflag:s4] =	ssyncset.s32 $0xFFFFF086  }
0x25: {  	[simem:s6], [sflag:s4] =	dma.local [hbm:s3], $0xF7A  }
0x26: {  	[smem:$0x3F95] =	sst s1;
	(tag) =	ssettag s2;
	_ =	strace s9  }
0x27: {  	s1 =	sld [smem:$0x3FA5]  }
0x28: {  	s2 =	sld [smem:$0x3FA6]  }
0x29: {  	s4 =	sld [smem:$0x3FA8]  }
0x2a: {  	p0 =	seq.s32 s5, $0x0;
	s5 =	sld [smem:$0x3FA9]  }
0x2b: {  	s6 =	sld [smem:$0x3FAA]  }
0x2c: {  	s7 =	sld [smem:$0x3FAB]  }
0x2d: {  	s3 =	simm.s32 $0x108;
	s8 =	sld [smem:$0x3FAC]  }
0x2e: {  	s3 =	simm.s32 @!p0 $0x1082;
	s9 =	sld [smem:$0x3FAD]  }
0x2f: {  	lr =	sadd.s32 s0, s3;
	s0 =	sld [smem:$0x3FA4]  }
0x30: {  	s3 =	sld [smem:$0x3FA7]  }
0x31: {  	[smem:$0x3FB0] =	sst s10  }
0x32: {  	s10 =	sld [smem:$0x3FAE];
	_ =	sdelay $0x3  }
0x33: {  	p0 =	seq.s32 s10, $0x1;
	s10 =	sld [smem:$0x3FB0];
	_ =	sdelay $0x3  }
0x34: {  	[smem:$0x3FB0] =	sst s10  }
0x35: {  	s10 =	sld [smem:$0x3FAF];
	_ =	sdelay $0x3  }
0x36: {  	p1 =	seq.s32 s10, $0x1;
	s10 =	sld [smem:$0x3FB0];
	_ =	sdelay $0x3  }
0x37: {  	[smem:$0x3FB0] =	sst s10  }
0x38: {  	s10 =	sld [smem:$0x3FB1]  }
0x39: {  	_ = 	snop;
	(pc) =	sbr.ind lr, $3  }
0x3a: {  	_ = 	snop  }
0x3b: {  	_ = 	snop  }
0x3c: {  	p2 =	seq.s32 s10, $0x1;
	s10 =	sld [smem:$0x3FB0]  }
0x3d: {  	_ =	shalt  }
0x3e: {  	_ =	shalt  }
0x3f: {  	_ =	shalt  }
0x40: {  	_ =	shalt  }
0x41: {  	_ =	shalt  }
0x42: {  	_ =	shalt  }
0x43: {  	_ =	shalt  }
0x44: {  	_ =	shalt  }
0x45: {  	_ =	shalt  }
0x46: {  	_ =	shalt  }
0x47: {  	_ =	shalt  }
0x48: {  	_ =	shalt  }
0x49: {  	_ =	shalt  }
0x4a: {  	_ =	shalt  }
0x4b: {  	_ =	shalt  }
0x4c: {  	_ =	shalt  }
0x4d: {  	_ =	shalt  }
0x4e: {  	_ =	shalt  }
0x4f: {  	_ =	shalt  }
0x50: {  	_ =	shalt  }
0x51: {  	_ =	shalt  }
0x52: {  	_ =	shalt  }
0x53: {  	_ =	shalt  }
0x54: {  	_ =	shalt  }
0x55: {  	_ =	shalt  }
0x56: {  	_ =	shalt  }
0x57: {  	_ =	shalt  }
0x58: {  	_ =	shalt  }
0x59: {  	_ =	shalt  }
0x5a: {  	_ =	shalt  }
0x5b: {  	_ =	shalt  }
0x5c: {  	_ =	shalt  }
0x5d: {  	_ =	shalt  }
0x5e: {  	_ =	shalt  }
0x5f: {  	_ =	shalt  }
0x60: {  	_ =	shalt  }
0x61: {  	_ =	shalt  }
0x62: {  	_ =	shalt  }
0x63: {  	_ =	shalt  }
0x64: {  	_ =	shalt  }
0x65: {  	_ =	shalt  }
0x66: {  	_ =	shalt  }
0x67: {  	_ =	shalt  }
0x68: {  	_ =	shalt  }
0x69: {  	_ =	shalt  }
0x6a: {  	_ =	shalt  }
0x6b: {  	_ =	shalt  }
0x6c: {  	_ =	shalt  }
0x6d: {  	_ =	shalt  }
0x6e: {  	_ =	shalt  }
0x6f: {  	_ =	shalt  }
0x70: {  	_ =	shalt  }
0x71: {  	_ =	shalt  }
0x72: {  	_ =	shalt  }
0x73: {  	_ =	shalt  }
0x74: {  	_ =	shalt  }
0x75: {  	_ =	shalt  }
0x76: {  	_ =	shalt  }
0x77: {  	_ =	shalt  }
0x78: {  	_ =	shalt  }
0x79: {  	_ =	shalt  }
0x7a: {  	_ =	shalt  }
0x7b: {  	_ =	shalt  }
0x7c: {  	_ =	shalt  }
0x7d: {  	_ =	shalt  }
0x7e: {  	_ =	shalt  }
0x7f: {  	_ =	shalt  }
0x80: {  	_ =	shalt  }
0x81: {  	_ =	shalt  }
0x82: {  	_ =	shalt  }
0x83: {  	_ =	shalt  }
0x84: {  	_ =	shalt  }
0x85: {  	_ =	shalt  }
0x86: {  	_ =	shalt  }
0x87: {  	_ =	shalt  }
.Lfunc_end0:
.L_simem_size_0:
called_computation.2_lowered:
.L_overlay_start_0:
0x88: {  	s2 =	sld [smem:$0x3FD9]  }
0x89: {  	s3 =	sld [smem:$0x3FFE];
	_ =	sdelay $0x1  }
0x8a: {  	s1 =	srdreg.scid  }
0x8b: {  	s0 =	sand.u32 $0x1, s1  }
0x8c: {  	s17 =	sshll.u32 s0, $0xA;
	s2 =	sadd.s32 s3, s2  }
0x8d: {  	s2 =	sadd.s32 s2, s17  }
0x8e: {  	[smem:$0x3FBC] =	sst s2  }
0x8f: {  	_ = 	snop  }
0x90: {  	s2 =	sld [smem:$0x3FD0];
	(tm) =	ssettm $0x1  }
0x91: {  	s18 =	sld [smem:$0x3FFB];
	_ =	sdelay $0x3  }
0x92: {  	_ =	strace s18  }
0x93: {  	s3 =	sld [smem:$0x3FFC];
	_ =	sdelay $0x3  }
0x94: {  	_ =	strace s3  }
0x95: {  	s3 =	sld [smem:$0x3FFD];
	_ =	sdelay $0x3  }
0x96: {  	_ =	strace s3  }
0x97: {  	_ =	strace $0x8FFFFFFF  }
0x98: {  	s19 =	sld [smem:$0x3FDB];
	_ =	sdelay $0x1  }
0x99: {  	s4 =	simm.s32 $_scs_section_size  }
0x9a: {  	s5 =	simm.s32 $_size__tile_overlayer_lowered;
	s6 =	simm.s32 $_tile_overlayer_lowered  }
0x9b: {  	s22 =	simm.s32 $0x1BFF;
	s21 =	sshll.u32 s6, $0x1;
	s3 =	sadd.s32 s4, s19  }
0x9c: {  	s7 =	simm.s32 $0x0;
	s20 =	sshll.u32 s5, $0x1;
	s5 =	sadd.s32 s21, s3  }
0x9d: {  	[timem:s7], [sflag:s22] =	dma.local [hbm:s5], s20  }
0x9e: {  	_ =	swait.ge [sflag:s22], s20  }
0x9f: {  	s4 =	ssub.s32 $0x0, s20;
	[sflag:s22] =	ssyncset.done $0x0  }
0xa0: {  	[sflag:s22] =	ssyncadd.s32 s4;
	_ =	sdelay $0x1  }
0xa1: {  	s23 =	simm.s32 $0x1B8B  }
0xa2: {  	_ =	swait.ge [sflag:s23], $0x1  }
0xa3: {  	[sflag:s23] =	ssyncset.done $0x0  }
0xa4: {  	s25 =	simm.s32 $0x1B8E;
	s24 =	sld [smem:$0x3FFE];
	[sflag:s23] =	ssyncadd.s32 $0xFFFFFFFF  }
0xa5: {  	s26 =	simm.s32 $execute0_lowered;
	[smem:$0x3FD2] =	sst s25  }
0xa6: {  	s5 =	sshll.u32 s26, $0x1;
	_ =	strace $0x8000004C;
	[dreg:$0x1] =	wrdreg $0xFFFFFFFF  }
0xa7: {  	s28 =	simm.s32 $_size_execute0_lowered;
	s3 =	sadd.s32 s3, s5;
	[dreg:$0x0] =	wrdreg $0x0  }
0xa8: {  	s5 =	sshll.u32 s28, $0x1;
	[dreg:$0x2] =	wrdreg s3  }
0xa9: {  	[dreg:$0x3] =	wrdreg s5  }
0xaa: {  	[dreg:$0x4] =	wrdreg $0xC0  }
0xab: {  	_ =	task [dreg:s7], $0x5FFFF  }
0xac: {  	[dreg:$0x1] =	wrdreg $0xFFFFFFFF  }
0xad: {  	[dreg:$0x0] =	wrdreg $0x60  }
0xae: {  	[dreg:$0x2] =	wrdreg s24  }
0xaf: {  	[dreg:$0x3] =	wrdreg s2  }
0xb0: {  	[dreg:$0x4] =	wrdreg $0xB7800  }
0xb1: {  	[dreg:$0x5] =	wrdreg $0x9  }
0xb2: {  	_ =	task.clear_ibuf [dreg:s7], $0x6FFFF;
	_ =	strace $0x9000004C  }
0xb3: {  	s29 =	simm.s32 $0x9;
	_ =	strace $0x8000004E  }
0xb4: {  	_ =	swait.ge [sflag:s29], $0x1  }
0xb5: {  	[sflag:s29] =	ssyncadd.s32 $0xFFFFFFFF  }
0xb6: {  	_ =	strace $0x9000004E  }
0xb7: {  	_ =	sfence  }
0xb8: {  	s30 =	sld [smem:$0x0];
	_ =	sdelay $0x2  }
0xb9: {  	s31 =	sshll.u32 s1, $0xD;
	s1 =	sshrl.u32 s1, $0x2  }
0xba: {  	s3 =	sand.u32 $0x4000, s31;
	s1 =	sadd.s32 s1, s30  }
0xbb: {  	s0 =	sor.u32 s3, s0;
	s1 =	sshll.u32 s1, $0x11  }
0xbc: {  	s0 =	sor.u32 s1, s0  }
0xbd: {  	s0 =	sadd.s32 $0x8F2B, s0  }
0xbe: {  	[sflag:s0] =	ssyncadd.remote.s32 $0x1  }
0xbf: {  	_ =	sfence.sel $0xFFFF  }
0xc0: {  	[dreg:$0x0] =	wrdreg $0xFFFFFFFF;
	(pc) =	sbr.abs _section_cstart, $3  }
0xc1: {  	[dreg:$0x1] =	wrdreg $0xFFFFFFFF  }
0xc2: {  	_ =	task.clear_ibuf [dreg:s7], $0x2FFFF;
	_ =	strace $0x9FFFFFFF  }
0xc3: {  	(tm) =	ssettm $0x7FFFFFFF  }
tec
execute0_lowered:
.L_overlay_start_1:
0x0: {  	(tag) =	ssettag $0x1  }
0x1: {  	s6 =	rddreg [dreg:$0x0]  }
0x2: {  	s7 =	rddreg [dreg:$0x1]  }
0x3: {  	s1 =	rddreg [dreg:$0x2];
	s2 =	srdreg.scid;
	s3 =	simm.s32 $0x0  }
0x4: {  	s0 =	stileid.u32;
	s18 =	simm.s32 $0x50;
	s19 =	simm.s32 $0x6780  }
0x5: {  	s20 =	simm.s32 $0x8F80;
	s21 =	simm.s32 $0x1;
	s22 =	simm.s32 $0x2  }
0x6: {  	s23 =	simm.s32 $0x6480;
	s28 =	simm.s32 $0x0;
	s8 =	sand.u32 $0x1, s2  }
0x7: {  	[smem:$0x7FF] =	sst s3;
	s11 =	sshll.u32 s0, $0x7;
	s12 =	smul.u32 $0x4F000, s0  }
0x8: {  	s14 =	smul.u32 $0x13C00, s0;
	s15 =	sadd.s32 $0x3CE00, s6;
	s16 =	sadd.s32 $0x128400, s1  }
0x9: {  	p0 =	seq.s32 s0, $0xF;
	s4 =	sshll.u32 s8, $0x4;
	_ =	strace $0x8000004D  }
0xa: {  	s11 =	sand.u32 $0x380, s11;
	s13 =	ssub.s32 $0x2, s8;
	s8 =	smul.u32 $0x138800, s8  }
0xb: {  	s5 =	sor.u32 s0, s4;
	s4 =	sadd.s32 $0x15C00, s6;
	s24 =	sshrl.u32 s13, $0x1  }
0xc: {  	s25 =	sshrl.u32 s12, $0x2;
	s12 =	simm.s32 $0x400;
	s9 =	sshll.u32 s5, $0xB  }
0xd: {  	s5 =	sshrl.u32 s5, $0x3;
	s26 =	sadd.s32 s14, s8;
	s17 =	sadd.s32 s25, s1  }
0xe: {  	s30 =	sshrl.u32 s8, $0x3;
	s14 =	simm.s32 $0x2780;
	s25 =	simm.s32 $0x6500  }
0xf: {  	s9 =	sadd.s32 s9, s6;
	s10 =	smul.u32 $0x13C00, s5;
	s5 =	sadd.s32 $0x13400, s6  }
0x10: {  	s29 =	sshrl.u32 s26, $0x3;
	s31 =	sadd.s32 s15, s30;
	s17 =	sshrl.u32 @!p0 s17, $0x3  }
0x11: {  	s26 =	simm.s32 $0x6580;
	s8 =	sadd.s32 s15, s29;
	s15 =	sshrl.u32 @p0 s16, $0x3  }
0x12: {  	s16 =	sshll.u32 @!p0 s0, $0x6;
	s10 =	sor.u32 s11, s10;
	s11 =	ssub.s32 s13, s24  }
0x13: {  	s13 =	simm.s32 $0x3;
	s16 =	sor.u32 @!p0 $0x1C03, s16;
	s10 =	sshrl.u32 s10, $0x3  }
0x14: {  	s24 =	simm.s32 $0x26C0;
	s6 =	sadd.s32 s7, s10;
	s7 =	sadd.s32 $0x3400, s9  }
0x15: {  	s9 =	sadd.s32 $0x25080, s31;
	s10 =	smax.u32 s11, $0x1;
	s11 =	simm.s32 $0x80  }
.LBB2_1:
0x16: {  	[tilespmem:s3], [sflag:$0x3] =	stream.strided.gather [hbm4b:s6+s11], $0x2780, s12, s11, $0x38;
	[tilespmem:$0x1F000] =	vst v63  }
0x17: {  	_ =	swait.ge [sflag:s13], $0x2780  }
0x18: {  	[sflag:s13] =	ssyncset.done $0x0  }
0x19: {  	[sflag:s13] =	ssyncadd.s32 $0xFFFFD880  }
0x1a: {  	[tilespmem:s14], [sflag:$0x3] =	stream.linear.gather [hbm4b:s7+s3], $0x3E80, $0x38;
	[tilespmem:$0x1F000] =	vst v63  }
0x1b: {  	_ =	swait.ge [sflag:s13], $0x3E80  }
0x1c: {  	[sflag:s13] =	ssyncset.done $0x0  }
0x1d: {  	s29 =	simm.s32 @p0 $0x1FC3;
	[sflag:s13] =	ssyncadd.s32 $0xFFFFC180  }
0x1e: {  	[spmem:s15], [sflag:s29] =	dma.local @p0 [hbm:s5], $0x2080  }
0x1f: {  	s29 =	simm.s32 @p0 $0x3  }
0x20: {  	_ =	swait.ge @p0 [sflag:s29], $0x2080  }
0x21: {  	[sflag:s29] =	ssyncset.done @p0 $0x0  }
0x22: {  	[sflag:s29] =	ssyncadd.s32 @p0 $0xFFFFDF80;
	s29 =	simm.s32 @!p0 $0x3  }
0x23: {  	[spmem:s17], [sflag:s16] =	dma.local @!p0 [hbm:s5], $0x2780  }
0x24: {  	_ =	swait.ge @!p0 [sflag:s29], $0x2780  }
0x25: {  	[sflag:s29] =	ssyncset.done @!p0 $0x0  }
0x26: {  	[sflag:s29] =	ssyncadd.s32 @!p0 $0xFFFFD880  }
0x27: {  	[bflag:$0x0] =	sbarrier.arrive $0xFFFF  }
0x28: {  	[tilespmem:s19], [sflag:$0x1] =	stream.indirect.gather [hbm4b:s4+s18], $0x80, s3, s18, $0xb8;
	[tilespmem:$0x1F000] =	vst v63  }
0x29: {  	_ = 	snop  }
0x2a: {  	[tilespmem:s20], [sflag:$0x2] =	stream.indirect.gather [hbm4b:s4+s18], $0x80, s18, s18, $0xb8;
	[tilespmem:$0x1F000] =	vst v63  }
0x2b: {  	_ =	swait.ge [sflag:s21], $0x2800  }
0x2c: {  	[sflag:s21] =	ssyncset.done $0x0  }
0x2d: {  	s29 =	simm.s32 $0x2780;
	[sflag:s21] =	ssyncadd.s32 $0xFFFFD800  }
0x2e: {  	[spmem:s1] =	stream.indirect.scatter.add.f32 [tilespmem:s19], [sflag:$0x3], $0x80, s29, s18, $0xb8;
	[tilespmem:$0x1F000] =	vst v63  }
0x2f: {  	_ =	swait.ge [sflag:s13], $0x2800  }
0x30: {  	[sflag:s13] =	ssyncset.done $0x0  }
0x31: {  	s29 =	simm.s32 $0xA0;
	[sflag:s13] =	ssyncadd.s32 $0xFFFFD800  }
0x32: {  	[tilespmem:s19], [sflag:$0x1] =	stream.indirect.gather [hbm4b:s4+s18], $0x80, s29, s18, $0xb8;
	[tilespmem:$0x1F000] =	vst v63  }
0x33: {  	_ =	swait.ge [sflag:s22], $0x2800  }
0x34: {  	[sflag:s22] =	ssyncset.done $0x0  }
0x35: {  	s29 =	simm.s32 $0x2800;
	[sflag:s22] =	ssyncadd.s32 $0xFFFFD800  }
0x36: {  	[spmem:s1] =	stream.indirect.scatter.add.f32 [tilespmem:s20], [sflag:$0x3], $0x80, s29, s18, $0xb8;
	[tilespmem:$0x1F000] =	vst v63  }
0x37: {  	_ =	swait.ge [sflag:s13], $0x2800  }
0x38: {  	s30 =	simm.s32 $0x400;
	[sflag:s13] =	ssyncset.done $0x0  }
0x39: {  	s31 =	simm.s32 $0x190;
	s29 =	simm.s32 $0xF0;
	[sflag:s13] =	ssyncadd.s32 $0xFFFFD800  }
.LBB2_2:
0x3a: {  	[tilespmem:s20], [sflag:$0x2] =	stream.indirect.gather [hbm4b:s4+s18], $0x80, s29, s18, $0xb8;
	[tilespmem:$0x1F000] =	vst v63  }
0x3b: {  	s0 =	smov.u32 s30;
	s29 =	smov.u32 s31  }
0x3c: {  	p1 =	sne.s32 s30, $0xF000;
	s30 =	sadd.s32 $0x400, s30;
	_ =	swait.ge [sflag:s21], $0x2800  }
0x3d: {  	s0 =	sshra.s32 s0, $0x2;
	[sflag:s21] =	ssyncset.done $0x0  }
0x3e: {  	s2 =	sadd.s32 $0x2780, s0;
	[sflag:s21] =	ssyncadd.s32 $0xFFFFD800  }
0x3f: {  	[spmem:s1] =	stream.indirect.scatter.add.f32 [tilespmem:s19], [sflag:$0x3], $0x80, s2, s18, $0xb8;
	[tilespmem:$0x1F000] =	vst v63  }
0x40: {  	_ =	swait.ge [sflag:s13], $0x2800  }
0x41: {  	[sflag:s13] =	ssyncset.done $0x0  }
0x42: {  	s2 =	sadd.s32 $0xFFFFFFB0, s31;
	[sflag:s13] =	ssyncadd.s32 $0xFFFFD800  }
0x43: {  	[tilespmem:s19], [sflag:$0x1] =	stream.indirect.gather [hbm4b:s4+s18], $0x80, s2, s18, $0xb8;
	[tilespmem:$0x1F000] =	vst v63  }
0x44: {  	_ =	swait.ge [sflag:s22], $0x2800  }
0x45: {  	[sflag:s22] =	ssyncset.done $0x0  }
.Ltmp0:
0x46: {  	s0 =	sadd.s32 $0x2800, s0;
	[sflag:s22] =	ssyncadd.s32 $0xFFFFD800;
	(pc) =	sbr.rel @p1 .LBB2_2-.Ltmp0, $4  }
0x47: {  	[spmem:s1] =	stream.indirect.scatter.add.f32 [tilespmem:s20], [sflag:$0x3], $0x80, s0, s18, $0xb8;
	[tilespmem:$0x1F000] =	vst v63  }
0x48: {  	_ =	swait.ge [sflag:s13], $0x2800  }
0x49: {  	[sflag:s13] =	ssyncset.done $0x0  }
0x4a: {  	s31 =	sadd.s32 $0xA0, s31;
	[sflag:s13] =	ssyncadd.s32 $0xFFFFD800  }
0x4b: {  	[tilespmem:s20], [sflag:$0x2] =	stream.indirect.gather [hbm4b:s4+s18], $0x80, s29, s18, $0xb8;
	[tilespmem:$0x1F000] =	vst v63  }
0x4c: {  	_ =	swait.ge [sflag:s21], $0x2800  }
0x4d: {  	[sflag:s21] =	ssyncset.done $0x0  }
0x4e: {  	[sflag:s21] =	ssyncadd.s32 $0xFFFFD800  }
0x4f: {  	[spmem:s1] =	stream.indirect.scatter.add.f32 [tilespmem:s19], [sflag:$0x3], $0x80, s23, s18, $0xb8;
	[tilespmem:$0x1F000] =	vst v63  }
0x50: {  	_ =	swait.ge [sflag:s13], $0x2800  }
0x51: {  	[sflag:s13] =	ssyncset.done $0x0  }
0x52: {  	[sflag:s13] =	ssyncadd.s32 $0xFFFFD800  }
0x53: {  	[tilespmem:s19], [sflag:$0x1] =	stream.indirect.gather [hbm4b:s4+s18], $0x80, s24, s18, $0xb8;
	[tilespmem:$0x1F000] =	vst v63  }
0x54: {  	_ =	swait.ge [sflag:s22], $0x2800  }
0x55: {  	[sflag:s22] =	ssyncset.done $0x0  }
0x56: {  	[sflag:s22] =	ssyncadd.s32 $0xFFFFD800  }
0x57: {  	[spmem:s1] =	stream.indirect.scatter.add.f32 [tilespmem:s20], [sflag:$0x3], $0x80, s25, s18, $0xb8;
	[tilespmem:$0x1F000] =	vst v63  }
0x58: {  	_ =	swait.ge [sflag:s13], $0x2800  }
0x59: {  	[sflag:s13] =	ssyncset.done $0x0  }
0x5a: {  	[sflag:s13] =	ssyncadd.s32 $0xFFFFD800  }
0x5b: {  	_ =	swait.ge [sflag:s21], $0x2800  }
0x5c: {  	[sflag:s21] =	ssyncset.done $0x0  }
0x5d: {  	[sflag:s21] =	ssyncadd.s32 $0xFFFFD800  }
0x5e: {  	[spmem:s1] =	stream.indirect.scatter.add.f32 [tilespmem:s19], [sflag:$0x3], $0x80, s26, s18, $0xb8;
	[tilespmem:$0x1F000] =	vst v63  }
0x5f: {  	_ =	swait.ge [sflag:s13], $0x2800  }
0x60: {  	[sflag:s13] =	ssyncset.done $0x0  }
0x61: {  	[sflag:s13] =	ssyncadd.s32 $0xFFFFD800  }
0x62: {  	s0 =	simm.s32 @p0 $0x1FC3;
	[bflag:$0x0] =	sbarrier.arrive $0xFFFF  }
0x63: {  	[hbm:s9], [sflag:s0] =	dma.local @p0 [spmem:s15], $0x2080  }
0x64: {  	s0 =	simm.s32 @p0 $0x3  }
0x65: {  	s28 =	sadd.s32 $0x1, s28;
	_ =	swait.ge @p0 [sflag:s0], $0x2080  }
0x66: {  	p1 =	sne.s32 s28, s10;
	[sflag:s0] =	ssyncset.done @p0 $0x0  }
.Ltmp1:
0x67: {  	[sflag:s0] =	ssyncadd.s32 @p0 $0xFFFFDF80;
	s0 =	simm.s32 @!p0 $0x3;
	(pc) =	sbr.rel @p1 .LBB2_1-.Ltmp1, $4  }
0x68: {  	[hbm:s8], [sflag:s16] =	dma.local @!p0 [spmem:s17], $0x2780  }
0x69: {  	_ =	swait.ge @!p0 [sflag:s0], $0x2780  }
0x6a: {  	[sflag:s0] =	ssyncset.done @!p0 $0x0  }
0x6b: {  	[sflag:s0] =	ssyncadd.s32 @!p0 $0xFFFFD880  }
0x6c: {  	_ =	sfence.sel $0x180000  }
0x6d: {  	[bflag:$0x0] =	sbarrier.arrive $0xFFFF  }
0x6e: {  	_ =	strace $0x9000004D  }
0x6f: {  	s0 =	stileid.u32;
	[bflag:$0x2] =	sbarrier.arrive $0xFFFF  }
0x70: {  	p0 =	sne.s32 s0, $0x0;
	s0 =	rddreg [dreg:$0x3]  }
0x71: {  	s0 =	sadd.s32 @!p0 $0x100000, s0  }
0x72: {  	[sflag:s0] =	ssyncadd.tile.s32 @!p0 $0x1;
	_ =	shalt  }
.Lfunc_end2:
_tile_overlayer_lowered:
.L_overlay_start_2:
0x73: {  	(tag) =	ssettag $0x2  }
0x74: {  	s0 =	rddreg [dreg:$0x0];
	s2 =	stileid.u32  }
0x75: {  	s1 =	rddreg [dreg:$0x1];
	p0 =	sne.s32 s2, $0x0  }
0x76: {  	s3 =	rddreg [dreg:$0x2];
	[bflag:$0x3] =	sbarrier.arrive $0xFFFF;
	s2 =	simm.s32 @!p0 $0x1C03  }
0x77: {  	[timem:s3], [sflag:s2] =	dma.local @!p0 [hbm:s0], s1  }
0x78: {  	s0 =	simm.s32 @!p0 $0x3  }
0x79: {  	_ =	swait.ge @!p0 [sflag:s0], s1  }
0x7a: {  	s1 =	ssub.s32 @!p0 $0x0, s1;
	[sflag:s0] =	ssyncset.done @!p0 $0x0  }
0x7b: {  	[sflag:s0] =	ssyncadd.s32 @!p0 s1  }
0x7c: {  	[bflag:$0x3] =	sbarrier.arrive $0xFFFF  }
0x7d: {  	_ =	shalt  }

// kernel: kernel.22.cloned.1.call-start
scs
__scs_entry_jumppad:
0x0: {  	(pc) =	sbr.rel $0x88, $3  }
0x1: {  	(tag) =	ssettag $0x0;
	lr =	simm.s32 $0x1  }
0x2: {  	[smem:$0x3F95] =	sst lr;
	_ =	strace $0xD0000000  }
0x3: {  	_ = 	snop  }
0x4: {  	_ = 	snop  }
0x5: {  	_ = 	snop  }
0x6: {  	_ = 	snop  }
0x7: {  	_ = 	snop  }
__scs_overlays_trampoline_lowered:
0x8: {  	[smem:$0x3FA4] =	sst s0  }
0x9: {  	[smem:$0x3FA5] =	sst s1  }
0xa: {  	[smem:$0x3FA6] =	sst s2  }
0xb: {  	[smem:$0x3FA7] =	sst s3  }
0xc: {  	[smem:$0x3FA8] =	sst s4  }
0xd: {  	[smem:$0x3FA9] =	sst s5  }
0xe: {  	[smem:$0x3FAA] =	sst s6  }
0xf: {  	[smem:$0x3FAB] =	sst s7  }
0x10: {  	[smem:$0x3FAC] =	sst s8  }
0x11: {  	[smem:$0x3FAD] =	sst s9;
	s0 =	simm.s32 @!p0 $0x0  }
0x12: {  	s1 =	sld [smem:$0x3F93];
	s0 =	simm.s32 @p0 $0x1  }
0x13: {  	[smem:$0x3FAE] =	sst s0;
	s0 =	simm.s32 @!p1 $0x0  }
0x14: {  	s2 =	sld [smem:$0x3F92];
	s0 =	simm.s32 @p1 $0x1  }
0x15: {  	[smem:$0x3FAF] =	sst s0;
	s0 =	simm.s32 @!p2 $0x0  }
0x16: {  	s3 =	sld [smem:$0x3FDB];
	s0 =	simm.s32 @p2 $0x1  }
0x17: {  	s4 =	simm.s32 $0x1BF5;
	[smem:$0x3FB1] =	sst s0  }
0x18: {  	s0 =	sld [smem:$0x3F94];
	_ =	swait.ge [sflag:s4], $0x0  }
0x19: {  	s7 =	sld [smem:$0x3F95]  }
0x1a: {  	s8 =	sadd.s32 $0xFFFFE003, lr  }
0x1b: {  	s9 =	sadd.s32 $0xFFFFFEF7, lr;
	s5 =	simm.s32 $0xFFFFFFFF;
	p2 =	slt.u32 s8, $0xFFFFF086  }
0x1c: {  	p1 =	slt.u32 s9, $0xF7A;
	s5 =	simm.s32 @!p2 $0x0  }
0x1d: {  	s5 =	simm.s32 @p1 $0x1;
	p0 =	seq.s32 s7, s2  }
0x1e: {  	s7 =	smul.u32 @!p0 $0xF7A, s2;
	p2 =	seq.s32 @!p0 s5, $0x0  }
0x1f: {  	s9 =	smul.u32 $0xF7A, s1;
	s8 =	simm.s32 @!p0 $0x1BF5;
	p2 =	por !p2, p0  }
0x20: {  	[sflag:s8] =	ssyncset.s32 @!p0 $0xFFFFF086;
	s6 =	sadd.s32 @!p0 s3, s7;
	s7 =	simm.s32 @!p0 $0x108  }
0x21: {  	s3 =	sadd.s32 s3, s9;
	s6 =	sadd.s32 @!p0 $0x88, s6;
	s7 =	simm.s32 @p2 $0x1082  }
0x22: {  	[simem:s7], [sflag:s8] =	dma.local @!p0 [hbm:s6], $0xF7A  }
0x23: {  	s9 =	sor.u32 $0xD0000000, s2;
	s6 =	simm.s32 $0x108;
	_ =	swait.ge @!p0 [sflag:s8], $0x0  }
0x24: {  	s3 =	sadd.s32 $0x88, s3;
	s6 =	simm.s32 @!p1 $0x1082;
	[sflag:s4] =	ssyncset.s32 $0xFFFFF086  }
0x25: {  	[simem:s6], [sflag:s4] =	dma.local [hbm:s3], $0xF7A  }
0x26: {  	[smem:$0x3F95] =	sst s1;
	(tag) =	ssettag s2;
	_ =	strace s9  }
0x27: {  	s1 =	sld [smem:$0x3FA5]  }
0x28: {  	s2 =	sld [smem:$0x3FA6]  }
0x29: {  	s4 =	sld [smem:$0x3FA8]  }
0x2a: {  	p0 =	seq.s32 s5, $0x0;
	s5 =	sld [smem:$0x3FA9]  }
0x2b: {  	s6 =	sld [smem:$0x3FAA]  }
0x2c: {  	s7 =	sld [smem:$0x3FAB]  }
0x2d: {  	s3 =	simm.s32 $0x108;
	s8 =	sld [smem:$0x3FAC]  }
0x2e: {  	s3 =	simm.s32 @!p0 $0x1082;
	s9 =	sld [smem:$0x3FAD]  }
0x2f: {  	lr =	sadd.s32 s0, s3;
	s0 =	sld [smem:$0x3FA4]  }
0x30: {  	s3 =	sld [smem:$0x3FA7]  }
0x31: {  	[smem:$0x3FB0] =	sst s10  }
0x32: {  	s10 =	sld [smem:$0x3FAE];
	_ =	sdelay $0x3  }
0x33: {  	p0 =	seq.s32 s10, $0x1;
	s10 =	sld [smem:$0x3FB0];
	_ =	sdelay $0x3  }
0x34: {  	[smem:$0x3FB0] =	sst s10  }
0x35: {  	s10 =	sld [smem:$0x3FAF];
	_ =	sdelay $0x3  }
0x36: {  	p1 =	seq.s32 s10, $0x1;
	s10 =	sld [smem:$0x3FB0];
	_ =	sdelay $0x3  }
0x37: {  	[smem:$0x3FB0] =	sst s10  }
0x38: {  	s10 =	sld [smem:$0x3FB1]  }
0x39: {  	_ = 	snop;
	(pc) =	sbr.ind lr, $3  }
0x3a: {  	_ = 	snop  }
0x3b: {  	_ = 	snop  }
0x3c: {  	p2 =	seq.s32 s10, $0x1;
	s10 =	sld [smem:$0x3FB0]  }
0x3d: {  	_ =	shalt  }
0x3e: {  	_ =	shalt  }
0x3f: {  	_ =	shalt  }
0x40: {  	_ =	shalt  }
0x41: {  	_ =	shalt  }
0x42: {  	_ =	shalt  }
0x43: {  	_ =	shalt  }
0x44: {  	_ =	shalt  }
0x45: {  	_ =	shalt  }
0x46: {  	_ =	shalt  }
0x47: {  	_ =	shalt  }
0x48: {  	_ =	shalt  }
0x49: {  	_ =	shalt  }
0x4a: {  	_ =	shalt  }
0x4b: {  	_ =	shalt  }
0x4c: {  	_ =	shalt  }
0x4d: {  	_ =	shalt  }
0x4e: {  	_ =	shalt  }
0x4f: {  	_ =	shalt  }
0x50: {  	_ =	shalt  }
0x51: {  	_ =	shalt  }
0x52: {  	_ =	shalt  }
0x53: {  	_ =	shalt  }
0x54: {  	_ =	shalt  }
0x55: {  	_ =	shalt  }
0x56: {  	_ =	shalt  }
0x57: {  	_ =	shalt  }
0x58: {  	_ =	shalt  }
0x59: {  	_ =	shalt  }
0x5a: {  	_ =	shalt  }
0x5b: {  	_ =	shalt  }
0x5c: {  	_ =	shalt  }
0x5d: {  	_ =	shalt  }
0x5e: {  	_ =	shalt  }
0x5f: {  	_ =	shalt  }
0x60: {  	_ =	shalt  }
0x61: {  	_ =	shalt  }
0x62: {  	_ =	shalt  }
0x63: {  	_ =	shalt  }
0x64: {  	_ =	shalt  }
0x65: {  	_ =	shalt  }
0x66: {  	_ =	shalt  }
0x67: {  	_ =	shalt  }
0x68: {  	_ =	shalt  }
0x69: {  	_ =	shalt  }
0x6a: {  	_ =	shalt  }
0x6b: {  	_ =	shalt  }
0x6c: {  	_ =	shalt  }
0x6d: {  	_ =	shalt  }
0x6e: {  	_ =	shalt  }
0x6f: {  	_ =	shalt  }
0x70: {  	_ =	shalt  }
0x71: {  	_ =	shalt  }
0x72: {  	_ =	shalt  }
0x73: {  	_ =	shalt  }
0x74: {  	_ =	shalt  }
0x75: {  	_ =	shalt  }
0x76: {  	_ =	shalt  }
0x77: {  	_ =	shalt  }
0x78: {  	_ =	shalt  }
0x79: {  	_ =	shalt  }
0x7a: {  	_ =	shalt  }
0x7b: {  	_ =	shalt  }
0x7c: {  	_ =	shalt  }
0x7d: {  	_ =	shalt  }
0x7e: {  	_ =	shalt  }
0x7f: {  	_ =	shalt  }
0x80: {  	_ =	shalt  }
0x81: {  	_ =	shalt  }
0x82: {  	_ =	shalt  }
0x83: {  	_ =	shalt  }
0x84: {  	_ =	shalt  }
0x85: {  	_ =	shalt  }
0x86: {  	_ =	shalt  }
0x87: {  	_ =	shalt  }
.Lfunc_end0:
.L_simem_size_0:
called_computation.3_lowered:
.L_overlay_start_0:
0x88: {  	s2 =	sld [smem:$0x3FD9]  }
0x89: {  	s3 =	sld [smem:$0x3FFE];
	_ =	sdelay $0x1  }
0x8a: {  	s1 =	srdreg.scid  }
0x8b: {  	s0 =	sand.u32 $0x1, s1  }
0x8c: {  	s17 =	sshll.u32 s0, $0xA;
	s2 =	sadd.s32 s3, s2  }
0x8d: {  	s2 =	sadd.s32 s2, s17  }
0x8e: {  	[smem:$0x3FBC] =	sst s2  }
0x8f: {  	_ = 	snop  }
0x90: {  	s2 =	sld [smem:$0x3FD0];
	(tm) =	ssettm $0x1  }
0x91: {  	s18 =	sld [smem:$0x3FFB];
	_ =	sdelay $0x3  }
0x92: {  	_ =	strace s18  }
0x93: {  	s3 =	sld [smem:$0x3FFC];
	_ =	sdelay $0x3  }
0x94: {  	_ =	strace s3  }
0x95: {  	s3 =	sld [smem:$0x3FFD];
	_ =	sdelay $0x3  }
0x96: {  	_ =	strace s3  }
0x97: {  	_ =	strace $0x8FFFFFFF  }
0x98: {  	s19 =	sld [smem:$0x3FDB];
	_ =	sdelay $0x1  }
0x99: {  	s4 =	simm.s32 $_scs_section_size  }
0x9a: {  	s5 =	simm.s32 $_size__tile_overlayer_lowered;
	s6 =	simm.s32 $_tile_overlayer_lowered  }
0x9b: {  	s22 =	simm.s32 $0x1BFF;
	s21 =	sshll.u32 s6, $0x1;
	s3 =	sadd.s32 s4, s19  }
0x9c: {  	s7 =	simm.s32 $0x0;
	s20 =	sshll.u32 s5, $0x1;
	s5 =	sadd.s32 s21, s3  }
0x9d: {  	[timem:s7], [sflag:s22] =	dma.local [hbm:s5], s20  }
0x9e: {  	_ =	swait.ge [sflag:s22], s20  }
0x9f: {  	s4 =	ssub.s32 $0x0, s20;
	[sflag:s22] =	ssyncset.done $0x0  }
0xa0: {  	[sflag:s22] =	ssyncadd.s32 s4;
	_ =	sdelay $0x1  }
0xa1: {  	s23 =	simm.s32 $0x1B8B  }
0xa2: {  	_ =	swait.ge [sflag:s23], $0x1  }
0xa3: {  	[sflag:s23] =	ssyncset.done $0x0  }
0xa4: {  	s25 =	simm.s32 $0x1B8E;
	s24 =	sld [smem:$0x3FFE];
	[sflag:s23] =	ssyncadd.s32 $0xFFFFFFFF  }
0xa5: {  	s26 =	simm.s32 $execute0_lowered;
	[smem:$0x3FD2] =	sst s25  }
0xa6: {  	s5 =	sshll.u32 s26, $0x1;
	_ =	strace $0x8000004F;
	[dreg:$0x1] =	wrdreg $0xFFFFFFFF  }
0xa7: {  	s28 =	simm.s32 $_size_execute0_lowered;
	s3 =	sadd.s32 s3, s5;
	[dreg:$0x0] =	wrdreg $0x0  }
0xa8: {  	s5 =	sshll.u32 s28, $0x1;
	[dreg:$0x2] =	wrdreg s3  }
0xa9: {  	[dreg:$0x3] =	wrdreg s5  }
0xaa: {  	[dreg:$0x4] =	wrdreg $0xC0  }
0xab: {  	_ =	task [dreg:s7], $0x5FFFF  }
0xac: {  	[dreg:$0x1] =	wrdreg $0xFFFFFFFF  }
0xad: {  	[dreg:$0x0] =	wrdreg $0x60  }
0xae: {  	[dreg:$0x2] =	wrdreg s24  }
0xaf: {  	[dreg:$0x3] =	wrdreg s2  }
0xb0: {  	[dreg:$0x4] =	wrdreg $0xB7800  }
0xb1: {  	[dreg:$0x5] =	wrdreg $0x9  }
0xb2: {  	_ =	task.clear_ibuf [dreg:s7], $0x6FFFF;
	_ =	strace $0x9000004F  }
0xb3: {  	s29 =	simm.s32 $0x9;
	_ =	strace $0x80000051  }
0xb4: {  	_ =	swait.ge [sflag:s29], $0x1  }
0xb5: {  	[sflag:s29] =	ssyncadd.s32 $0xFFFFFFFF  }
0xb6: {  	_ =	strace $0x90000051  }
0xb7: {  	_ =	sfence  }
0xb8: {  	s30 =	sld [smem:$0x0];
	_ =	sdelay $0x2  }
0xb9: {  	s31 =	sshll.u32 s1, $0xD;
	s1 =	sshrl.u32 s1, $0x2  }
0xba: {  	s3 =	sand.u32 $0x4000, s31;
	s1 =	sadd.s32 s1, s30  }
0xbb: {  	s0 =	sor.u32 s3, s0;
	s1 =	sshll.u32 s1, $0x11  }
0xbc: {  	s0 =	sor.u32 s1, s0  }
0xbd: {  	s0 =	sadd.s32 $0x8F2B, s0  }
0xbe: {  	[sflag:s0] =	ssyncadd.remote.s32 $0x1  }
0xbf: {  	_ =	sfence.sel $0xFFFF  }
0xc0: {  	[dreg:$0x0] =	wrdreg $0xFFFFFFFF;
	(pc) =	sbr.abs _section_cstart, $3  }
0xc1: {  	[dreg:$0x1] =	wrdreg $0xFFFFFFFF  }
0xc2: {  	_ =	task.clear_ibuf [dreg:s7], $0x2FFFF;
	_ =	strace $0x9FFFFFFF  }
0xc3: {  	(tm) =	ssettm $0x7FFFFFFF  }
tec
execute0_lowered:
.L_overlay_start_1:
0x0: {  	(tag) =	ssettag $0x1  }
0x1: {  	s6 =	rddreg [dreg:$0x0]  }
0x2: {  	s7 =	rddreg [dreg:$0x1]  }
0x3: {  	s1 =	rddreg [dreg:$0x2];
	s2 =	srdreg.scid;
	s3 =	simm.s32 $0x0  }
0x4: {  	s0 =	stileid.u32;
	s18 =	simm.s32 $0x50;
	s19 =	simm.s32 $0x6780  }
0x5: {  	s20 =	simm.s32 $0x8F80;
	s21 =	simm.s32 $0x1;
	s22 =	simm.s32 $0x2  }
0x6: {  	s23 =	simm.s32 $0x6480;
	s28 =	simm.s32 $0x0;
	s8 =	sand.u32 $0x1, s2  }
0x7: {  	[smem:$0x7FF] =	sst s3;
	s11 =	sshll.u32 s0, $0x7;
	s12 =	smul.u32 $0x4F000, s0  }
0x8: {  	s14 =	smul.u32 $0x13C00, s0;
	s15 =	sadd.s32 $0x3CE00, s6;
	s16 =	sadd.s32 $0x128400, s1  }
0x9: {  	p0 =	seq.s32 s0, $0xF;
	s4 =	sshll.u32 s8, $0x4;
	_ =	strace $0x80000050  }
0xa: {  	s11 =	sand.u32 $0x380, s11;
	s13 =	ssub.s32 $0x2, s8;
	s8 =	smul.u32 $0x138800, s8  }
0xb: {  	s5 =	sor.u32 s0, s4;
	s4 =	sadd.s32 $0x15C00, s6;
	s24 =	sshrl.u32 s13, $0x1  }
0xc: {  	s25 =	sshrl.u32 s12, $0x2;
	s12 =	simm.s32 $0x400;
	s9 =	sshll.u32 s5, $0xB  }
0xd: {  	s5 =	sshrl.u32 s5, $0x3;
	s26 =	sadd.s32 s14, s8;
	s17 =	sadd.s32 s25, s1  }
0xe: {  	s30 =	sshrl.u32 s8, $0x3;
	s14 =	simm.s32 $0x2780;
	s25 =	simm.s32 $0x6500  }
0xf: {  	s9 =	sadd.s32 s9, s6;
	s10 =	smul.u32 $0x13C00, s5;
	s5 =	sadd.s32 $0x13400, s6  }
0x10: {  	s29 =	sshrl.u32 s26, $0x3;
	s31 =	sadd.s32 s15, s30;
	s17 =	sshrl.u32 @!p0 s17, $0x3  }
0x11: {  	s26 =	simm.s32 $0x6580;
	s8 =	sadd.s32 s15, s29;
	s15 =	sshrl.u32 @p0 s16, $0x3  }
0x12: {  	s16 =	sshll.u32 @!p0 s0, $0x6;
	s10 =	sor.u32 s11, s10;
	s11 =	ssub.s32 s13, s24  }
0x13: {  	s13 =	simm.s32 $0x3;
	s16 =	sor.u32 @!p0 $0x1C03, s16;
	s10 =	sshrl.u32 s10, $0x3  }
0x14: {  	s24 =	simm.s32 $0x26C0;
	s6 =	sadd.s32 s7, s10;
	s7 =	sadd.s32 $0x3400, s9  }
0x15: {  	s9 =	sadd.s32 $0x25080, s31;
	s10 =	smax.u32 s11, $0x1;
	s11 =	simm.s32 $0x80  }
.LBB2_1:
0x16: {  	[tilespmem:s3], [sflag:$0x3] =	stream.strided.gather [hbm4b:s6+s11], $0x2780, s12, s11, $0x38;
	[tilespmem:$0x1F000] =	vst v63  }
0x17: {  	_ =	swait.ge [sflag:s13], $0x2780  }
0x18: {  	[sflag:s13] =	ssyncset.done $0x0  }
0x19: {  	[sflag:s13] =	ssyncadd.s32 $0xFFFFD880  }
0x1a: {  	[tilespmem:s14], [sflag:$0x3] =	stream.linear.gather [hbm4b:s7+s3], $0x3E80, $0x38;
	[tilespmem:$0x1F000] =	vst v63  }
0x1b: {  	_ =	swait.ge [sflag:s13], $0x3E80  }
0x1c: {  	[sflag:s13] =	ssyncset.done $0x0  }
0x1d: {  	s29 =	simm.s32 @p0 $0x1FC3;
	[sflag:s13] =	ssyncadd.s32 $0xFFFFC180  }
0x1e: {  	[spmem:s15], [sflag:s29] =	dma.local @p0 [hbm:s5], $0x2080  }
0x1f: {  	s29 =	simm.s32 @p0 $0x3  }
0x20: {  	_ =	swait.ge @p0 [sflag:s29], $0x2080  }
0x21: {  	[sflag:s29] =	ssyncset.done @p0 $0x0  }
0x22: {  	[sflag:s29] =	ssyncadd.s32 @p0 $0xFFFFDF80;
	s29 =	simm.s32 @!p0 $0x3  }
0x23: {  	[spmem:s17], [sflag:s16] =	dma.local @!p0 [hbm:s5], $0x2780  }
0x24: {  	_ =	swait.ge @!p0 [sflag:s29], $0x2780  }
0x25: {  	[sflag:s29] =	ssyncset.done @!p0 $0x0  }
0x26: {  	[sflag:s29] =	ssyncadd.s32 @!p0 $0xFFFFD880  }
0x27: {  	[bflag:$0x0] =	sbarrier.arrive $0xFFFF  }
0x28: {  	[tilespmem:s19], [sflag:$0x1] =	stream.indirect.gather [hbm4b:s4+s18], $0x80, s3, s18, $0xb8;
	[tilespmem:$0x1F000] =	vst v63  }
0x29: {  	_ = 	snop  }
0x2a: {  	[tilespmem:s20], [sflag:$0x2] =	stream.indirect.gather [hbm4b:s4+s18], $0x80, s18, s18, $0xb8;
	[tilespmem:$0x1F000] =	vst v63  }
0x2b: {  	_ =	swait.ge [sflag:s21], $0x2800  }
0x2c: {  	[sflag:s21] =	ssyncset.done $0x0  }
0x2d: {  	s29 =	simm.s32 $0x2780;
	[sflag:s21] =	ssyncadd.s32 $0xFFFFD800  }
0x2e: {  	[spmem:s1] =	stream.indirect.scatter.add.f32 [tilespmem:s19], [sflag:$0x3], $0x80, s29, s18, $0xb8;
	[tilespmem:$0x1F000] =	vst v63  }
0x2f: {  	_ =	swait.ge [sflag:s13], $0x2800  }
0x30: {  	[sflag:s13] =	ssyncset.done $0x0  }
0x31: {  	s29 =	simm.s32 $0xA0;
	[sflag:s13] =	ssyncadd.s32 $0xFFFFD800  }
0x32: {  	[tilespmem:s19], [sflag:$0x1] =	stream.indirect.gather [hbm4b:s4+s18], $0x80, s29, s18, $0xb8;
	[tilespmem:$0x1F000] =	vst v63  }
0x33: {  	_ =	swait.ge [sflag:s22], $0x2800  }
0x34: {  	[sflag:s22] =	ssyncset.done $0x0  }
0x35: {  	s29 =	simm.s32 $0x2800;
	[sflag:s22] =	ssyncadd.s32 $0xFFFFD800  }
0x36: {  	[spmem:s1] =	stream.indirect.scatter.add.f32 [tilespmem:s20], [sflag:$0x3], $0x80, s29, s18, $0xb8;
	[tilespmem:$0x1F000] =	vst v63  }
0x37: {  	_ =	swait.ge [sflag:s13], $0x2800  }
0x38: {  	s30 =	simm.s32 $0x400;
	[sflag:s13] =	ssyncset.done $0x0  }
0x39: {  	s31 =	simm.s32 $0x190;
	s29 =	simm.s32 $0xF0;
	[sflag:s13] =	ssyncadd.s32 $0xFFFFD800  }
.LBB2_2:
0x3a: {  	[tilespmem:s20], [sflag:$0x2] =	stream.indirect.gather [hbm4b:s4+s18], $0x80, s29, s18, $0xb8;
	[tilespmem:$0x1F000] =	vst v63  }
0x3b: {  	s0 =	smov.u32 s30;
	s29 =	smov.u32 s31  }
0x3c: {  	p1 =	sne.s32 s30, $0xF000;
	s30 =	sadd.s32 $0x400, s30;
	_ =	swait.ge [sflag:s21], $0x2800  }
0x3d: {  	s0 =	sshra.s32 s0, $0x2;
	[sflag:s21] =	ssyncset.done $0x0  }
0x3e: {  	s2 =	sadd.s32 $0x2780, s0;
	[sflag:s21] =	ssyncadd.s32 $0xFFFFD800  }
0x3f: {  	[spmem:s1] =	stream.indirect.scatter.add.f32 [tilespmem:s19], [sflag:$0x3], $0x80, s2, s18, $0xb8;
	[tilespmem:$0x1F000] =	vst v63  }
0x40: {  	_ =	swait.ge [sflag:s13], $0x2800  }
0x41: {  	[sflag:s13] =	ssyncset.done $0x0  }
0x42: {  	s2 =	sadd.s32 $0xFFFFFFB0, s31;
	[sflag:s13] =	ssyncadd.s32 $0xFFFFD800  }
0x43: {  	[tilespmem:s19], [sflag:$0x1] =	stream.indirect.gather [hbm4b:s4+s18], $0x80, s2, s18, $0xb8;
	[tilespmem:$0x1F000] =	vst v63  }
0x44: {  	_ =	swait.ge [sflag:s22], $0x2800  }
0x45: {  	[sflag:s22] =	ssyncset.done $0x0  }
.Ltmp0:
0x46: {  	s0 =	sadd.s32 $0x2800, s0;
	[sflag:s22] =	ssyncadd.s32 $0xFFFFD800;
	(pc) =	sbr.rel @p1 .LBB2_2-.Ltmp0, $4  }
0x47: {  	[spmem:s1] =	stream.indirect.scatter.add.f32 [tilespmem:s20], [sflag:$0x3], $0x80, s0, s18, $0xb8;
	[tilespmem:$0x1F000] =	vst v63  }
0x48: {  	_ =	swait.ge [sflag:s13], $0x2800  }
0x49: {  	[sflag:s13] =	ssyncset.done $0x0  }
0x4a: {  	s31 =	sadd.s32 $0xA0, s31;
	[sflag:s13] =	ssyncadd.s32 $0xFFFFD800  }
0x4b: {  	[tilespmem:s20], [sflag:$0x2] =	stream.indirect.gather [hbm4b:s4+s18], $0x80, s29, s18, $0xb8;
	[tilespmem:$0x1F000] =	vst v63  }
0x4c: {  	_ =	swait.ge [sflag:s21], $0x2800  }
0x4d: {  	[sflag:s21] =	ssyncset.done $0x0  }
0x4e: {  	[sflag:s21] =	ssyncadd.s32 $0xFFFFD800  }
0x4f: {  	[spmem:s1] =	stream.indirect.scatter.add.f32 [tilespmem:s19], [sflag:$0x3], $0x80, s23, s18, $0xb8;
	[tilespmem:$0x1F000] =	vst v63  }
0x50: {  	_ =	swait.ge [sflag:s13], $0x2800  }
0x51: {  	[sflag:s13] =	ssyncset.done $0x0  }
0x52: {  	[sflag:s13] =	ssyncadd.s32 $0xFFFFD800  }
0x53: {  	[tilespmem:s19], [sflag:$0x1] =	stream.indirect.gather [hbm4b:s4+s18], $0x80, s24, s18, $0xb8;
	[tilespmem:$0x1F000] =	vst v63  }
0x54: {  	_ =	swait.ge [sflag:s22], $0x2800  }
0x55: {  	[sflag:s22] =	ssyncset.done $0x0  }
0x56: {  	[sflag:s22] =	ssyncadd.s32 $0xFFFFD800  }
0x57: {  	[spmem:s1] =	stream.indirect.scatter.add.f32 [tilespmem:s20], [sflag:$0x3], $0x80, s25, s18, $0xb8;
	[tilespmem:$0x1F000] =	vst v63  }
0x58: {  	_ =	swait.ge [sflag:s13], $0x2800  }
0x59: {  	[sflag:s13] =	ssyncset.done $0x0  }
0x5a: {  	[sflag:s13] =	ssyncadd.s32 $0xFFFFD800  }
0x5b: {  	_ =	swait.ge [sflag:s21], $0x2800  }
0x5c: {  	[sflag:s21] =	ssyncset.done $0x0  }
0x5d: {  	[sflag:s21] =	ssyncadd.s32 $0xFFFFD800  }
0x5e: {  	[spmem:s1] =	stream.indirect.scatter.add.f32 [tilespmem:s19], [sflag:$0x3], $0x80, s26, s18, $0xb8;
	[tilespmem:$0x1F000] =	vst v63  }
0x5f: {  	_ =	swait.ge [sflag:s13], $0x2800  }
0x60: {  	[sflag:s13] =	ssyncset.done $0x0  }
0x61: {  	[sflag:s13] =	ssyncadd.s32 $0xFFFFD800  }
0x62: {  	s0 =	simm.s32 @p0 $0x1FC3;
	[bflag:$0x0] =	sbarrier.arrive $0xFFFF  }
0x63: {  	[hbm:s9], [sflag:s0] =	dma.local @p0 [spmem:s15], $0x2080  }
0x64: {  	s0 =	simm.s32 @p0 $0x3  }
0x65: {  	s28 =	sadd.s32 $0x1, s28;
	_ =	swait.ge @p0 [sflag:s0], $0x2080  }
0x66: {  	p1 =	sne.s32 s28, s10;
	[sflag:s0] =	ssyncset.done @p0 $0x0  }
.Ltmp1:
0x67: {  	[sflag:s0] =	ssyncadd.s32 @p0 $0xFFFFDF80;
	s0 =	simm.s32 @!p0 $0x3;
	(pc) =	sbr.rel @p1 .LBB2_1-.Ltmp1, $4  }
0x68: {  	[hbm:s8], [sflag:s16] =	dma.local @!p0 [spmem:s17], $0x2780  }
0x69: {  	_ =	swait.ge @!p0 [sflag:s0], $0x2780  }
0x6a: {  	[sflag:s0] =	ssyncset.done @!p0 $0x0  }
0x6b: {  	[sflag:s0] =	ssyncadd.s32 @!p0 $0xFFFFD880  }
0x6c: {  	_ =	sfence.sel $0x180000  }
0x6d: {  	[bflag:$0x0] =	sbarrier.arrive $0xFFFF  }
0x6e: {  	_ =	strace $0x90000050  }
0x6f: {  	s0 =	stileid.u32;
	[bflag:$0x2] =	sbarrier.arrive $0xFFFF  }
0x70: {  	p0 =	sne.s32 s0, $0x0;
	s0 =	rddreg [dreg:$0x3]  }
0x71: {  	s0 =	sadd.s32 @!p0 $0x100000, s0  }
0x72: {  	[sflag:s0] =	ssyncadd.tile.s32 @!p0 $0x1;
	_ =	shalt  }
.Lfunc_end2:
_tile_overlayer_lowered:
.L_overlay_start_2:
0x73: {  	(tag) =	ssettag $0x2  }
0x74: {  	s0 =	rddreg [dreg:$0x0];
	s2 =	stileid.u32  }
0x75: {  	s1 =	rddreg [dreg:$0x1];
	p0 =	sne.s32 s2, $0x0  }
0x76: {  	s3 =	rddreg [dreg:$0x2];
	[bflag:$0x3] =	sbarrier.arrive $0xFFFF;
	s2 =	simm.s32 @!p0 $0x1C03  }
0x77: {  	[timem:s3], [sflag:s2] =	dma.local @!p0 [hbm:s0], s1  }
0x78: {  	s0 =	simm.s32 @!p0 $0x3  }
0x79: {  	_ =	swait.ge @!p0 [sflag:s0], s1  }
0x7a: {  	s1 =	ssub.s32 @!p0 $0x0, s1;
	[sflag:s0] =	ssyncset.done @!p0 $0x0  }
0x7b: {  	[sflag:s0] =	ssyncadd.s32 @!p0 s1  }
0x7c: {  	[bflag:$0x3] =	sbarrier.arrive $0xFFFF  }
0x7d: {  	_ =	shalt  }

</sc_bundles>
